<compile_context>
chip_gen: v7x
topology: tpu7x:2x2x1
jax: 0.10.2.dev20260603
libtpu: 0.0.44.dev20260713+nightly
codegen_flags: <defaults>
</compile_context>

<pallas_src>
import functools

import jax
import jax.numpy as jnp
from jax import lax
from jax.experimental import pallas as pl
from jax.experimental.pallas import tpu as pltpu
from jax.experimental.pallas import tpu_sc as plsc

_NBUF = 8
_OFF = 4


@functools.lru_cache(maxsize=None)
def _sc_concat_gather(n_batch: int, seq: int, hidden: int):
    info = plsc.get_sparse_core_info()
    nc, ns = info.num_cores, info.num_subcores
    nw = nc * ns
    assert n_batch % (nw * _NBUF) == 0
    bat_w = n_batch // nw
    n_groups = bat_w // _NBUF

    mesh = plsc.VectorSubcoreMesh(core_axis_name="c", subcore_axis_name="s")

    @functools.partial(
        pl.kernel,
        mesh=mesh,
        out_type=jax.ShapeDtypeStruct((n_batch, seq, 2 * hidden), jnp.float32),
        scratch_types=[
            pltpu.VMEM((bat_w, seq), jnp.int32),
            pltpu.VMEM((_NBUF, seq, 2 * hidden), jnp.float32),
        ]
        + [pltpu.SemaphoreType.DMA] * (3 * _NBUF),
    )
    def k(emb_hbm, ids_hbm, table_hbm, out_hbm, idx_v, bufs, *sems):
        sem_g = sems[:_NBUF]
        sem_e = sems[_NBUF : 2 * _NBUF]
        sem_s = sems[2 * _NBUF :]
        wid = lax.axis_index("s") * nc + lax.axis_index("c")
        base = wid * bat_w

        pltpu.sync_copy(ids_hbm.at[pl.ds(base, bat_w)], idx_v)

        def gather(j, b):
            return pltpu.make_async_copy(
                table_hbm.at[idx_v.at[j]],
                bufs.at[b, :, pl.ds(hidden, hidden)],
                sem_g[b],
            )

        def emb_in(j, b):
            return pltpu.make_async_copy(
                emb_hbm.at[base + j],
                bufs.at[b, :, pl.ds(0, hidden)],
                sem_e[b],
            )

        def store(j, b):
            return pltpu.make_async_copy(
                bufs.at[b],
                out_hbm.at[base + j],
                sem_s[b],
            )

        def group(g, carry):
            for b in range(_NBUF):
                t = g * _NBUF + b
                @pl.when(g >= 1)
                def _():
                    store(t - _NBUF, b).wait()

                gather(t, b).start()
                emb_in(t, b).start()
                u = t - _OFF
                bb = (b - _OFF) % _NBUF

                @pl.when(u >= 0)
                def _():
                    gather(u, bb).wait()
                    emb_in(u, bb).wait()
                    store(u, bb).start()

            return carry

        lax.fori_loop(0, n_groups, group, 0)

        for u in range(bat_w - _OFF, bat_w):
            bb = u % _NBUF
            gather(u, bb).wait()
            emb_in(u, bb).wait()
            store(u, bb).start()
        for u in range(bat_w - _NBUF, bat_w):
            bb = u % _NBUF
            store(u, bb).wait()

    return k


def kernel(batch_mention_emb, mention_type_ids, embedding_table):
    b, l, h = batch_mention_emb.shape
    ids = mention_type_ids.astype(jnp.int32)
    return _sc_concat_gather(b, l, h)(batch_mention_emb, ids, embedding_table)

# --- scband reference (transcript-rebuilt; emitter-appended) ---
"""Pipeline reference for scband-mention-type-concat-encoder-32873679683910 (READ-ONLY COPY).

The authoritative reference and input builder live on the scoring server;
editing this copy changes nothing except your own understanding.
"""

import jax, jax.numpy as jnp
import numpy as np

HIDDEN = 128
NUM_TYPES = 1000
B, L = 4096, 50

def setup_inputs(seed: int = 0) -> dict:
    key = jax.random.key(seed)
    k1, k2, k3 = jax.random.split(key, 3)
    batch_mention_emb = jax.random.normal(k1, (B, L, HIDDEN), dtype=jnp.float32)
    mention_type_ids = jax.random.randint(k2, (B, L), 0, NUM_TYPES, dtype=jnp.int64)
    embedding_table = jax.random.normal(k3, (NUM_TYPES, HIDDEN), dtype=jnp.float32)
    return {"batch_mention_emb": batch_mention_emb, "mention_type_ids": mention_type_ids, "embedding_table": embedding_table}

def reference(batch_mention_emb, mention_type_ids, embedding_table):
    # nn.Embedding lookup -> gather rows of table
    type_emb = jnp.take(embedding_table, mention_type_ids, axis=0)
    out = jnp.concatenate([batch_mention_emb, type_emb], axis=-1)
    # dropout is identity in eval mode
    return out

if __name__ == "__main__":
    import jax
    _d = setup_inputs()
    print(jax.jit(kernel)(*tuple(_d.values())))

</pallas_src>

<mosaic_0001>
#map = affine_map<(d0, d1) -> (0, 0, 0)>
#map1 = affine_map<(d0, d1) -> (0, 0)>
module attributes {stable_mosaic.version = 14 : i64} {
  func.func @k(%arg0: i32, %arg1: i32, %arg2: memref<4096x50x128xf32, #tpu.memory_space<hbm>>, %arg3: memref<4096x50xi32, #tpu.memory_space<hbm>>, %arg4: memref<1000x128xf32, #tpu.memory_space<hbm>>, %arg5: memref<4096x50x256xf32, #tpu.memory_space<hbm>>, %arg6: memref<128x50xi32, #tpu.memory_space<vmem>>, %arg7: memref<8x50x256xf32, #tpu.memory_space<vmem>>, %arg8: memref<!tpu.dma_semaphore, #tpu.memory_space<semaphore_mem>>, %arg9: memref<!tpu.dma_semaphore, #tpu.memory_space<semaphore_mem>>, %arg10: memref<!tpu.dma_semaphore, #tpu.memory_space<semaphore_mem>>, %arg11: memref<!tpu.dma_semaphore, #tpu.memory_space<semaphore_mem>>, %arg12: memref<!tpu.dma_semaphore, #tpu.memory_space<semaphore_mem>>, %arg13: memref<!tpu.dma_semaphore, #tpu.memory_space<semaphore_mem>>, %arg14: memref<!tpu.dma_semaphore, #tpu.memory_space<semaphore_mem>>, %arg15: memref<!tpu.dma_semaphore, #tpu.memory_space<semaphore_mem>>, %arg16: memref<!tpu.dma_semaphore, #tpu.memory_space<semaphore_mem>>, %arg17: memref<!tpu.dma_semaphore, #tpu.memory_space<semaphore_mem>>, %arg18: memref<!tpu.dma_semaphore, #tpu.memory_space<semaphore_mem>>, %arg19: memref<!tpu.dma_semaphore, #tpu.memory_space<semaphore_mem>>, %arg20: memref<!tpu.dma_semaphore, #tpu.memory_space<semaphore_mem>>, %arg21: memref<!tpu.dma_semaphore, #tpu.memory_space<semaphore_mem>>, %arg22: memref<!tpu.dma_semaphore, #tpu.memory_space<semaphore_mem>>, %arg23: memref<!tpu.dma_semaphore, #tpu.memory_space<semaphore_mem>>, %arg24: memref<!tpu.dma_semaphore, #tpu.memory_space<semaphore_mem>>, %arg25: memref<!tpu.dma_semaphore, #tpu.memory_space<semaphore_mem>>, %arg26: memref<!tpu.dma_semaphore, #tpu.memory_space<semaphore_mem>>, %arg27: memref<!tpu.dma_semaphore, #tpu.memory_space<semaphore_mem>>, %arg28: memref<!tpu.dma_semaphore, #tpu.memory_space<semaphore_mem>>, %arg29: memref<!tpu.dma_semaphore, #tpu.memory_space<semaphore_mem>>, %arg30: memref<!tpu.dma_semaphore, #tpu.memory_space<semaphore_mem>>, %arg31: memref<!tpu.dma_semaphore, #tpu.memory_space<semaphore_mem>>) attributes {dimension_semantics = [#tpu.dimension_semantics<core_parallel>, #tpu.dimension_semantics<subcore_parallel>], iteration_bounds = array<i64: 2, 16>, scalar_prefetch = 0 : i64, scratch_operands = 26 : i64, tpu.core_type = #tpu.core_type<sc_vector_subcore>, window_params = [{transform_indices = #map}, {transform_indices = #map1}, {transform_indices = #map1}, {transform_indices = #map}]} {
    %mul3A = arith.constant 2 : i32
    %mul3A_0 = arith.muli %arg1, %mul3A : i32
    %add3A = arith.addi %mul3A_0, %arg0 : i32
    %mul3A_1 = arith.constant 128 : i32
    %mul3A_2 = arith.muli %add3A, %mul3A_1 : i32
    "tpu.region"() ({
      %run_scoped3A = tpu.sem_alloc : memref<!tpu.dma_semaphore, #tpu.memory_space<semaphore_mem>>
      %dma_start3A_358 = arith.constant 0 : i32
      %dma_start3A_359 = tpu.memref_slice %arg3[%mul3A_2, %dma_start3A_358] : memref<4096x50xi32, #tpu.memory_space<hbm>> -> memref<128x50xi32, #tpu.memory_space<hbm>>
      %dma_start3A_360 = arith.constant 0 : i32
      %dma_start3A_361 = tpu.memref_slice %arg3[%mul3A_2, %dma_start3A_360] : memref<4096x50xi32, #tpu.memory_space<hbm>> -> memref<128x50xi32, #tpu.memory_space<hbm>>
      tpu.enqueue_dma source(%dma_start3A_361 : memref<128x50xi32, #tpu.memory_space<hbm>>) target(%arg6 : memref<128x50xi32, #tpu.memory_space<vmem>>) target_semaphore(%run_scoped3A : memref<!tpu.dma_semaphore, #tpu.memory_space<semaphore_mem>>)
      %dma_wait3A_362 = arith.constant 0 : i32
      %dma_wait3A_363 = tpu.memref_slice %arg3[%mul3A_2, %dma_wait3A_362] : memref<4096x50xi32, #tpu.memory_space<hbm>> -> memref<128x50xi32, #tpu.memory_space<hbm>>
      %dma_wait3A_364 = arith.constant 0 : i32
      %dma_wait3A_365 = tpu.memref_slice %arg3[%mul3A_2, %dma_wait3A_364] : memref<4096x50xi32, #tpu.memory_space<hbm>> -> memref<128x50xi32, #tpu.memory_space<hbm>>
      tpu.wait_dma2 semaphore(%run_scoped3A : memref<!tpu.dma_semaphore, #tpu.memory_space<semaphore_mem>>) src(%dma_wait3A_365 : memref<128x50xi32, #tpu.memory_space<hbm>>) dst(%arg6 : memref<128x50xi32, #tpu.memory_space<vmem>>)
      tpu.yield
    }) : () -> ()
    %scan3A = arith.constant 0 : i32
    %scan3A_3 = arith.constant 0 : i32
    %scan3A_4 = arith.constant 16 : i32
    %scan3A_5 = arith.addi %scan3A_3, %scan3A_4 : i32
    %scan3A_6 = arith.constant 1 : i32
    scf.for %scan3A_358 = %scan3A_3 to %scan3A_5 step %scan3A_6  : i32 {
      %mul3A_359 = arith.constant 8 : i32
      %mul3A_360 = arith.muli %scan3A_358, %mul3A_359 : i32
      %add3A_361 = arith.constant 0 : i32
      %add3A_362 = arith.addi %mul3A_360, %add3A_361 : i32
      %ge3A = arith.constant 1 : i32
      %ge3A_363 = arith.cmpi sge, %scan3A_358, %ge3A : i32
      %convert_element_type3A = arith.extui %ge3A_363 : i1 to i32
      %cond3A = arith.constant 0 : i32
      %cond3A_364 = arith.cmpi ne, %convert_element_type3A, %cond3A : i32
      scf.if %cond3A_364 {
        %sub3A_715 = arith.constant 8 : i32
        %sub3A_716 = arith.subi %add3A_362, %sub3A_715 : i32
        %add3A_717 = arith.addi %mul3A_2, %sub3A_716 : i32
        %dma_wait3A_718 = arith.constant 0 : i32
        %dma_wait3A_719 = arith.constant 0 : i32
        %dma_wait3A_720 = arith.constant 0 : i32
        %dma_wait3A_721 = tpu.memref_slice %arg7[%dma_wait3A_718, %dma_wait3A_719, %dma_wait3A_720] : memref<8x50x256xf32, #tpu.memory_space<vmem>> -> memref<1x50x256xf32, #tpu.memory_space<vmem>>
        %dma_wait3A_722 = tpu.memref_squeeze %dma_wait3A_721 : memref<1x50x256xf32, #tpu.memory_space<vmem>> -> memref<50x256xf32, #tpu.memory_space<vmem>>
        %dma_wait3A_723 = arith.constant 0 : i32
        %dma_wait3A_724 = arith.constant 0 : i32
        %dma_wait3A_725 = tpu.memref_slice %arg5[%add3A_717, %dma_wait3A_723, %dma_wait3A_724] : memref<4096x50x256xf32, #tpu.memory_space<hbm>> -> memref<1x50x256xf32, #tpu.memory_space<hbm>>
        %dma_wait3A_726 = tpu.memref_squeeze %dma_wait3A_725 : memref<1x50x256xf32, #tpu.memory_space<hbm>> -> memref<50x256xf32, #tpu.memory_space<hbm>>
        %dma_wait3A_727 = arith.constant 0 : i32
        %dma_wait3A_728 = arith.constant 0 : i32
        %dma_wait3A_729 = tpu.memref_slice %arg5[%add3A_717, %dma_wait3A_727, %dma_wait3A_728] : memref<4096x50x256xf32, #tpu.memory_space<hbm>> -> memref<1x50x256xf32, #tpu.memory_space<hbm>>
        %dma_wait3A_730 = tpu.memref_squeeze %dma_wait3A_729 : memref<1x50x256xf32, #tpu.memory_space<hbm>> -> memref<50x256xf32, #tpu.memory_space<hbm>>
        %dma_wait3A_731 = arith.constant 0 : i32
        %dma_wait3A_732 = arith.constant 0 : i32
        %dma_wait3A_733 = tpu.memref_slice %arg7[%dma_wait3A_718, %dma_wait3A_731, %dma_wait3A_732] : memref<8x50x256xf32, #tpu.memory_space<vmem>> -> memref<1x50x256xf32, #tpu.memory_space<vmem>>
        %dma_wait3A_734 = tpu.memref_squeeze %dma_wait3A_733 : memref<1x50x256xf32, #tpu.memory_space<vmem>> -> memref<50x256xf32, #tpu.memory_space<vmem>>
        tpu.wait_dma2 semaphore(%arg24 : memref<!tpu.dma_semaphore, #tpu.memory_space<semaphore_mem>>) src(%dma_wait3A_734 : memref<50x256xf32, #tpu.memory_space<vmem>>) dst(%dma_wait3A_730 : memref<50x256xf32, #tpu.memory_space<hbm>>)
      } else {
      }
      %dma_start3A_365 = arith.constant 0 : i32
      %dma_start3A_366 = arith.constant 0 : i32
      %dma_start3A_367 = arith.constant 128 : i32
      %dma_start3A_368 = tpu.memref_slice %arg7[%dma_start3A_365, %dma_start3A_366, %dma_start3A_367] : memref<8x50x256xf32, #tpu.memory_space<vmem>> -> memref<1x50x128xf32, #tpu.memory_space<vmem>>
      %dma_start3A_369 = tpu.memref_squeeze %dma_start3A_368 : memref<1x50x128xf32, #tpu.memory_space<vmem>> -> memref<50x128xf32, #tpu.memory_space<vmem>>
      %dma_start3A_370 = arith.constant 0 : i32
      %dma_start3A_371 = tpu.memref_slice %arg6[%add3A_362, %dma_start3A_370] : memref<128x50xi32, #tpu.memory_space<vmem>> -> memref<1x50xi32, #tpu.memory_space<vmem>>
      %dma_start3A_372 = tpu.memref_squeeze %dma_start3A_371 : memref<1x50xi32, #tpu.memory_space<vmem>> -> memref<50xi32, #tpu.memory_space<vmem>>
      %dma_start3A_373 = arith.constant 0 : i32
      %dma_start3A_374 = arith.constant 0 : i32
      %dma_start3A_375 = tpu.memref_slice %arg4[%dma_start3A_373, %dma_start3A_374] : memref<1000x128xf32, #tpu.memory_space<hbm>> -> memref<1000x128xf32, #tpu.memory_space<hbm>>
      tpu.enqueue_indirect_dma source(%dma_start3A_375 : memref<1000x128xf32, #tpu.memory_space<hbm>>) target(%dma_start3A_369 : memref<50x128xf32, #tpu.memory_space<vmem>>) offsets(%dma_start3A_372 : memref<50xi32, #tpu.memory_space<vmem>>) semaphore(%arg8 : memref<!tpu.dma_semaphore, #tpu.memory_space<semaphore_mem>>)
      %add3A_376 = arith.addi %mul3A_2, %add3A_362 : i32
      %dma_start3A_377 = arith.constant 0 : i32
      %dma_start3A_378 = arith.constant 0 : i32
      %dma_start3A_379 = arith.constant 0 : i32
      %dma_start3A_380 = tpu.memref_slice %arg7[%dma_start3A_377, %dma_start3A_378, %dma_start3A_379] : memref<8x50x256xf32, #tpu.memory_space<vmem>> -> memref<1x50x128xf32, #tpu.memory_space<vmem>>
      %dma_start3A_381 = tpu.memref_squeeze %dma_start3A_380 : memref<1x50x128xf32, #tpu.memory_space<vmem>> -> memref<50x128xf32, #tpu.memory_space<vmem>>
      %dma_start3A_382 = arith.constant 0 : i32
      %dma_start3A_383 = arith.constant 0 : i32
      %dma_start3A_384 = tpu.memref_slice %arg2[%add3A_376, %dma_start3A_382, %dma_start3A_383] : memref<4096x50x128xf32, #tpu.memory_space<hbm>> -> memref<1x50x128xf32, #tpu.memory_space<hbm>>
      %dma_start3A_385 = tpu.memref_squeeze %dma_start3A_384 : memref<1x50x128xf32, #tpu.memory_space<hbm>> -> memref<50x128xf32, #tpu.memory_space<hbm>>
      %dma_start3A_386 = arith.constant 0 : i32
      %dma_start3A_387 = arith.constant 0 : i32
      %dma_start3A_388 = tpu.memref_slice %arg7[%dma_start3A_377, %dma_start3A_386, %dma_start3A_387] : memref<8x50x256xf32, #tpu.memory_space<vmem>> -> memref<1x50x128xf32, #tpu.memory_space<vmem>>
      %dma_start3A_389 = tpu.memref_squeeze %dma_start3A_388 : memref<1x50x128xf32, #tpu.memory_space<vmem>> -> memref<50x128xf32, #tpu.memory_space<vmem>>
      %dma_start3A_390 = arith.constant 0 : i32
      %dma_start3A_391 = arith.constant 0 : i32
      %dma_start3A_392 = tpu.memref_slice %arg2[%add3A_376, %dma_start3A_390, %dma_start3A_391] : memref<4096x50x128xf32, #tpu.memory_space<hbm>> -> memref<1x50x128xf32, #tpu.memory_space<hbm>>
      %dma_start3A_393 = tpu.memref_squeeze %dma_start3A_392 : memref<1x50x128xf32, #tpu.memory_space<hbm>> -> memref<50x128xf32, #tpu.memory_space<hbm>>
      tpu.enqueue_dma source(%dma_start3A_393 : memref<50x128xf32, #tpu.memory_space<hbm>>) target(%dma_start3A_389 : memref<50x128xf32, #tpu.memory_space<vmem>>) target_semaphore(%arg16 : memref<!tpu.dma_semaphore, #tpu.memory_space<semaphore_mem>>)
      %sub3A = arith.constant 4 : i32
      %sub3A_394 = arith.subi %add3A_362, %sub3A : i32
      %ge3A_395 = arith.constant 0 : i32
      %ge3A_396 = arith.cmpi sge, %sub3A_394, %ge3A_395 : i32
      %convert_element_type3A_397 = arith.extui %ge3A_396 : i1 to i32
      %cond3A_398 = arith.constant 0 : i32
      %cond3A_399 = arith.cmpi ne, %convert_element_type3A_397, %cond3A_398 : i32
      scf.if %cond3A_399 {
        %dma_wait3A_715 = arith.constant 4 : i32
        %dma_wait3A_716 = arith.constant 0 : i32
        %dma_wait3A_717 = arith.constant 128 : i32
        %dma_wait3A_718 = tpu.memref_slice %arg7[%dma_wait3A_715, %dma_wait3A_716, %dma_wait3A_717] : memref<8x50x256xf32, #tpu.memory_space<vmem>> -> memref<1x50x128xf32, #tpu.memory_space<vmem>>
        %dma_wait3A_719 = tpu.memref_squeeze %dma_wait3A_718 : memref<1x50x128xf32, #tpu.memory_space<vmem>> -> memref<50x128xf32, #tpu.memory_space<vmem>>
        %dma_wait3A_720 = arith.constant 0 : i32
        %dma_wait3A_721 = tpu.memref_slice %arg6[%sub3A_394, %dma_wait3A_720] : memref<128x50xi32, #tpu.memory_space<vmem>> -> memref<1x50xi32, #tpu.memory_space<vmem>>
        %dma_wait3A_722 = tpu.memref_squeeze %dma_wait3A_721 : memref<1x50xi32, #tpu.memory_space<vmem>> -> memref<50xi32, #tpu.memory_space<vmem>>
        %dma_wait3A_723 = arith.constant 0 : i32
        %dma_wait3A_724 = arith.constant 0 : i32
        %dma_wait3A_725 = tpu.memref_slice %arg4[%dma_wait3A_723, %dma_wait3A_724] : memref<1000x128xf32, #tpu.memory_space<hbm>> -> memref<1000x128xf32, #tpu.memory_space<hbm>>
        tpu.wait_indirect_dma semaphore(%arg12 : memref<!tpu.dma_semaphore, #tpu.memory_space<semaphore_mem>>) src(%dma_wait3A_725 : memref<1000x128xf32, #tpu.memory_space<hbm>>) dst(%dma_wait3A_719 : memref<50x128xf32, #tpu.memory_space<vmem>>)
        %add3A_726 = arith.addi %mul3A_2, %sub3A_394 : i32
        %dma_wait3A_727 = arith.constant 4 : i32
        %dma_wait3A_728 = arith.constant 0 : i32
        %dma_wait3A_729 = arith.constant 0 : i32
        %dma_wait3A_730 = tpu.memref_slice %arg7[%dma_wait3A_727, %dma_wait3A_728, %dma_wait3A_729] : memref<8x50x256xf32, #tpu.memory_space<vmem>> -> memref<1x50x128xf32, #tpu.memory_space<vmem>>
        %dma_wait3A_731 = tpu.memref_squeeze %dma_wait3A_730 : memref<1x50x128xf32, #tpu.memory_space<vmem>> -> memref<50x128xf32, #tpu.memory_space<vmem>>
        %dma_wait3A_732 = arith.constant 0 : i32
        %dma_wait3A_733 = arith.constant 0 : i32
        %dma_wait3A_734 = tpu.memref_slice %arg2[%add3A_726, %dma_wait3A_732, %dma_wait3A_733] : memref<4096x50x128xf32, #tpu.memory_space<hbm>> -> memref<1x50x128xf32, #tpu.memory_space<hbm>>
        %dma_wait3A_735 = tpu.memref_squeeze %dma_wait3A_734 : memref<1x50x128xf32, #tpu.memory_space<hbm>> -> memref<50x128xf32, #tpu.memory_space<hbm>>
        %dma_wait3A_736 = arith.constant 0 : i32
        %dma_wait3A_737 = arith.constant 0 : i32
        %dma_wait3A_738 = tpu.memref_slice %arg7[%dma_wait3A_727, %dma_wait3A_736, %dma_wait3A_737] : memref<8x50x256xf32, #tpu.memory_space<vmem>> -> memref<1x50x128xf32, #tpu.memory_space<vmem>>
        %dma_wait3A_739 = tpu.memref_squeeze %dma_wait3A_738 : memref<1x50x128xf32, #tpu.memory_space<vmem>> -> memref<50x128xf32, #tpu.memory_space<vmem>>
        %dma_wait3A_740 = arith.constant 0 : i32
        %dma_wait3A_741 = arith.constant 0 : i32
        %dma_wait3A_742 = tpu.memref_slice %arg2[%add3A_726, %dma_wait3A_740, %dma_wait3A_741] : memref<4096x50x128xf32, #tpu.memory_space<hbm>> -> memref<1x50x128xf32, #tpu.memory_space<hbm>>
        %dma_wait3A_743 = tpu.memref_squeeze %dma_wait3A_742 : memref<1x50x128xf32, #tpu.memory_space<hbm>> -> memref<50x128xf32, #tpu.memory_space<hbm>>
        tpu.wait_dma2 semaphore(%arg20 : memref<!tpu.dma_semaphore, #tpu.memory_space<semaphore_mem>>) src(%dma_wait3A_743 : memref<50x128xf32, #tpu.memory_space<hbm>>) dst(%dma_wait3A_739 : memref<50x128xf32, #tpu.memory_space<vmem>>)
        %add3A_744 = arith.addi %mul3A_2, %sub3A_394 : i32
        %dma_start3A_745 = arith.constant 4 : i32
        %dma_start3A_746 = arith.constant 0 : i32
        %dma_start3A_747 = arith.constant 0 : i32
        %dma_start3A_748 = tpu.memref_slice %arg7[%dma_start3A_745, %dma_start3A_746, %dma_start3A_747] : memref<8x50x256xf32, #tpu.memory_space<vmem>> -> memref<1x50x256xf32, #tpu.memory_space<vmem>>
        %dma_start3A_749 = tpu.memref_squeeze %dma_start3A_748 : memref<1x50x256xf32, #tpu.memory_space<vmem>> -> memref<50x256xf32, #tpu.memory_space<vmem>>
        %dma_start3A_750 = arith.constant 0 : i32
        %dma_start3A_751 = arith.constant 0 : i32
        %dma_start3A_752 = tpu.memref_slice %arg5[%add3A_744, %dma_start3A_750, %dma_start3A_751] : memref<4096x50x256xf32, #tpu.memory_space<hbm>> -> memref<1x50x256xf32, #tpu.memory_space<hbm>>
        %dma_start3A_753 = tpu.memref_squeeze %dma_start3A_752 : memref<1x50x256xf32, #tpu.memory_space<hbm>> -> memref<50x256xf32, #tpu.memory_space<hbm>>
        %dma_start3A_754 = arith.constant 0 : i32
        %dma_start3A_755 = arith.constant 0 : i32
        %dma_start3A_756 = tpu.memref_slice %arg5[%add3A_744, %dma_start3A_754, %dma_start3A_755] : memref<4096x50x256xf32, #tpu.memory_space<hbm>> -> memref<1x50x256xf32, #tpu.memory_space<hbm>>
        %dma_start3A_757 = tpu.memref_squeeze %dma_start3A_756 : memref<1x50x256xf32, #tpu.memory_space<hbm>> -> memref<50x256xf32, #tpu.memory_space<hbm>>
        %dma_start3A_758 = arith.constant 0 : i32
        %dma_start3A_759 = arith.constant 0 : i32
        %dma_start3A_760 = tpu.memref_slice %arg7[%dma_start3A_745, %dma_start3A_758, %dma_start3A_759] : memref<8x50x256xf32, #tpu.memory_space<vmem>> -> memref<1x50x256xf32, #tpu.memory_space<vmem>>
        %dma_start3A_761 = tpu.memref_squeeze %dma_start3A_760 : memref<1x50x256xf32, #tpu.memory_space<vmem>> -> memref<50x256xf32, #tpu.memory_space<vmem>>
        tpu.enqueue_dma source(%dma_start3A_761 : memref<50x256xf32, #tpu.memory_space<vmem>>) target(%dma_start3A_757 : memref<50x256xf32, #tpu.memory_space<hbm>>) target_semaphore(%arg28 : memref<!tpu.dma_semaphore, #tpu.memory_space<semaphore_mem>>)
      } else {
      }
      %mul3A_400 = arith.constant 8 : i32
      %mul3A_401 = arith.muli %scan3A_358, %mul3A_400 : i32
      %add3A_402 = arith.constant 1 : i32
      %add3A_403 = arith.addi %mul3A_401, %add3A_402 : i32
      %ge3A_404 = arith.constant 1 : i32
      %ge3A_405 = arith.cmpi sge, %scan3A_358, %ge3A_404 : i32
      %convert_element_type3A_406 = arith.extui %ge3A_405 : i1 to i32
      %cond3A_407 = arith.constant 0 : i32
      %cond3A_408 = arith.cmpi ne, %convert_element_type3A_406, %cond3A_407 : i32
      scf.if %cond3A_408 {
        %sub3A_715 = arith.constant 8 : i32
        %sub3A_716 = arith.subi %add3A_403, %sub3A_715 : i32
        %add3A_717 = arith.addi %mul3A_2, %sub3A_716 : i32
        %dma_wait3A_718 = arith.constant 1 : i32
        %dma_wait3A_719 = arith.constant 0 : i32
        %dma_wait3A_720 = arith.constant 0 : i32
        %dma_wait3A_721 = tpu.memref_slice %arg7[%dma_wait3A_718, %dma_wait3A_719, %dma_wait3A_720] : memref<8x50x256xf32, #tpu.memory_space<vmem>> -> memref<1x50x256xf32, #tpu.memory_space<vmem>>
        %dma_wait3A_722 = tpu.memref_squeeze %dma_wait3A_721 : memref<1x50x256xf32, #tpu.memory_space<vmem>> -> memref<50x256xf32, #tpu.memory_space<vmem>>
        %dma_wait3A_723 = arith.constant 0 : i32
        %dma_wait3A_724 = arith.constant 0 : i32
        %dma_wait3A_725 = tpu.memref_slice %arg5[%add3A_717, %dma_wait3A_723, %dma_wait3A_724] : memref<4096x50x256xf32, #tpu.memory_space<hbm>> -> memref<1x50x256xf32, #tpu.memory_space<hbm>>
        %dma_wait3A_726 = tpu.memref_squeeze %dma_wait3A_725 : memref<1x50x256xf32, #tpu.memory_space<hbm>> -> memref<50x256xf32, #tpu.memory_space<hbm>>
        %dma_wait3A_727 = arith.constant 0 : i32
        %dma_wait3A_728 = arith.constant 0 : i32
        %dma_wait3A_729 = tpu.memref_slice %arg5[%add3A_717, %dma_wait3A_727, %dma_wait3A_728] : memref<4096x50x256xf32, #tpu.memory_space<hbm>> -> memref<1x50x256xf32, #tpu.memory_space<hbm>>
        %dma_wait3A_730 = tpu.memref_squeeze %dma_wait3A_729 : memref<1x50x256xf32, #tpu.memory_space<hbm>> -> memref<50x256xf32, #tpu.memory_space<hbm>>
        %dma_wait3A_731 = arith.constant 0 : i32
        %dma_wait3A_732 = arith.constant 0 : i32
        %dma_wait3A_733 = tpu.memref_slice %arg7[%dma_wait3A_718, %dma_wait3A_731, %dma_wait3A_732] : memref<8x50x256xf32, #tpu.memory_space<vmem>> -> memref<1x50x256xf32, #tpu.memory_space<vmem>>
        %dma_wait3A_734 = tpu.memref_squeeze %dma_wait3A_733 : memref<1x50x256xf32, #tpu.memory_space<vmem>> -> memref<50x256xf32, #tpu.memory_space<vmem>>
        tpu.wait_dma2 semaphore(%arg25 : memref<!tpu.dma_semaphore, #tpu.memory_space<semaphore_mem>>) src(%dma_wait3A_734 : memref<50x256xf32, #tpu.memory_space<vmem>>) dst(%dma_wait3A_730 : memref<50x256xf32, #tpu.memory_space<hbm>>)
      } else {
      }
      %dma_start3A_409 = arith.constant 1 : i32
      %dma_start3A_410 = arith.constant 0 : i32
      %dma_start3A_411 = arith.constant 128 : i32
      %dma_start3A_412 = tpu.memref_slice %arg7[%dma_start3A_409, %dma_start3A_410, %dma_start3A_411] : memref<8x50x256xf32, #tpu.memory_space<vmem>> -> memref<1x50x128xf32, #tpu.memory_space<vmem>>
      %dma_start3A_413 = tpu.memref_squeeze %dma_start3A_412 : memref<1x50x128xf32, #tpu.memory_space<vmem>> -> memref<50x128xf32, #tpu.memory_space<vmem>>
      %dma_start3A_414 = arith.constant 0 : i32
      %dma_start3A_415 = tpu.memref_slice %arg6[%add3A_403, %dma_start3A_414] : memref<128x50xi32, #tpu.memory_space<vmem>> -> memref<1x50xi32, #tpu.memory_space<vmem>>
      %dma_start3A_416 = tpu.memref_squeeze %dma_start3A_415 : memref<1x50xi32, #tpu.memory_space<vmem>> -> memref<50xi32, #tpu.memory_space<vmem>>
      %dma_start3A_417 = arith.constant 0 : i32
      %dma_start3A_418 = arith.constant 0 : i32
      %dma_start3A_419 = tpu.memref_slice %arg4[%dma_start3A_417, %dma_start3A_418] : memref<1000x128xf32, #tpu.memory_space<hbm>> -> memref<1000x128xf32, #tpu.memory_space<hbm>>
      tpu.enqueue_indirect_dma source(%dma_start3A_419 : memref<1000x128xf32, #tpu.memory_space<hbm>>) target(%dma_start3A_413 : memref<50x128xf32, #tpu.memory_space<vmem>>) offsets(%dma_start3A_416 : memref<50xi32, #tpu.memory_space<vmem>>) semaphore(%arg9 : memref<!tpu.dma_semaphore, #tpu.memory_space<semaphore_mem>>)
      %add3A_420 = arith.addi %mul3A_2, %add3A_403 : i32
      %dma_start3A_421 = arith.constant 1 : i32
      %dma_start3A_422 = arith.constant 0 : i32
      %dma_start3A_423 = arith.constant 0 : i32
      %dma_start3A_424 = tpu.memref_slice %arg7[%dma_start3A_421, %dma_start3A_422, %dma_start3A_423] : memref<8x50x256xf32, #tpu.memory_space<vmem>> -> memref<1x50x128xf32, #tpu.memory_space<vmem>>
      %dma_start3A_425 = tpu.memref_squeeze %dma_start3A_424 : memref<1x50x128xf32, #tpu.memory_space<vmem>> -> memref<50x128xf32, #tpu.memory_space<vmem>>
      %dma_start3A_426 = arith.constant 0 : i32
      %dma_start3A_427 = arith.constant 0 : i32
      %dma_start3A_428 = tpu.memref_slice %arg2[%add3A_420, %dma_start3A_426, %dma_start3A_427] : memref<4096x50x128xf32, #tpu.memory_space<hbm>> -> memref<1x50x128xf32, #tpu.memory_space<hbm>>
      %dma_start3A_429 = tpu.memref_squeeze %dma_start3A_428 : memref<1x50x128xf32, #tpu.memory_space<hbm>> -> memref<50x128xf32, #tpu.memory_space<hbm>>
      %dma_start3A_430 = arith.constant 0 : i32
      %dma_start3A_431 = arith.constant 0 : i32
      %dma_start3A_432 = tpu.memref_slice %arg7[%dma_start3A_421, %dma_start3A_430, %dma_start3A_431] : memref<8x50x256xf32, #tpu.memory_space<vmem>> -> memref<1x50x128xf32, #tpu.memory_space<vmem>>
      %dma_start3A_433 = tpu.memref_squeeze %dma_start3A_432 : memref<1x50x128xf32, #tpu.memory_space<vmem>> -> memref<50x128xf32, #tpu.memory_space<vmem>>
      %dma_start3A_434 = arith.constant 0 : i32
      %dma_start3A_435 = arith.constant 0 : i32
      %dma_start3A_436 = tpu.memref_slice %arg2[%add3A_420, %dma_start3A_434, %dma_start3A_435] : memref<4096x50x128xf32, #tpu.memory_space<hbm>> -> memref<1x50x128xf32, #tpu.memory_space<hbm>>
      %dma_start3A_437 = tpu.memref_squeeze %dma_start3A_436 : memref<1x50x128xf32, #tpu.memory_space<hbm>> -> memref<50x128xf32, #tpu.memory_space<hbm>>
      tpu.enqueue_dma source(%dma_start3A_437 : memref<50x128xf32, #tpu.memory_space<hbm>>) target(%dma_start3A_433 : memref<50x128xf32, #tpu.memory_space<vmem>>) target_semaphore(%arg17 : memref<!tpu.dma_semaphore, #tpu.memory_space<semaphore_mem>>)
      %sub3A_438 = arith.constant 4 : i32
      %sub3A_439 = arith.subi %add3A_403, %sub3A_438 : i32
      %ge3A_440 = arith.constant 0 : i32
      %ge3A_441 = arith.cmpi sge, %sub3A_439, %ge3A_440 : i32
      %convert_element_type3A_442 = arith.extui %ge3A_441 : i1 to i32
      %cond3A_443 = arith.constant 0 : i32
      %cond3A_444 = arith.cmpi ne, %convert_element_type3A_442, %cond3A_443 : i32
      scf.if %cond3A_444 {
        %dma_wait3A_715 = arith.constant 5 : i32
        %dma_wait3A_716 = arith.constant 0 : i32
        %dma_wait3A_717 = arith.constant 128 : i32
        %dma_wait3A_718 = tpu.memref_slice %arg7[%dma_wait3A_715, %dma_wait3A_716, %dma_wait3A_717] : memref<8x50x256xf32, #tpu.memory_space<vmem>> -> memref<1x50x128xf32, #tpu.memory_space<vmem>>
        %dma_wait3A_719 = tpu.memref_squeeze %dma_wait3A_718 : memref<1x50x128xf32, #tpu.memory_space<vmem>> -> memref<50x128xf32, #tpu.memory_space<vmem>>
        %dma_wait3A_720 = arith.constant 0 : i32
        %dma_wait3A_721 = tpu.memref_slice %arg6[%sub3A_439, %dma_wait3A_720] : memref<128x50xi32, #tpu.memory_space<vmem>> -> memref<1x50xi32, #tpu.memory_space<vmem>>
        %dma_wait3A_722 = tpu.memref_squeeze %dma_wait3A_721 : memref<1x50xi32, #tpu.memory_space<vmem>> -> memref<50xi32, #tpu.memory_space<vmem>>
        %dma_wait3A_723 = arith.constant 0 : i32
        %dma_wait3A_724 = arith.constant 0 : i32
        %dma_wait3A_725 = tpu.memref_slice %arg4[%dma_wait3A_723, %dma_wait3A_724] : memref<1000x128xf32, #tpu.memory_space<hbm>> -> memref<1000x128xf32, #tpu.memory_space<hbm>>
        tpu.wait_indirect_dma semaphore(%arg13 : memref<!tpu.dma_semaphore, #tpu.memory_space<semaphore_mem>>) src(%dma_wait3A_725 : memref<1000x128xf32, #tpu.memory_space<hbm>>) dst(%dma_wait3A_719 : memref<50x128xf32, #tpu.memory_space<vmem>>)
        %add3A_726 = arith.addi %mul3A_2, %sub3A_439 : i32
        %dma_wait3A_727 = arith.constant 5 : i32
        %dma_wait3A_728 = arith.constant 0 : i32
        %dma_wait3A_729 = arith.constant 0 : i32
        %dma_wait3A_730 = tpu.memref_slice %arg7[%dma_wait3A_727, %dma_wait3A_728, %dma_wait3A_729] : memref<8x50x256xf32, #tpu.memory_space<vmem>> -> memref<1x50x128xf32, #tpu.memory_space<vmem>>
        %dma_wait3A_731 = tpu.memref_squeeze %dma_wait3A_730 : memref<1x50x128xf32, #tpu.memory_space<vmem>> -> memref<50x128xf32, #tpu.memory_space<vmem>>
        %dma_wait3A_732 = arith.constant 0 : i32
        %dma_wait3A_733 = arith.constant 0 : i32
        %dma_wait3A_734 = tpu.memref_slice %arg2[%add3A_726, %dma_wait3A_732, %dma_wait3A_733] : memref<4096x50x128xf32, #tpu.memory_space<hbm>> -> memref<1x50x128xf32, #tpu.memory_space<hbm>>
        %dma_wait3A_735 = tpu.memref_squeeze %dma_wait3A_734 : memref<1x50x128xf32, #tpu.memory_space<hbm>> -> memref<50x128xf32, #tpu.memory_space<hbm>>
        %dma_wait3A_736 = arith.constant 0 : i32
        %dma_wait3A_737 = arith.constant 0 : i32
        %dma_wait3A_738 = tpu.memref_slice %arg7[%dma_wait3A_727, %dma_wait3A_736, %dma_wait3A_737] : memref<8x50x256xf32, #tpu.memory_space<vmem>> -> memref<1x50x128xf32, #tpu.memory_space<vmem>>
        %dma_wait3A_739 = tpu.memref_squeeze %dma_wait3A_738 : memref<1x50x128xf32, #tpu.memory_space<vmem>> -> memref<50x128xf32, #tpu.memory_space<vmem>>
        %dma_wait3A_740 = arith.constant 0 : i32
        %dma_wait3A_741 = arith.constant 0 : i32
        %dma_wait3A_742 = tpu.memref_slice %arg2[%add3A_726, %dma_wait3A_740, %dma_wait3A_741] : memref<4096x50x128xf32, #tpu.memory_space<hbm>> -> memref<1x50x128xf32, #tpu.memory_space<hbm>>
        %dma_wait3A_743 = tpu.memref_squeeze %dma_wait3A_742 : memref<1x50x128xf32, #tpu.memory_space<hbm>> -> memref<50x128xf32, #tpu.memory_space<hbm>>
        tpu.wait_dma2 semaphore(%arg21 : memref<!tpu.dma_semaphore, #tpu.memory_space<semaphore_mem>>) src(%dma_wait3A_743 : memref<50x128xf32, #tpu.memory_space<hbm>>) dst(%dma_wait3A_739 : memref<50x128xf32, #tpu.memory_space<vmem>>)
        %add3A_744 = arith.addi %mul3A_2, %sub3A_439 : i32
        %dma_start3A_745 = arith.constant 5 : i32
        %dma_start3A_746 = arith.constant 0 : i32
        %dma_start3A_747 = arith.constant 0 : i32
        %dma_start3A_748 = tpu.memref_slice %arg7[%dma_start3A_745, %dma_start3A_746, %dma_start3A_747] : memref<8x50x256xf32, #tpu.memory_space<vmem>> -> memref<1x50x256xf32, #tpu.memory_space<vmem>>
        %dma_start3A_749 = tpu.memref_squeeze %dma_start3A_748 : memref<1x50x256xf32, #tpu.memory_space<vmem>> -> memref<50x256xf32, #tpu.memory_space<vmem>>
        %dma_start3A_750 = arith.constant 0 : i32
        %dma_start3A_751 = arith.constant 0 : i32
        %dma_start3A_752 = tpu.memref_slice %arg5[%add3A_744, %dma_start3A_750, %dma_start3A_751] : memref<4096x50x256xf32, #tpu.memory_space<hbm>> -> memref<1x50x256xf32, #tpu.memory_space<hbm>>
        %dma_start3A_753 = tpu.memref_squeeze %dma_start3A_752 : memref<1x50x256xf32, #tpu.memory_space<hbm>> -> memref<50x256xf32, #tpu.memory_space<hbm>>
        %dma_start3A_754 = arith.constant 0 : i32
        %dma_start3A_755 = arith.constant 0 : i32
        %dma_start3A_756 = tpu.memref_slice %arg5[%add3A_744, %dma_start3A_754, %dma_start3A_755] : memref<4096x50x256xf32, #tpu.memory_space<hbm>> -> memref<1x50x256xf32, #tpu.memory_space<hbm>>
        %dma_start3A_757 = tpu.memref_squeeze %dma_start3A_756 : memref<1x50x256xf32, #tpu.memory_space<hbm>> -> memref<50x256xf32, #tpu.memory_space<hbm>>
        %dma_start3A_758 = arith.constant 0 : i32
        %dma_start3A_759 = arith.constant 0 : i32
        %dma_start3A_760 = tpu.memref_slice %arg7[%dma_start3A_745, %dma_start3A_758, %dma_start3A_759] : memref<8x50x256xf32, #tpu.memory_space<vmem>> -> memref<1x50x256xf32, #tpu.memory_space<vmem>>
        %dma_start3A_761 = tpu.memref_squeeze %dma_start3A_760 : memref<1x50x256xf32, #tpu.memory_space<vmem>> -> memref<50x256xf32, #tpu.memory_space<vmem>>
        tpu.enqueue_dma source(%dma_start3A_761 : memref<50x256xf32, #tpu.memory_space<vmem>>) target(%dma_start3A_757 : memref<50x256xf32, #tpu.memory_space<hbm>>) target_semaphore(%arg29 : memref<!tpu.dma_semaphore, #tpu.memory_space<semaphore_mem>>)
      } else {
      }
      %mul3A_445 = arith.constant 8 : i32
      %mul3A_446 = arith.muli %scan3A_358, %mul3A_445 : i32
      %add3A_447 = arith.constant 2 : i32
      %add3A_448 = arith.addi %mul3A_446, %add3A_447 : i32
      %ge3A_449 = arith.constant 1 : i32
      %ge3A_450 = arith.cmpi sge, %scan3A_358, %ge3A_449 : i32
      %convert_element_type3A_451 = arith.extui %ge3A_450 : i1 to i32
      %cond3A_452 = arith.constant 0 : i32
      %cond3A_453 = arith.cmpi ne, %convert_element_type3A_451, %cond3A_452 : i32
      scf.if %cond3A_453 {
        %sub3A_715 = arith.constant 8 : i32
        %sub3A_716 = arith.subi %add3A_448, %sub3A_715 : i32
        %add3A_717 = arith.addi %mul3A_2, %sub3A_716 : i32
        %dma_wait3A_718 = arith.constant 2 : i32
        %dma_wait3A_719 = arith.constant 0 : i32
        %dma_wait3A_720 = arith.constant 0 : i32
        %dma_wait3A_721 = tpu.memref_slice %arg7[%dma_wait3A_718, %dma_wait3A_719, %dma_wait3A_720] : memref<8x50x256xf32, #tpu.memory_space<vmem>> -> memref<1x50x256xf32, #tpu.memory_space<vmem>>
        %dma_wait3A_722 = tpu.memref_squeeze %dma_wait3A_721 : memref<1x50x256xf32, #tpu.memory_space<vmem>> -> memref<50x256xf32, #tpu.memory_space<vmem>>
        %dma_wait3A_723 = arith.constant 0 : i32
        %dma_wait3A_724 = arith.constant 0 : i32
        %dma_wait3A_725 = tpu.memref_slice %arg5[%add3A_717, %dma_wait3A_723, %dma_wait3A_724] : memref<4096x50x256xf32, #tpu.memory_space<hbm>> -> memref<1x50x256xf32, #tpu.memory_space<hbm>>
        %dma_wait3A_726 = tpu.memref_squeeze %dma_wait3A_725 : memref<1x50x256xf32, #tpu.memory_space<hbm>> -> memref<50x256xf32, #tpu.memory_space<hbm>>
        %dma_wait3A_727 = arith.constant 0 : i32
        %dma_wait3A_728 = arith.constant 0 : i32
        %dma_wait3A_729 = tpu.memref_slice %arg5[%add3A_717, %dma_wait3A_727, %dma_wait3A_728] : memref<4096x50x256xf32, #tpu.memory_space<hbm>> -> memref<1x50x256xf32, #tpu.memory_space<hbm>>
        %dma_wait3A_730 = tpu.memref_squeeze %dma_wait3A_729 : memref<1x50x256xf32, #tpu.memory_space<hbm>> -> memref<50x256xf32, #tpu.memory_space<hbm>>
        %dma_wait3A_731 = arith.constant 0 : i32
        %dma_wait3A_732 = arith.constant 0 : i32
        %dma_wait3A_733 = tpu.memref_slice %arg7[%dma_wait3A_718, %dma_wait3A_731, %dma_wait3A_732] : memref<8x50x256xf32, #tpu.memory_space<vmem>> -> memref<1x50x256xf32, #tpu.memory_space<vmem>>
        %dma_wait3A_734 = tpu.memref_squeeze %dma_wait3A_733 : memref<1x50x256xf32, #tpu.memory_space<vmem>> -> memref<50x256xf32, #tpu.memory_space<vmem>>
        tpu.wait_dma2 semaphore(%arg26 : memref<!tpu.dma_semaphore, #tpu.memory_space<semaphore_mem>>) src(%dma_wait3A_734 : memref<50x256xf32, #tpu.memory_space<vmem>>) dst(%dma_wait3A_730 : memref<50x256xf32, #tpu.memory_space<hbm>>)
      } else {
      }
      %dma_start3A_454 = arith.constant 2 : i32
      %dma_start3A_455 = arith.constant 0 : i32
      %dma_start3A_456 = arith.constant 128 : i32
      %dma_start3A_457 = tpu.memref_slice %arg7[%dma_start3A_454, %dma_start3A_455, %dma_start3A_456] : memref<8x50x256xf32, #tpu.memory_space<vmem>> -> memref<1x50x128xf32, #tpu.memory_space<vmem>>
      %dma_start3A_458 = tpu.memref_squeeze %dma_start3A_457 : memref<1x50x128xf32, #tpu.memory_space<vmem>> -> memref<50x128xf32, #tpu.memory_space<vmem>>
      %dma_start3A_459 = arith.constant 0 : i32
      %dma_start3A_460 = tpu.memref_slice %arg6[%add3A_448, %dma_start3A_459] : memref<128x50xi32, #tpu.memory_space<vmem>> -> memref<1x50xi32, #tpu.memory_space<vmem>>
      %dma_start3A_461 = tpu.memref_squeeze %dma_start3A_460 : memref<1x50xi32, #tpu.memory_space<vmem>> -> memref<50xi32, #tpu.memory_space<vmem>>
      %dma_start3A_462 = arith.constant 0 : i32
      %dma_start3A_463 = arith.constant 0 : i32
      %dma_start3A_464 = tpu.memref_slice %arg4[%dma_start3A_462, %dma_start3A_463] : memref<1000x128xf32, #tpu.memory_space<hbm>> -> memref<1000x128xf32, #tpu.memory_space<hbm>>
      tpu.enqueue_indirect_dma source(%dma_start3A_464 : memref<1000x128xf32, #tpu.memory_space<hbm>>) target(%dma_start3A_458 : memref<50x128xf32, #tpu.memory_space<vmem>>) offsets(%dma_start3A_461 : memref<50xi32, #tpu.memory_space<vmem>>) semaphore(%arg10 : memref<!tpu.dma_semaphore, #tpu.memory_space<semaphore_mem>>)
      %add3A_465 = arith.addi %mul3A_2, %add3A_448 : i32
      %dma_start3A_466 = arith.constant 2 : i32
      %dma_start3A_467 = arith.constant 0 : i32
      %dma_start3A_468 = arith.constant 0 : i32
      %dma_start3A_469 = tpu.memref_slice %arg7[%dma_start3A_466, %dma_start3A_467, %dma_start3A_468] : memref<8x50x256xf32, #tpu.memory_space<vmem>> -> memref<1x50x128xf32, #tpu.memory_space<vmem>>
      %dma_start3A_470 = tpu.memref_squeeze %dma_start3A_469 : memref<1x50x128xf32, #tpu.memory_space<vmem>> -> memref<50x128xf32, #tpu.memory_space<vmem>>
      %dma_start3A_471 = arith.constant 0 : i32
      %dma_start3A_472 = arith.constant 0 : i32
      %dma_start3A_473 = tpu.memref_slice %arg2[%add3A_465, %dma_start3A_471, %dma_start3A_472] : memref<4096x50x128xf32, #tpu.memory_space<hbm>> -> memref<1x50x128xf32, #tpu.memory_space<hbm>>
      %dma_start3A_474 = tpu.memref_squeeze %dma_start3A_473 : memref<1x50x128xf32, #tpu.memory_space<hbm>> -> memref<50x128xf32, #tpu.memory_space<hbm>>
      %dma_start3A_475 = arith.constant 0 : i32
      %dma_start3A_476 = arith.constant 0 : i32
      %dma_start3A_477 = tpu.memref_slice %arg7[%dma_start3A_466, %dma_start3A_475, %dma_start3A_476] : memref<8x50x256xf32, #tpu.memory_space<vmem>> -> memref<1x50x128xf32, #tpu.memory_space<vmem>>
      %dma_start3A_478 = tpu.memref_squeeze %dma_start3A_477 : memref<1x50x128xf32, #tpu.memory_space<vmem>> -> memref<50x128xf32, #tpu.memory_space<vmem>>
      %dma_start3A_479 = arith.constant 0 : i32
      %dma_start3A_480 = arith.constant 0 : i32
      %dma_start3A_481 = tpu.memref_slice %arg2[%add3A_465, %dma_start3A_479, %dma_start3A_480] : memref<4096x50x128xf32, #tpu.memory_space<hbm>> -> memref<1x50x128xf32, #tpu.memory_space<hbm>>
      %dma_start3A_482 = tpu.memref_squeeze %dma_start3A_481 : memref<1x50x128xf32, #tpu.memory_space<hbm>> -> memref<50x128xf32, #tpu.memory_space<hbm>>
      tpu.enqueue_dma source(%dma_start3A_482 : memref<50x128xf32, #tpu.memory_space<hbm>>) target(%dma_start3A_478 : memref<50x128xf32, #tpu.memory_space<vmem>>) target_semaphore(%arg18 : memref<!tpu.dma_semaphore, #tpu.memory_space<semaphore_mem>>)
      %sub3A_483 = arith.constant 4 : i32
      %sub3A_484 = arith.subi %add3A_448, %sub3A_483 : i32
      %ge3A_485 = arith.constant 0 : i32
      %ge3A_486 = arith.cmpi sge, %sub3A_484, %ge3A_485 : i32
      %convert_element_type3A_487 = arith.extui %ge3A_486 : i1 to i32
      %cond3A_488 = arith.constant 0 : i32
      %cond3A_489 = arith.cmpi ne, %convert_element_type3A_487, %cond3A_488 : i32
      scf.if %cond3A_489 {
        %dma_wait3A_715 = arith.constant 6 : i32
        %dma_wait3A_716 = arith.constant 0 : i32
        %dma_wait3A_717 = arith.constant 128 : i32
        %dma_wait3A_718 = tpu.memref_slice %arg7[%dma_wait3A_715, %dma_wait3A_716, %dma_wait3A_717] : memref<8x50x256xf32, #tpu.memory_space<vmem>> -> memref<1x50x128xf32, #tpu.memory_space<vmem>>
        %dma_wait3A_719 = tpu.memref_squeeze %dma_wait3A_718 : memref<1x50x128xf32, #tpu.memory_space<vmem>> -> memref<50x128xf32, #tpu.memory_space<vmem>>
        %dma_wait3A_720 = arith.constant 0 : i32
        %dma_wait3A_721 = tpu.memref_slice %arg6[%sub3A_484, %dma_wait3A_720] : memref<128x50xi32, #tpu.memory_space<vmem>> -> memref<1x50xi32, #tpu.memory_space<vmem>>
        %dma_wait3A_722 = tpu.memref_squeeze %dma_wait3A_721 : memref<1x50xi32, #tpu.memory_space<vmem>> -> memref<50xi32, #tpu.memory_space<vmem>>
        %dma_wait3A_723 = arith.constant 0 : i32
        %dma_wait3A_724 = arith.constant 0 : i32
        %dma_wait3A_725 = tpu.memref_slice %arg4[%dma_wait3A_723, %dma_wait3A_724] : memref<1000x128xf32, #tpu.memory_space<hbm>> -> memref<1000x128xf32, #tpu.memory_space<hbm>>
        tpu.wait_indirect_dma semaphore(%arg14 : memref<!tpu.dma_semaphore, #tpu.memory_space<semaphore_mem>>) src(%dma_wait3A_725 : memref<1000x128xf32, #tpu.memory_space<hbm>>) dst(%dma_wait3A_719 : memref<50x128xf32, #tpu.memory_space<vmem>>)
        %add3A_726 = arith.addi %mul3A_2, %sub3A_484 : i32
        %dma_wait3A_727 = arith.constant 6 : i32
        %dma_wait3A_728 = arith.constant 0 : i32
        %dma_wait3A_729 = arith.constant 0 : i32
        %dma_wait3A_730 = tpu.memref_slice %arg7[%dma_wait3A_727, %dma_wait3A_728, %dma_wait3A_729] : memref<8x50x256xf32, #tpu.memory_space<vmem>> -> memref<1x50x128xf32, #tpu.memory_space<vmem>>
        %dma_wait3A_731 = tpu.memref_squeeze %dma_wait3A_730 : memref<1x50x128xf32, #tpu.memory_space<vmem>> -> memref<50x128xf32, #tpu.memory_space<vmem>>
        %dma_wait3A_732 = arith.constant 0 : i32
        %dma_wait3A_733 = arith.constant 0 : i32
        %dma_wait3A_734 = tpu.memref_slice %arg2[%add3A_726, %dma_wait3A_732, %dma_wait3A_733] : memref<4096x50x128xf32, #tpu.memory_space<hbm>> -> memref<1x50x128xf32, #tpu.memory_space<hbm>>
        %dma_wait3A_735 = tpu.memref_squeeze %dma_wait3A_734 : memref<1x50x128xf32, #tpu.memory_space<hbm>> -> memref<50x128xf32, #tpu.memory_space<hbm>>
        %dma_wait3A_736 = arith.constant 0 : i32
        %dma_wait3A_737 = arith.constant 0 : i32
        %dma_wait3A_738 = tpu.memref_slice %arg7[%dma_wait3A_727, %dma_wait3A_736, %dma_wait3A_737] : memref<8x50x256xf32, #tpu.memory_space<vmem>> -> memref<1x50x128xf32, #tpu.memory_space<vmem>>
        %dma_wait3A_739 = tpu.memref_squeeze %dma_wait3A_738 : memref<1x50x128xf32, #tpu.memory_space<vmem>> -> memref<50x128xf32, #tpu.memory_space<vmem>>
        %dma_wait3A_740 = arith.constant 0 : i32
        %dma_wait3A_741 = arith.constant 0 : i32
        %dma_wait3A_742 = tpu.memref_slice %arg2[%add3A_726, %dma_wait3A_740, %dma_wait3A_741] : memref<4096x50x128xf32, #tpu.memory_space<hbm>> -> memref<1x50x128xf32, #tpu.memory_space<hbm>>
        %dma_wait3A_743 = tpu.memref_squeeze %dma_wait3A_742 : memref<1x50x128xf32, #tpu.memory_space<hbm>> -> memref<50x128xf32, #tpu.memory_space<hbm>>
        tpu.wait_dma2 semaphore(%arg22 : memref<!tpu.dma_semaphore, #tpu.memory_space<semaphore_mem>>) src(%dma_wait3A_743 : memref<50x128xf32, #tpu.memory_space<hbm>>) dst(%dma_wait3A_739 : memref<50x128xf32, #tpu.memory_space<vmem>>)
        %add3A_744 = arith.addi %mul3A_2, %sub3A_484 : i32
        %dma_start3A_745 = arith.constant 6 : i32
        %dma_start3A_746 = arith.constant 0 : i32
        %dma_start3A_747 = arith.constant 0 : i32
        %dma_start3A_748 = tpu.memref_slice %arg7[%dma_start3A_745, %dma_start3A_746, %dma_start3A_747] : memref<8x50x256xf32, #tpu.memory_space<vmem>> -> memref<1x50x256xf32, #tpu.memory_space<vmem>>
        %dma_start3A_749 = tpu.memref_squeeze %dma_start3A_748 : memref<1x50x256xf32, #tpu.memory_space<vmem>> -> memref<50x256xf32, #tpu.memory_space<vmem>>
        %dma_start3A_750 = arith.constant 0 : i32
        %dma_start3A_751 = arith.constant 0 : i32
        %dma_start3A_752 = tpu.memref_slice %arg5[%add3A_744, %dma_start3A_750, %dma_start3A_751] : memref<4096x50x256xf32, #tpu.memory_space<hbm>> -> memref<1x50x256xf32, #tpu.memory_space<hbm>>
        %dma_start3A_753 = tpu.memref_squeeze %dma_start3A_752 : memref<1x50x256xf32, #tpu.memory_space<hbm>> -> memref<50x256xf32, #tpu.memory_space<hbm>>
        %dma_start3A_754 = arith.constant 0 : i32
        %dma_start3A_755 = arith.constant 0 : i32
        %dma_start3A_756 = tpu.memref_slice %arg5[%add3A_744, %dma_start3A_754, %dma_start3A_755] : memref<4096x50x256xf32, #tpu.memory_space<hbm>> -> memref<1x50x256xf32, #tpu.memory_space<hbm>>
        %dma_start3A_757 = tpu.memref_squeeze %dma_start3A_756 : memref<1x50x256xf32, #tpu.memory_space<hbm>> -> memref<50x256xf32, #tpu.memory_space<hbm>>
        %dma_start3A_758 = arith.constant 0 : i32
        %dma_start3A_759 = arith.constant 0 : i32
        %dma_start3A_760 = tpu.memref_slice %arg7[%dma_start3A_745, %dma_start3A_758, %dma_start3A_759] : memref<8x50x256xf32, #tpu.memory_space<vmem>> -> memref<1x50x256xf32, #tpu.memory_space<vmem>>
        %dma_start3A_761 = tpu.memref_squeeze %dma_start3A_760 : memref<1x50x256xf32, #tpu.memory_space<vmem>> -> memref<50x256xf32, #tpu.memory_space<vmem>>
        tpu.enqueue_dma source(%dma_start3A_761 : memref<50x256xf32, #tpu.memory_space<vmem>>) target(%dma_start3A_757 : memref<50x256xf32, #tpu.memory_space<hbm>>) target_semaphore(%arg30 : memref<!tpu.dma_semaphore, #tpu.memory_space<semaphore_mem>>)
      } else {
      }
      %mul3A_490 = arith.constant 8 : i32
      %mul3A_491 = arith.muli %scan3A_358, %mul3A_490 : i32
      %add3A_492 = arith.constant 3 : i32
      %add3A_493 = arith.addi %mul3A_491, %add3A_492 : i32
      %ge3A_494 = arith.constant 1 : i32
      %ge3A_495 = arith.cmpi sge, %scan3A_358, %ge3A_494 : i32
      %convert_element_type3A_496 = arith.extui %ge3A_495 : i1 to i32
      %cond3A_497 = arith.constant 0 : i32
      %cond3A_498 = arith.cmpi ne, %convert_element_type3A_496, %cond3A_497 : i32
      scf.if %cond3A_498 {
        %sub3A_715 = arith.constant 8 : i32
        %sub3A_716 = arith.subi %add3A_493, %sub3A_715 : i32
        %add3A_717 = arith.addi %mul3A_2, %sub3A_716 : i32
        %dma_wait3A_718 = arith.constant 3 : i32
        %dma_wait3A_719 = arith.constant 0 : i32
        %dma_wait3A_720 = arith.constant 0 : i32
        %dma_wait3A_721 = tpu.memref_slice %arg7[%dma_wait3A_718, %dma_wait3A_719, %dma_wait3A_720] : memref<8x50x256xf32, #tpu.memory_space<vmem>> -> memref<1x50x256xf32, #tpu.memory_space<vmem>>
        %dma_wait3A_722 = tpu.memref_squeeze %dma_wait3A_721 : memref<1x50x256xf32, #tpu.memory_space<vmem>> -> memref<50x256xf32, #tpu.memory_space<vmem>>
        %dma_wait3A_723 = arith.constant 0 : i32
        %dma_wait3A_724 = arith.constant 0 : i32
        %dma_wait3A_725 = tpu.memref_slice %arg5[%add3A_717, %dma_wait3A_723, %dma_wait3A_724] : memref<4096x50x256xf32, #tpu.memory_space<hbm>> -> memref<1x50x256xf32, #tpu.memory_space<hbm>>
        %dma_wait3A_726 = tpu.memref_squeeze %dma_wait3A_725 : memref<1x50x256xf32, #tpu.memory_space<hbm>> -> memref<50x256xf32, #tpu.memory_space<hbm>>
        %dma_wait3A_727 = arith.constant 0 : i32
        %dma_wait3A_728 = arith.constant 0 : i32
        %dma_wait3A_729 = tpu.memref_slice %arg5[%add3A_717, %dma_wait3A_727, %dma_wait3A_728] : memref<4096x50x256xf32, #tpu.memory_space<hbm>> -> memref<1x50x256xf32, #tpu.memory_space<hbm>>
        %dma_wait3A_730 = tpu.memref_squeeze %dma_wait3A_729 : memref<1x50x256xf32, #tpu.memory_space<hbm>> -> memref<50x256xf32, #tpu.memory_space<hbm>>
        %dma_wait3A_731 = arith.constant 0 : i32
        %dma_wait3A_732 = arith.constant 0 : i32
        %dma_wait3A_733 = tpu.memref_slice %arg7[%dma_wait3A_718, %dma_wait3A_731, %dma_wait3A_732] : memref<8x50x256xf32, #tpu.memory_space<vmem>> -> memref<1x50x256xf32, #tpu.memory_space<vmem>>
        %dma_wait3A_734 = tpu.memref_squeeze %dma_wait3A_733 : memref<1x50x256xf32, #tpu.memory_space<vmem>> -> memref<50x256xf32, #tpu.memory_space<vmem>>
        tpu.wait_dma2 semaphore(%arg27 : memref<!tpu.dma_semaphore, #tpu.memory_space<semaphore_mem>>) src(%dma_wait3A_734 : memref<50x256xf32, #tpu.memory_space<vmem>>) dst(%dma_wait3A_730 : memref<50x256xf32, #tpu.memory_space<hbm>>)
      } else {
      }
      %dma_start3A_499 = arith.constant 3 : i32
      %dma_start3A_500 = arith.constant 0 : i32
      %dma_start3A_501 = arith.constant 128 : i32
      %dma_start3A_502 = tpu.memref_slice %arg7[%dma_start3A_499, %dma_start3A_500, %dma_start3A_501] : memref<8x50x256xf32, #tpu.memory_space<vmem>> -> memref<1x50x128xf32, #tpu.memory_space<vmem>>
      %dma_start3A_503 = tpu.memref_squeeze %dma_start3A_502 : memref<1x50x128xf32, #tpu.memory_space<vmem>> -> memref<50x128xf32, #tpu.memory_space<vmem>>
      %dma_start3A_504 = arith.constant 0 : i32
      %dma_start3A_505 = tpu.memref_slice %arg6[%add3A_493, %dma_start3A_504] : memref<128x50xi32, #tpu.memory_space<vmem>> -> memref<1x50xi32, #tpu.memory_space<vmem>>
      %dma_start3A_506 = tpu.memref_squeeze %dma_start3A_505 : memref<1x50xi32, #tpu.memory_space<vmem>> -> memref<50xi32, #tpu.memory_space<vmem>>
      %dma_start3A_507 = arith.constant 0 : i32
      %dma_start3A_508 = arith.constant 0 : i32
      %dma_start3A_509 = tpu.memref_slice %arg4[%dma_start3A_507, %dma_start3A_508] : memref<1000x128xf32, #tpu.memory_space<hbm>> -> memref<1000x128xf32, #tpu.memory_space<hbm>>
      tpu.enqueue_indirect_dma source(%dma_start3A_509 : memref<1000x128xf32, #tpu.memory_space<hbm>>) target(%dma_start3A_503 : memref<50x128xf32, #tpu.memory_space<vmem>>) offsets(%dma_start3A_506 : memref<50xi32, #tpu.memory_space<vmem>>) semaphore(%arg11 : memref<!tpu.dma_semaphore, #tpu.memory_space<semaphore_mem>>)
      %add3A_510 = arith.addi %mul3A_2, %add3A_493 : i32
      %dma_start3A_511 = arith.constant 3 : i32
      %dma_start3A_512 = arith.constant 0 : i32
      %dma_start3A_513 = arith.constant 0 : i32
      %dma_start3A_514 = tpu.memref_slice %arg7[%dma_start3A_511, %dma_start3A_512, %dma_start3A_513] : memref<8x50x256xf32, #tpu.memory_space<vmem>> -> memref<1x50x128xf32, #tpu.memory_space<vmem>>
      %dma_start3A_515 = tpu.memref_squeeze %dma_start3A_514 : memref<1x50x128xf32, #tpu.memory_space<vmem>> -> memref<50x128xf32, #tpu.memory_space<vmem>>
      %dma_start3A_516 = arith.constant 0 : i32
      %dma_start3A_517 = arith.constant 0 : i32
      %dma_start3A_518 = tpu.memref_slice %arg2[%add3A_510, %dma_start3A_516, %dma_start3A_517] : memref<4096x50x128xf32, #tpu.memory_space<hbm>> -> memref<1x50x128xf32, #tpu.memory_space<hbm>>
      %dma_start3A_519 = tpu.memref_squeeze %dma_start3A_518 : memref<1x50x128xf32, #tpu.memory_space<hbm>> -> memref<50x128xf32, #tpu.memory_space<hbm>>
      %dma_start3A_520 = arith.constant 0 : i32
      %dma_start3A_521 = arith.constant 0 : i32
      %dma_start3A_522 = tpu.memref_slice %arg7[%dma_start3A_511, %dma_start3A_520, %dma_start3A_521] : memref<8x50x256xf32, #tpu.memory_space<vmem>> -> memref<1x50x128xf32, #tpu.memory_space<vmem>>
      %dma_start3A_523 = tpu.memref_squeeze %dma_start3A_522 : memref<1x50x128xf32, #tpu.memory_space<vmem>> -> memref<50x128xf32, #tpu.memory_space<vmem>>
      %dma_start3A_524 = arith.constant 0 : i32
      %dma_start3A_525 = arith.constant 0 : i32
      %dma_start3A_526 = tpu.memref_slice %arg2[%add3A_510, %dma_start3A_524, %dma_start3A_525] : memref<4096x50x128xf32, #tpu.memory_space<hbm>> -> memref<1x50x128xf32, #tpu.memory_space<hbm>>
      %dma_start3A_527 = tpu.memref_squeeze %dma_start3A_526 : memref<1x50x128xf32, #tpu.memory_space<hbm>> -> memref<50x128xf32, #tpu.memory_space<hbm>>
      tpu.enqueue_dma source(%dma_start3A_527 : memref<50x128xf32, #tpu.memory_space<hbm>>) target(%dma_start3A_523 : memref<50x128xf32, #tpu.memory_space<vmem>>) target_semaphore(%arg19 : memref<!tpu.dma_semaphore, #tpu.memory_space<semaphore_mem>>)
      %sub3A_528 = arith.constant 4 : i32
      %sub3A_529 = arith.subi %add3A_493, %sub3A_528 : i32
      %ge3A_530 = arith.constant 0 : i32
      %ge3A_531 = arith.cmpi sge, %sub3A_529, %ge3A_530 : i32
      %convert_element_type3A_532 = arith.extui %ge3A_531 : i1 to i32
      %cond3A_533 = arith.constant 0 : i32
      %cond3A_534 = arith.cmpi ne, %convert_element_type3A_532, %cond3A_533 : i32
      scf.if %cond3A_534 {
        %dma_wait3A_715 = arith.constant 7 : i32
        %dma_wait3A_716 = arith.constant 0 : i32
        %dma_wait3A_717 = arith.constant 128 : i32
        %dma_wait3A_718 = tpu.memref_slice %arg7[%dma_wait3A_715, %dma_wait3A_716, %dma_wait3A_717] : memref<8x50x256xf32, #tpu.memory_space<vmem>> -> memref<1x50x128xf32, #tpu.memory_space<vmem>>
        %dma_wait3A_719 = tpu.memref_squeeze %dma_wait3A_718 : memref<1x50x128xf32, #tpu.memory_space<vmem>> -> memref<50x128xf32, #tpu.memory_space<vmem>>
        %dma_wait3A_720 = arith.constant 0 : i32
        %dma_wait3A_721 = tpu.memref_slice %arg6[%sub3A_529, %dma_wait3A_720] : memref<128x50xi32, #tpu.memory_space<vmem>> -> memref<1x50xi32, #tpu.memory_space<vmem>>
        %dma_wait3A_722 = tpu.memref_squeeze %dma_wait3A_721 : memref<1x50xi32, #tpu.memory_space<vmem>> -> memref<50xi32, #tpu.memory_space<vmem>>
        %dma_wait3A_723 = arith.constant 0 : i32
        %dma_wait3A_724 = arith.constant 0 : i32
        %dma_wait3A_725 = tpu.memref_slice %arg4[%dma_wait3A_723, %dma_wait3A_724] : memref<1000x128xf32, #tpu.memory_space<hbm>> -> memref<1000x128xf32, #tpu.memory_space<hbm>>
        tpu.wait_indirect_dma semaphore(%arg15 : memref<!tpu.dma_semaphore, #tpu.memory_space<semaphore_mem>>) src(%dma_wait3A_725 : memref<1000x128xf32, #tpu.memory_space<hbm>>) dst(%dma_wait3A_719 : memref<50x128xf32, #tpu.memory_space<vmem>>)
        %add3A_726 = arith.addi %mul3A_2, %sub3A_529 : i32
        %dma_wait3A_727 = arith.constant 7 : i32
        %dma_wait3A_728 = arith.constant 0 : i32
        %dma_wait3A_729 = arith.constant 0 : i32
        %dma_wait3A_730 = tpu.memref_slice %arg7[%dma_wait3A_727, %dma_wait3A_728, %dma_wait3A_729] : memref<8x50x256xf32, #tpu.memory_space<vmem>> -> memref<1x50x128xf32, #tpu.memory_space<vmem>>
        %dma_wait3A_731 = tpu.memref_squeeze %dma_wait3A_730 : memref<1x50x128xf32, #tpu.memory_space<vmem>> -> memref<50x128xf32, #tpu.memory_space<vmem>>
        %dma_wait3A_732 = arith.constant 0 : i32
        %dma_wait3A_733 = arith.constant 0 : i32
        %dma_wait3A_734 = tpu.memref_slice %arg2[%add3A_726, %dma_wait3A_732, %dma_wait3A_733] : memref<4096x50x128xf32, #tpu.memory_space<hbm>> -> memref<1x50x128xf32, #tpu.memory_space<hbm>>
        %dma_wait3A_735 = tpu.memref_squeeze %dma_wait3A_734 : memref<1x50x128xf32, #tpu.memory_space<hbm>> -> memref<50x128xf32, #tpu.memory_space<hbm>>
        %dma_wait3A_736 = arith.constant 0 : i32
        %dma_wait3A_737 = arith.constant 0 : i32
        %dma_wait3A_738 = tpu.memref_slice %arg7[%dma_wait3A_727, %dma_wait3A_736, %dma_wait3A_737] : memref<8x50x256xf32, #tpu.memory_space<vmem>> -> memref<1x50x128xf32, #tpu.memory_space<vmem>>
        %dma_wait3A_739 = tpu.memref_squeeze %dma_wait3A_738 : memref<1x50x128xf32, #tpu.memory_space<vmem>> -> memref<50x128xf32, #tpu.memory_space<vmem>>
        %dma_wait3A_740 = arith.constant 0 : i32
        %dma_wait3A_741 = arith.constant 0 : i32
        %dma_wait3A_742 = tpu.memref_slice %arg2[%add3A_726, %dma_wait3A_740, %dma_wait3A_741] : memref<4096x50x128xf32, #tpu.memory_space<hbm>> -> memref<1x50x128xf32, #tpu.memory_space<hbm>>
        %dma_wait3A_743 = tpu.memref_squeeze %dma_wait3A_742 : memref<1x50x128xf32, #tpu.memory_space<hbm>> -> memref<50x128xf32, #tpu.memory_space<hbm>>
        tpu.wait_dma2 semaphore(%arg23 : memref<!tpu.dma_semaphore, #tpu.memory_space<semaphore_mem>>) src(%dma_wait3A_743 : memref<50x128xf32, #tpu.memory_space<hbm>>) dst(%dma_wait3A_739 : memref<50x128xf32, #tpu.memory_space<vmem>>)
        %add3A_744 = arith.addi %mul3A_2, %sub3A_529 : i32
        %dma_start3A_745 = arith.constant 7 : i32
        %dma_start3A_746 = arith.constant 0 : i32
        %dma_start3A_747 = arith.constant 0 : i32
        %dma_start3A_748 = tpu.memref_slice %arg7[%dma_start3A_745, %dma_start3A_746, %dma_start3A_747] : memref<8x50x256xf32, #tpu.memory_space<vmem>> -> memref<1x50x256xf32, #tpu.memory_space<vmem>>
        %dma_start3A_749 = tpu.memref_squeeze %dma_start3A_748 : memref<1x50x256xf32, #tpu.memory_space<vmem>> -> memref<50x256xf32, #tpu.memory_space<vmem>>
        %dma_start3A_750 = arith.constant 0 : i32
        %dma_start3A_751 = arith.constant 0 : i32
        %dma_start3A_752 = tpu.memref_slice %arg5[%add3A_744, %dma_start3A_750, %dma_start3A_751] : memref<4096x50x256xf32, #tpu.memory_space<hbm>> -> memref<1x50x256xf32, #tpu.memory_space<hbm>>
        %dma_start3A_753 = tpu.memref_squeeze %dma_start3A_752 : memref<1x50x256xf32, #tpu.memory_space<hbm>> -> memref<50x256xf32, #tpu.memory_space<hbm>>
        %dma_start3A_754 = arith.constant 0 : i32
        %dma_start3A_755 = arith.constant 0 : i32
        %dma_start3A_756 = tpu.memref_slice %arg5[%add3A_744, %dma_start3A_754, %dma_start3A_755] : memref<4096x50x256xf32, #tpu.memory_space<hbm>> -> memref<1x50x256xf32, #tpu.memory_space<hbm>>
        %dma_start3A_757 = tpu.memref_squeeze %dma_start3A_756 : memref<1x50x256xf32, #tpu.memory_space<hbm>> -> memref<50x256xf32, #tpu.memory_space<hbm>>
        %dma_start3A_758 = arith.constant 0 : i32
        %dma_start3A_759 = arith.constant 0 : i32
        %dma_start3A_760 = tpu.memref_slice %arg7[%dma_start3A_745, %dma_start3A_758, %dma_start3A_759] : memref<8x50x256xf32, #tpu.memory_space<vmem>> -> memref<1x50x256xf32, #tpu.memory_space<vmem>>
        %dma_start3A_761 = tpu.memref_squeeze %dma_start3A_760 : memref<1x50x256xf32, #tpu.memory_space<vmem>> -> memref<50x256xf32, #tpu.memory_space<vmem>>
        tpu.enqueue_dma source(%dma_start3A_761 : memref<50x256xf32, #tpu.memory_space<vmem>>) target(%dma_start3A_757 : memref<50x256xf32, #tpu.memory_space<hbm>>) target_semaphore(%arg31 : memref<!tpu.dma_semaphore, #tpu.memory_space<semaphore_mem>>)
      } else {
      }
      %mul3A_535 = arith.constant 8 : i32
      %mul3A_536 = arith.muli %scan3A_358, %mul3A_535 : i32
      %add3A_537 = arith.constant 4 : i32
      %add3A_538 = arith.addi %mul3A_536, %add3A_537 : i32
      %ge3A_539 = arith.constant 1 : i32
      %ge3A_540 = arith.cmpi sge, %scan3A_358, %ge3A_539 : i32
      %convert_element_type3A_541 = arith.extui %ge3A_540 : i1 to i32
      %cond3A_542 = arith.constant 0 : i32
      %cond3A_543 = arith.cmpi ne, %convert_element_type3A_541, %cond3A_542 : i32
      scf.if %cond3A_543 {
        %sub3A_715 = arith.constant 8 : i32
        %sub3A_716 = arith.subi %add3A_538, %sub3A_715 : i32
        %add3A_717 = arith.addi %mul3A_2, %sub3A_716 : i32
        %dma_wait3A_718 = arith.constant 4 : i32
        %dma_wait3A_719 = arith.constant 0 : i32
        %dma_wait3A_720 = arith.constant 0 : i32
        %dma_wait3A_721 = tpu.memref_slice %arg7[%dma_wait3A_718, %dma_wait3A_719, %dma_wait3A_720] : memref<8x50x256xf32, #tpu.memory_space<vmem>> -> memref<1x50x256xf32, #tpu.memory_space<vmem>>
        %dma_wait3A_722 = tpu.memref_squeeze %dma_wait3A_721 : memref<1x50x256xf32, #tpu.memory_space<vmem>> -> memref<50x256xf32, #tpu.memory_space<vmem>>
        %dma_wait3A_723 = arith.constant 0 : i32
        %dma_wait3A_724 = arith.constant 0 : i32
        %dma_wait3A_725 = tpu.memref_slice %arg5[%add3A_717, %dma_wait3A_723, %dma_wait3A_724] : memref<4096x50x256xf32, #tpu.memory_space<hbm>> -> memref<1x50x256xf32, #tpu.memory_space<hbm>>
        %dma_wait3A_726 = tpu.memref_squeeze %dma_wait3A_725 : memref<1x50x256xf32, #tpu.memory_space<hbm>> -> memref<50x256xf32, #tpu.memory_space<hbm>>
        %dma_wait3A_727 = arith.constant 0 : i32
        %dma_wait3A_728 = arith.constant 0 : i32
        %dma_wait3A_729 = tpu.memref_slice %arg5[%add3A_717, %dma_wait3A_727, %dma_wait3A_728] : memref<4096x50x256xf32, #tpu.memory_space<hbm>> -> memref<1x50x256xf32, #tpu.memory_space<hbm>>
        %dma_wait3A_730 = tpu.memref_squeeze %dma_wait3A_729 : memref<1x50x256xf32, #tpu.memory_space<hbm>> -> memref<50x256xf32, #tpu.memory_space<hbm>>
        %dma_wait3A_731 = arith.constant 0 : i32
        %dma_wait3A_732 = arith.constant 0 : i32
        %dma_wait3A_733 = tpu.memref_slice %arg7[%dma_wait3A_718, %dma_wait3A_731, %dma_wait3A_732] : memref<8x50x256xf32, #tpu.memory_space<vmem>> -> memref<1x50x256xf32, #tpu.memory_space<vmem>>
        %dma_wait3A_734 = tpu.memref_squeeze %dma_wait3A_733 : memref<1x50x256xf32, #tpu.memory_space<vmem>> -> memref<50x256xf32, #tpu.memory_space<vmem>>
        tpu.wait_dma2 semaphore(%arg28 : memref<!tpu.dma_semaphore, #tpu.memory_space<semaphore_mem>>) src(%dma_wait3A_734 : memref<50x256xf32, #tpu.memory_space<vmem>>) dst(%dma_wait3A_730 : memref<50x256xf32, #tpu.memory_space<hbm>>)
      } else {
      }
      %dma_start3A_544 = arith.constant 4 : i32
      %dma_start3A_545 = arith.constant 0 : i32
      %dma_start3A_546 = arith.constant 128 : i32
      %dma_start3A_547 = tpu.memref_slice %arg7[%dma_start3A_544, %dma_start3A_545, %dma_start3A_546] : memref<8x50x256xf32, #tpu.memory_space<vmem>> -> memref<1x50x128xf32, #tpu.memory_space<vmem>>
      %dma_start3A_548 = tpu.memref_squeeze %dma_start3A_547 : memref<1x50x128xf32, #tpu.memory_space<vmem>> -> memref<50x128xf32, #tpu.memory_space<vmem>>
      %dma_start3A_549 = arith.constant 0 : i32
      %dma_start3A_550 = tpu.memref_slice %arg6[%add3A_538, %dma_start3A_549] : memref<128x50xi32, #tpu.memory_space<vmem>> -> memref<1x50xi32, #tpu.memory_space<vmem>>
      %dma_start3A_551 = tpu.memref_squeeze %dma_start3A_550 : memref<1x50xi32, #tpu.memory_space<vmem>> -> memref<50xi32, #tpu.memory_space<vmem>>
      %dma_start3A_552 = arith.constant 0 : i32
      %dma_start3A_553 = arith.constant 0 : i32
      %dma_start3A_554 = tpu.memref_slice %arg4[%dma_start3A_552, %dma_start3A_553] : memref<1000x128xf32, #tpu.memory_space<hbm>> -> memref<1000x128xf32, #tpu.memory_space<hbm>>
      tpu.enqueue_indirect_dma source(%dma_start3A_554 : memref<1000x128xf32, #tpu.memory_space<hbm>>) target(%dma_start3A_548 : memref<50x128xf32, #tpu.memory_space<vmem>>) offsets(%dma_start3A_551 : memref<50xi32, #tpu.memory_space<vmem>>) semaphore(%arg12 : memref<!tpu.dma_semaphore, #tpu.memory_space<semaphore_mem>>)
      %add3A_555 = arith.addi %mul3A_2, %add3A_538 : i32
      %dma_start3A_556 = arith.constant 4 : i32
      %dma_start3A_557 = arith.constant 0 : i32
      %dma_start3A_558 = arith.constant 0 : i32
      %dma_start3A_559 = tpu.memref_slice %arg7[%dma_start3A_556, %dma_start3A_557, %dma_start3A_558] : memref<8x50x256xf32, #tpu.memory_space<vmem>> -> memref<1x50x128xf32, #tpu.memory_space<vmem>>
      %dma_start3A_560 = tpu.memref_squeeze %dma_start3A_559 : memref<1x50x128xf32, #tpu.memory_space<vmem>> -> memref<50x128xf32, #tpu.memory_space<vmem>>
      %dma_start3A_561 = arith.constant 0 : i32
      %dma_start3A_562 = arith.constant 0 : i32
      %dma_start3A_563 = tpu.memref_slice %arg2[%add3A_555, %dma_start3A_561, %dma_start3A_562] : memref<4096x50x128xf32, #tpu.memory_space<hbm>> -> memref<1x50x128xf32, #tpu.memory_space<hbm>>
      %dma_start3A_564 = tpu.memref_squeeze %dma_start3A_563 : memref<1x50x128xf32, #tpu.memory_space<hbm>> -> memref<50x128xf32, #tpu.memory_space<hbm>>
      %dma_start3A_565 = arith.constant 0 : i32
      %dma_start3A_566 = arith.constant 0 : i32
      %dma_start3A_567 = tpu.memref_slice %arg7[%dma_start3A_556, %dma_start3A_565, %dma_start3A_566] : memref<8x50x256xf32, #tpu.memory_space<vmem>> -> memref<1x50x128xf32, #tpu.memory_space<vmem>>
      %dma_start3A_568 = tpu.memref_squeeze %dma_start3A_567 : memref<1x50x128xf32, #tpu.memory_space<vmem>> -> memref<50x128xf32, #tpu.memory_space<vmem>>
      %dma_start3A_569 = arith.constant 0 : i32
      %dma_start3A_570 = arith.constant 0 : i32
      %dma_start3A_571 = tpu.memref_slice %arg2[%add3A_555, %dma_start3A_569, %dma_start3A_570] : memref<4096x50x128xf32, #tpu.memory_space<hbm>> -> memref<1x50x128xf32, #tpu.memory_space<hbm>>
      %dma_start3A_572 = tpu.memref_squeeze %dma_start3A_571 : memref<1x50x128xf32, #tpu.memory_space<hbm>> -> memref<50x128xf32, #tpu.memory_space<hbm>>
      tpu.enqueue_dma source(%dma_start3A_572 : memref<50x128xf32, #tpu.memory_space<hbm>>) target(%dma_start3A_568 : memref<50x128xf32, #tpu.memory_space<vmem>>) target_semaphore(%arg20 : memref<!tpu.dma_semaphore, #tpu.memory_space<semaphore_mem>>)
      %sub3A_573 = arith.constant 4 : i32
      %sub3A_574 = arith.subi %add3A_538, %sub3A_573 : i32
      %ge3A_575 = arith.constant 0 : i32
      %ge3A_576 = arith.cmpi sge, %sub3A_574, %ge3A_575 : i32
      %convert_element_type3A_577 = arith.extui %ge3A_576 : i1 to i32
      %cond3A_578 = arith.constant 0 : i32
      %cond3A_579 = arith.cmpi ne, %convert_element_type3A_577, %cond3A_578 : i32
      scf.if %cond3A_579 {
        %dma_wait3A_715 = arith.constant 0 : i32
        %dma_wait3A_716 = arith.constant 0 : i32
        %dma_wait3A_717 = arith.constant 128 : i32
        %dma_wait3A_718 = tpu.memref_slice %arg7[%dma_wait3A_715, %dma_wait3A_716, %dma_wait3A_717] : memref<8x50x256xf32, #tpu.memory_space<vmem>> -> memref<1x50x128xf32, #tpu.memory_space<vmem>>
        %dma_wait3A_719 = tpu.memref_squeeze %dma_wait3A_718 : memref<1x50x128xf32, #tpu.memory_space<vmem>> -> memref<50x128xf32, #tpu.memory_space<vmem>>
        %dma_wait3A_720 = arith.constant 0 : i32
        %dma_wait3A_721 = tpu.memref_slice %arg6[%sub3A_574, %dma_wait3A_720] : memref<128x50xi32, #tpu.memory_space<vmem>> -> memref<1x50xi32, #tpu.memory_space<vmem>>
        %dma_wait3A_722 = tpu.memref_squeeze %dma_wait3A_721 : memref<1x50xi32, #tpu.memory_space<vmem>> -> memref<50xi32, #tpu.memory_space<vmem>>
        %dma_wait3A_723 = arith.constant 0 : i32
        %dma_wait3A_724 = arith.constant 0 : i32
        %dma_wait3A_725 = tpu.memref_slice %arg4[%dma_wait3A_723, %dma_wait3A_724] : memref<1000x128xf32, #tpu.memory_space<hbm>> -> memref<1000x128xf32, #tpu.memory_space<hbm>>
        tpu.wait_indirect_dma semaphore(%arg8 : memref<!tpu.dma_semaphore, #tpu.memory_space<semaphore_mem>>) src(%dma_wait3A_725 : memref<1000x128xf32, #tpu.memory_space<hbm>>) dst(%dma_wait3A_719 : memref<50x128xf32, #tpu.memory_space<vmem>>)
        %add3A_726 = arith.addi %mul3A_2, %sub3A_574 : i32
        %dma_wait3A_727 = arith.constant 0 : i32
        %dma_wait3A_728 = arith.constant 0 : i32
        %dma_wait3A_729 = arith.constant 0 : i32
        %dma_wait3A_730 = tpu.memref_slice %arg7[%dma_wait3A_727, %dma_wait3A_728, %dma_wait3A_729] : memref<8x50x256xf32, #tpu.memory_space<vmem>> -> memref<1x50x128xf32, #tpu.memory_space<vmem>>
        %dma_wait3A_731 = tpu.memref_squeeze %dma_wait3A_730 : memref<1x50x128xf32, #tpu.memory_space<vmem>> -> memref<50x128xf32, #tpu.memory_space<vmem>>
        %dma_wait3A_732 = arith.constant 0 : i32
        %dma_wait3A_733 = arith.constant 0 : i32
        %dma_wait3A_734 = tpu.memref_slice %arg2[%add3A_726, %dma_wait3A_732, %dma_wait3A_733] : memref<4096x50x128xf32, #tpu.memory_space<hbm>> -> memref<1x50x128xf32, #tpu.memory_space<hbm>>
        %dma_wait3A_735 = tpu.memref_squeeze %dma_wait3A_734 : memref<1x50x128xf32, #tpu.memory_space<hbm>> -> memref<50x128xf32, #tpu.memory_space<hbm>>
        %dma_wait3A_736 = arith.constant 0 : i32
        %dma_wait3A_737 = arith.constant 0 : i32
        %dma_wait3A_738 = tpu.memref_slice %arg7[%dma_wait3A_727, %dma_wait3A_736, %dma_wait3A_737] : memref<8x50x256xf32, #tpu.memory_space<vmem>> -> memref<1x50x128xf32, #tpu.memory_space<vmem>>
        %dma_wait3A_739 = tpu.memref_squeeze %dma_wait3A_738 : memref<1x50x128xf32, #tpu.memory_space<vmem>> -> memref<50x128xf32, #tpu.memory_space<vmem>>
        %dma_wait3A_740 = arith.constant 0 : i32
        %dma_wait3A_741 = arith.constant 0 : i32
        %dma_wait3A_742 = tpu.memref_slice %arg2[%add3A_726, %dma_wait3A_740, %dma_wait3A_741] : memref<4096x50x128xf32, #tpu.memory_space<hbm>> -> memref<1x50x128xf32, #tpu.memory_space<hbm>>
        %dma_wait3A_743 = tpu.memref_squeeze %dma_wait3A_742 : memref<1x50x128xf32, #tpu.memory_space<hbm>> -> memref<50x128xf32, #tpu.memory_space<hbm>>
        tpu.wait_dma2 semaphore(%arg16 : memref<!tpu.dma_semaphore, #tpu.memory_space<semaphore_mem>>) src(%dma_wait3A_743 : memref<50x128xf32, #tpu.memory_space<hbm>>) dst(%dma_wait3A_739 : memref<50x128xf32, #tpu.memory_space<vmem>>)
        %add3A_744 = arith.addi %mul3A_2, %sub3A_574 : i32
        %dma_start3A_745 = arith.constant 0 : i32
        %dma_start3A_746 = arith.constant 0 : i32
        %dma_start3A_747 = arith.constant 0 : i32
        %dma_start3A_748 = tpu.memref_slice %arg7[%dma_start3A_745, %dma_start3A_746, %dma_start3A_747] : memref<8x50x256xf32, #tpu.memory_space<vmem>> -> memref<1x50x256xf32, #tpu.memory_space<vmem>>
        %dma_start3A_749 = tpu.memref_squeeze %dma_start3A_748 : memref<1x50x256xf32, #tpu.memory_space<vmem>> -> memref<50x256xf32, #tpu.memory_space<vmem>>
        %dma_start3A_750 = arith.constant 0 : i32
        %dma_start3A_751 = arith.constant 0 : i32
        %dma_start3A_752 = tpu.memref_slice %arg5[%add3A_744, %dma_start3A_750, %dma_start3A_751] : memref<4096x50x256xf32, #tpu.memory_space<hbm>> -> memref<1x50x256xf32, #tpu.memory_space<hbm>>
        %dma_start3A_753 = tpu.memref_squeeze %dma_start3A_752 : memref<1x50x256xf32, #tpu.memory_space<hbm>> -> memref<50x256xf32, #tpu.memory_space<hbm>>
        %dma_start3A_754 = arith.constant 0 : i32
        %dma_start3A_755 = arith.constant 0 : i32
        %dma_start3A_756 = tpu.memref_slice %arg5[%add3A_744, %dma_start3A_754, %dma_start3A_755] : memref<4096x50x256xf32, #tpu.memory_space<hbm>> -> memref<1x50x256xf32, #tpu.memory_space<hbm>>
        %dma_start3A_757 = tpu.memref_squeeze %dma_start3A_756 : memref<1x50x256xf32, #tpu.memory_space<hbm>> -> memref<50x256xf32, #tpu.memory_space<hbm>>
        %dma_start3A_758 = arith.constant 0 : i32
        %dma_start3A_759 = arith.constant 0 : i32
        %dma_start3A_760 = tpu.memref_slice %arg7[%dma_start3A_745, %dma_start3A_758, %dma_start3A_759] : memref<8x50x256xf32, #tpu.memory_space<vmem>> -> memref<1x50x256xf32, #tpu.memory_space<vmem>>
        %dma_start3A_761 = tpu.memref_squeeze %dma_start3A_760 : memref<1x50x256xf32, #tpu.memory_space<vmem>> -> memref<50x256xf32, #tpu.memory_space<vmem>>
        tpu.enqueue_dma source(%dma_start3A_761 : memref<50x256xf32, #tpu.memory_space<vmem>>) target(%dma_start3A_757 : memref<50x256xf32, #tpu.memory_space<hbm>>) target_semaphore(%arg24 : memref<!tpu.dma_semaphore, #tpu.memory_space<semaphore_mem>>)
      } else {
      }
      %mul3A_580 = arith.constant 8 : i32
      %mul3A_581 = arith.muli %scan3A_358, %mul3A_580 : i32
      %add3A_582 = arith.constant 5 : i32
      %add3A_583 = arith.addi %mul3A_581, %add3A_582 : i32
      %ge3A_584 = arith.constant 1 : i32
      %ge3A_585 = arith.cmpi sge, %scan3A_358, %ge3A_584 : i32
      %convert_element_type3A_586 = arith.extui %ge3A_585 : i1 to i32
      %cond3A_587 = arith.constant 0 : i32
      %cond3A_588 = arith.cmpi ne, %convert_element_type3A_586, %cond3A_587 : i32
      scf.if %cond3A_588 {
        %sub3A_715 = arith.constant 8 : i32
        %sub3A_716 = arith.subi %add3A_583, %sub3A_715 : i32
        %add3A_717 = arith.addi %mul3A_2, %sub3A_716 : i32
        %dma_wait3A_718 = arith.constant 5 : i32
        %dma_wait3A_719 = arith.constant 0 : i32
        %dma_wait3A_720 = arith.constant 0 : i32
        %dma_wait3A_721 = tpu.memref_slice %arg7[%dma_wait3A_718, %dma_wait3A_719, %dma_wait3A_720] : memref<8x50x256xf32, #tpu.memory_space<vmem>> -> memref<1x50x256xf32, #tpu.memory_space<vmem>>
        %dma_wait3A_722 = tpu.memref_squeeze %dma_wait3A_721 : memref<1x50x256xf32, #tpu.memory_space<vmem>> -> memref<50x256xf32, #tpu.memory_space<vmem>>
        %dma_wait3A_723 = arith.constant 0 : i32
        %dma_wait3A_724 = arith.constant 0 : i32
        %dma_wait3A_725 = tpu.memref_slice %arg5[%add3A_717, %dma_wait3A_723, %dma_wait3A_724] : memref<4096x50x256xf32, #tpu.memory_space<hbm>> -> memref<1x50x256xf32, #tpu.memory_space<hbm>>
        %dma_wait3A_726 = tpu.memref_squeeze %dma_wait3A_725 : memref<1x50x256xf32, #tpu.memory_space<hbm>> -> memref<50x256xf32, #tpu.memory_space<hbm>>
        %dma_wait3A_727 = arith.constant 0 : i32
        %dma_wait3A_728 = arith.constant 0 : i32
        %dma_wait3A_729 = tpu.memref_slice %arg5[%add3A_717, %dma_wait3A_727, %dma_wait3A_728] : memref<4096x50x256xf32, #tpu.memory_space<hbm>> -> memref<1x50x256xf32, #tpu.memory_space<hbm>>
        %dma_wait3A_730 = tpu.memref_squeeze %dma_wait3A_729 : memref<1x50x256xf32, #tpu.memory_space<hbm>> -> memref<50x256xf32, #tpu.memory_space<hbm>>
        %dma_wait3A_731 = arith.constant 0 : i32
        %dma_wait3A_732 = arith.constant 0 : i32
        %dma_wait3A_733 = tpu.memref_slice %arg7[%dma_wait3A_718, %dma_wait3A_731, %dma_wait3A_732] : memref<8x50x256xf32, #tpu.memory_space<vmem>> -> memref<1x50x256xf32, #tpu.memory_space<vmem>>
        %dma_wait3A_734 = tpu.memref_squeeze %dma_wait3A_733 : memref<1x50x256xf32, #tpu.memory_space<vmem>> -> memref<50x256xf32, #tpu.memory_space<vmem>>
        tpu.wait_dma2 semaphore(%arg29 : memref<!tpu.dma_semaphore, #tpu.memory_space<semaphore_mem>>) src(%dma_wait3A_734 : memref<50x256xf32, #tpu.memory_space<vmem>>) dst(%dma_wait3A_730 : memref<50x256xf32, #tpu.memory_space<hbm>>)
      } else {
      }
      %dma_start3A_589 = arith.constant 5 : i32
      %dma_start3A_590 = arith.constant 0 : i32
      %dma_start3A_591 = arith.constant 128 : i32
      %dma_start3A_592 = tpu.memref_slice %arg7[%dma_start3A_589, %dma_start3A_590, %dma_start3A_591] : memref<8x50x256xf32, #tpu.memory_space<vmem>> -> memref<1x50x128xf32, #tpu.memory_space<vmem>>
      %dma_start3A_593 = tpu.memref_squeeze %dma_start3A_592 : memref<1x50x128xf32, #tpu.memory_space<vmem>> -> memref<50x128xf32, #tpu.memory_space<vmem>>
      %dma_start3A_594 = arith.constant 0 : i32
      %dma_start3A_595 = tpu.memref_slice %arg6[%add3A_583, %dma_start3A_594] : memref<128x50xi32, #tpu.memory_space<vmem>> -> memref<1x50xi32, #tpu.memory_space<vmem>>
      %dma_start3A_596 = tpu.memref_squeeze %dma_start3A_595 : memref<1x50xi32, #tpu.memory_space<vmem>> -> memref<50xi32, #tpu.memory_space<vmem>>
      %dma_start3A_597 = arith.constant 0 : i32
      %dma_start3A_598 = arith.constant 0 : i32
      %dma_start3A_599 = tpu.memref_slice %arg4[%dma_start3A_597, %dma_start3A_598] : memref<1000x128xf32, #tpu.memory_space<hbm>> -> memref<1000x128xf32, #tpu.memory_space<hbm>>
      tpu.enqueue_indirect_dma source(%dma_start3A_599 : memref<1000x128xf32, #tpu.memory_space<hbm>>) target(%dma_start3A_593 : memref<50x128xf32, #tpu.memory_space<vmem>>) offsets(%dma_start3A_596 : memref<50xi32, #tpu.memory_space<vmem>>) semaphore(%arg13 : memref<!tpu.dma_semaphore, #tpu.memory_space<semaphore_mem>>)
      %add3A_600 = arith.addi %mul3A_2, %add3A_583 : i32
      %dma_start3A_601 = arith.constant 5 : i32
      %dma_start3A_602 = arith.constant 0 : i32
      %dma_start3A_603 = arith.constant 0 : i32
      %dma_start3A_604 = tpu.memref_slice %arg7[%dma_start3A_601, %dma_start3A_602, %dma_start3A_603] : memref<8x50x256xf32, #tpu.memory_space<vmem>> -> memref<1x50x128xf32, #tpu.memory_space<vmem>>
      %dma_start3A_605 = tpu.memref_squeeze %dma_start3A_604 : memref<1x50x128xf32, #tpu.memory_space<vmem>> -> memref<50x128xf32, #tpu.memory_space<vmem>>
      %dma_start3A_606 = arith.constant 0 : i32
      %dma_start3A_607 = arith.constant 0 : i32
      %dma_start3A_608 = tpu.memref_slice %arg2[%add3A_600, %dma_start3A_606, %dma_start3A_607] : memref<4096x50x128xf32, #tpu.memory_space<hbm>> -> memref<1x50x128xf32, #tpu.memory_space<hbm>>
      %dma_start3A_609 = tpu.memref_squeeze %dma_start3A_608 : memref<1x50x128xf32, #tpu.memory_space<hbm>> -> memref<50x128xf32, #tpu.memory_space<hbm>>
      %dma_start3A_610 = arith.constant 0 : i32
      %dma_start3A_611 = arith.constant 0 : i32
      %dma_start3A_612 = tpu.memref_slice %arg7[%dma_start3A_601, %dma_start3A_610, %dma_start3A_611] : memref<8x50x256xf32, #tpu.memory_space<vmem>> -> memref<1x50x128xf32, #tpu.memory_space<vmem>>
      %dma_start3A_613 = tpu.memref_squeeze %dma_start3A_612 : memref<1x50x128xf32, #tpu.memory_space<vmem>> -> memref<50x128xf32, #tpu.memory_space<vmem>>
      %dma_start3A_614 = arith.constant 0 : i32
      %dma_start3A_615 = arith.constant 0 : i32
      %dma_start3A_616 = tpu.memref_slice %arg2[%add3A_600, %dma_start3A_614, %dma_start3A_615] : memref<4096x50x128xf32, #tpu.memory_space<hbm>> -> memref<1x50x128xf32, #tpu.memory_space<hbm>>
      %dma_start3A_617 = tpu.memref_squeeze %dma_start3A_616 : memref<1x50x128xf32, #tpu.memory_space<hbm>> -> memref<50x128xf32, #tpu.memory_space<hbm>>
      tpu.enqueue_dma source(%dma_start3A_617 : memref<50x128xf32, #tpu.memory_space<hbm>>) target(%dma_start3A_613 : memref<50x128xf32, #tpu.memory_space<vmem>>) target_semaphore(%arg21 : memref<!tpu.dma_semaphore, #tpu.memory_space<semaphore_mem>>)
      %sub3A_618 = arith.constant 4 : i32
      %sub3A_619 = arith.subi %add3A_583, %sub3A_618 : i32
      %ge3A_620 = arith.constant 0 : i32
      %ge3A_621 = arith.cmpi sge, %sub3A_619, %ge3A_620 : i32
      %convert_element_type3A_622 = arith.extui %ge3A_621 : i1 to i32
      %cond3A_623 = arith.constant 0 : i32
      %cond3A_624 = arith.cmpi ne, %convert_element_type3A_622, %cond3A_623 : i32
      scf.if %cond3A_624 {
        %dma_wait3A_715 = arith.constant 1 : i32
        %dma_wait3A_716 = arith.constant 0 : i32
        %dma_wait3A_717 = arith.constant 128 : i32
        %dma_wait3A_718 = tpu.memref_slice %arg7[%dma_wait3A_715, %dma_wait3A_716, %dma_wait3A_717] : memref<8x50x256xf32, #tpu.memory_space<vmem>> -> memref<1x50x128xf32, #tpu.memory_space<vmem>>
        %dma_wait3A_719 = tpu.memref_squeeze %dma_wait3A_718 : memref<1x50x128xf32, #tpu.memory_space<vmem>> -> memref<50x128xf32, #tpu.memory_space<vmem>>
        %dma_wait3A_720 = arith.constant 0 : i32
        %dma_wait3A_721 = tpu.memref_slice %arg6[%sub3A_619, %dma_wait3A_720] : memref<128x50xi32, #tpu.memory_space<vmem>> -> memref<1x50xi32, #tpu.memory_space<vmem>>
        %dma_wait3A_722 = tpu.memref_squeeze %dma_wait3A_721 : memref<1x50xi32, #tpu.memory_space<vmem>> -> memref<50xi32, #tpu.memory_space<vmem>>
        %dma_wait3A_723 = arith.constant 0 : i32
        %dma_wait3A_724 = arith.constant 0 : i32
        %dma_wait3A_725 = tpu.memref_slice %arg4[%dma_wait3A_723, %dma_wait3A_724] : memref<1000x128xf32, #tpu.memory_space<hbm>> -> memref<1000x128xf32, #tpu.memory_space<hbm>>
        tpu.wait_indirect_dma semaphore(%arg9 : memref<!tpu.dma_semaphore, #tpu.memory_space<semaphore_mem>>) src(%dma_wait3A_725 : memref<1000x128xf32, #tpu.memory_space<hbm>>) dst(%dma_wait3A_719 : memref<50x128xf32, #tpu.memory_space<vmem>>)
        %add3A_726 = arith.addi %mul3A_2, %sub3A_619 : i32
        %dma_wait3A_727 = arith.constant 1 : i32
        %dma_wait3A_728 = arith.constant 0 : i32
        %dma_wait3A_729 = arith.constant 0 : i32
        %dma_wait3A_730 = tpu.memref_slice %arg7[%dma_wait3A_727, %dma_wait3A_728, %dma_wait3A_729] : memref<8x50x256xf32, #tpu.memory_space<vmem>> -> memref<1x50x128xf32, #tpu.memory_space<vmem>>
        %dma_wait3A_731 = tpu.memref_squeeze %dma_wait3A_730 : memref<1x50x128xf32, #tpu.memory_space<vmem>> -> memref<50x128xf32, #tpu.memory_space<vmem>>
        %dma_wait3A_732 = arith.constant 0 : i32
        %dma_wait3A_733 = arith.constant 0 : i32
        %dma_wait3A_734 = tpu.memref_slice %arg2[%add3A_726, %dma_wait3A_732, %dma_wait3A_733] : memref<4096x50x128xf32, #tpu.memory_space<hbm>> -> memref<1x50x128xf32, #tpu.memory_space<hbm>>
        %dma_wait3A_735 = tpu.memref_squeeze %dma_wait3A_734 : memref<1x50x128xf32, #tpu.memory_space<hbm>> -> memref<50x128xf32, #tpu.memory_space<hbm>>
        %dma_wait3A_736 = arith.constant 0 : i32
        %dma_wait3A_737 = arith.constant 0 : i32
        %dma_wait3A_738 = tpu.memref_slice %arg7[%dma_wait3A_727, %dma_wait3A_736, %dma_wait3A_737] : memref<8x50x256xf32, #tpu.memory_space<vmem>> -> memref<1x50x128xf32, #tpu.memory_space<vmem>>
        %dma_wait3A_739 = tpu.memref_squeeze %dma_wait3A_738 : memref<1x50x128xf32, #tpu.memory_space<vmem>> -> memref<50x128xf32, #tpu.memory_space<vmem>>
        %dma_wait3A_740 = arith.constant 0 : i32
        %dma_wait3A_741 = arith.constant 0 : i32
        %dma_wait3A_742 = tpu.memref_slice %arg2[%add3A_726, %dma_wait3A_740, %dma_wait3A_741] : memref<4096x50x128xf32, #tpu.memory_space<hbm>> -> memref<1x50x128xf32, #tpu.memory_space<hbm>>
        %dma_wait3A_743 = tpu.memref_squeeze %dma_wait3A_742 : memref<1x50x128xf32, #tpu.memory_space<hbm>> -> memref<50x128xf32, #tpu.memory_space<hbm>>
        tpu.wait_dma2 semaphore(%arg17 : memref<!tpu.dma_semaphore, #tpu.memory_space<semaphore_mem>>) src(%dma_wait3A_743 : memref<50x128xf32, #tpu.memory_space<hbm>>) dst(%dma_wait3A_739 : memref<50x128xf32, #tpu.memory_space<vmem>>)
        %add3A_744 = arith.addi %mul3A_2, %sub3A_619 : i32
        %dma_start3A_745 = arith.constant 1 : i32
        %dma_start3A_746 = arith.constant 0 : i32
        %dma_start3A_747 = arith.constant 0 : i32
        %dma_start3A_748 = tpu.memref_slice %arg7[%dma_start3A_745, %dma_start3A_746, %dma_start3A_747] : memref<8x50x256xf32, #tpu.memory_space<vmem>> -> memref<1x50x256xf32, #tpu.memory_space<vmem>>
        %dma_start3A_749 = tpu.memref_squeeze %dma_start3A_748 : memref<1x50x256xf32, #tpu.memory_space<vmem>> -> memref<50x256xf32, #tpu.memory_space<vmem>>
        %dma_start3A_750 = arith.constant 0 : i32
        %dma_start3A_751 = arith.constant 0 : i32
        %dma_start3A_752 = tpu.memref_slice %arg5[%add3A_744, %dma_start3A_750, %dma_start3A_751] : memref<4096x50x256xf32, #tpu.memory_space<hbm>> -> memref<1x50x256xf32, #tpu.memory_space<hbm>>
        %dma_start3A_753 = tpu.memref_squeeze %dma_start3A_752 : memref<1x50x256xf32, #tpu.memory_space<hbm>> -> memref<50x256xf32, #tpu.memory_space<hbm>>
        %dma_start3A_754 = arith.constant 0 : i32
        %dma_start3A_755 = arith.constant 0 : i32
        %dma_start3A_756 = tpu.memref_slice %arg5[%add3A_744, %dma_start3A_754, %dma_start3A_755] : memref<4096x50x256xf32, #tpu.memory_space<hbm>> -> memref<1x50x256xf32, #tpu.memory_space<hbm>>
        %dma_start3A_757 = tpu.memref_squeeze %dma_start3A_756 : memref<1x50x256xf32, #tpu.memory_space<hbm>> -> memref<50x256xf32, #tpu.memory_space<hbm>>
        %dma_start3A_758 = arith.constant 0 : i32
        %dma_start3A_759 = arith.constant 0 : i32
        %dma_start3A_760 = tpu.memref_slice %arg7[%dma_start3A_745, %dma_start3A_758, %dma_start3A_759] : memref<8x50x256xf32, #tpu.memory_space<vmem>> -> memref<1x50x256xf32, #tpu.memory_space<vmem>>
        %dma_start3A_761 = tpu.memref_squeeze %dma_start3A_760 : memref<1x50x256xf32, #tpu.memory_space<vmem>> -> memref<50x256xf32, #tpu.memory_space<vmem>>
        tpu.enqueue_dma source(%dma_start3A_761 : memref<50x256xf32, #tpu.memory_space<vmem>>) target(%dma_start3A_757 : memref<50x256xf32, #tpu.memory_space<hbm>>) target_semaphore(%arg25 : memref<!tpu.dma_semaphore, #tpu.memory_space<semaphore_mem>>)
      } else {
      }
      %mul3A_625 = arith.constant 8 : i32
      %mul3A_626 = arith.muli %scan3A_358, %mul3A_625 : i32
      %add3A_627 = arith.constant 6 : i32
      %add3A_628 = arith.addi %mul3A_626, %add3A_627 : i32
      %ge3A_629 = arith.constant 1 : i32
      %ge3A_630 = arith.cmpi sge, %scan3A_358, %ge3A_629 : i32
      %convert_element_type3A_631 = arith.extui %ge3A_630 : i1 to i32
      %cond3A_632 = arith.constant 0 : i32
      %cond3A_633 = arith.cmpi ne, %convert_element_type3A_631, %cond3A_632 : i32
      scf.if %cond3A_633 {
        %sub3A_715 = arith.constant 8 : i32
        %sub3A_716 = arith.subi %add3A_628, %sub3A_715 : i32
        %add3A_717 = arith.addi %mul3A_2, %sub3A_716 : i32
        %dma_wait3A_718 = arith.constant 6 : i32
        %dma_wait3A_719 = arith.constant 0 : i32
        %dma_wait3A_720 = arith.constant 0 : i32
        %dma_wait3A_721 = tpu.memref_slice %arg7[%dma_wait3A_718, %dma_wait3A_719, %dma_wait3A_720] : memref<8x50x256xf32, #tpu.memory_space<vmem>> -> memref<1x50x256xf32, #tpu.memory_space<vmem>>
        %dma_wait3A_722 = tpu.memref_squeeze %dma_wait3A_721 : memref<1x50x256xf32, #tpu.memory_space<vmem>> -> memref<50x256xf32, #tpu.memory_space<vmem>>
        %dma_wait3A_723 = arith.constant 0 : i32
        %dma_wait3A_724 = arith.constant 0 : i32
        %dma_wait3A_725 = tpu.memref_slice %arg5[%add3A_717, %dma_wait3A_723, %dma_wait3A_724] : memref<4096x50x256xf32, #tpu.memory_space<hbm>> -> memref<1x50x256xf32, #tpu.memory_space<hbm>>
        %dma_wait3A_726 = tpu.memref_squeeze %dma_wait3A_725 : memref<1x50x256xf32, #tpu.memory_space<hbm>> -> memref<50x256xf32, #tpu.memory_space<hbm>>
        %dma_wait3A_727 = arith.constant 0 : i32
        %dma_wait3A_728 = arith.constant 0 : i32
        %dma_wait3A_729 = tpu.memref_slice %arg5[%add3A_717, %dma_wait3A_727, %dma_wait3A_728] : memref<4096x50x256xf32, #tpu.memory_space<hbm>> -> memref<1x50x256xf32, #tpu.memory_space<hbm>>
        %dma_wait3A_730 = tpu.memref_squeeze %dma_wait3A_729 : memref<1x50x256xf32, #tpu.memory_space<hbm>> -> memref<50x256xf32, #tpu.memory_space<hbm>>
        %dma_wait3A_731 = arith.constant 0 : i32
        %dma_wait3A_732 = arith.constant 0 : i32
        %dma_wait3A_733 = tpu.memref_slice %arg7[%dma_wait3A_718, %dma_wait3A_731, %dma_wait3A_732] : memref<8x50x256xf32, #tpu.memory_space<vmem>> -> memref<1x50x256xf32, #tpu.memory_space<vmem>>
        %dma_wait3A_734 = tpu.memref_squeeze %dma_wait3A_733 : memref<1x50x256xf32, #tpu.memory_space<vmem>> -> memref<50x256xf32, #tpu.memory_space<vmem>>
        tpu.wait_dma2 semaphore(%arg30 : memref<!tpu.dma_semaphore, #tpu.memory_space<semaphore_mem>>) src(%dma_wait3A_734 : memref<50x256xf32, #tpu.memory_space<vmem>>) dst(%dma_wait3A_730 : memref<50x256xf32, #tpu.memory_space<hbm>>)
      } else {
      }
      %dma_start3A_634 = arith.constant 6 : i32
      %dma_start3A_635 = arith.constant 0 : i32
      %dma_start3A_636 = arith.constant 128 : i32
      %dma_start3A_637 = tpu.memref_slice %arg7[%dma_start3A_634, %dma_start3A_635, %dma_start3A_636] : memref<8x50x256xf32, #tpu.memory_space<vmem>> -> memref<1x50x128xf32, #tpu.memory_space<vmem>>
      %dma_start3A_638 = tpu.memref_squeeze %dma_start3A_637 : memref<1x50x128xf32, #tpu.memory_space<vmem>> -> memref<50x128xf32, #tpu.memory_space<vmem>>
      %dma_start3A_639 = arith.constant 0 : i32
      %dma_start3A_640 = tpu.memref_slice %arg6[%add3A_628, %dma_start3A_639] : memref<128x50xi32, #tpu.memory_space<vmem>> -> memref<1x50xi32, #tpu.memory_space<vmem>>
      %dma_start3A_641 = tpu.memref_squeeze %dma_start3A_640 : memref<1x50xi32, #tpu.memory_space<vmem>> -> memref<50xi32, #tpu.memory_space<vmem>>
      %dma_start3A_642 = arith.constant 0 : i32
      %dma_start3A_643 = arith.constant 0 : i32
      %dma_start3A_644 = tpu.memref_slice %arg4[%dma_start3A_642, %dma_start3A_643] : memref<1000x128xf32, #tpu.memory_space<hbm>> -> memref<1000x128xf32, #tpu.memory_space<hbm>>
      tpu.enqueue_indirect_dma source(%dma_start3A_644 : memref<1000x128xf32, #tpu.memory_space<hbm>>) target(%dma_start3A_638 : memref<50x128xf32, #tpu.memory_space<vmem>>) offsets(%dma_start3A_641 : memref<50xi32, #tpu.memory_space<vmem>>) semaphore(%arg14 : memref<!tpu.dma_semaphore, #tpu.memory_space<semaphore_mem>>)
      %add3A_645 = arith.addi %mul3A_2, %add3A_628 : i32
      %dma_start3A_646 = arith.constant 6 : i32
      %dma_start3A_647 = arith.constant 0 : i32
      %dma_start3A_648 = arith.constant 0 : i32
      %dma_start3A_649 = tpu.memref_slice %arg7[%dma_start3A_646, %dma_start3A_647, %dma_start3A_648] : memref<8x50x256xf32, #tpu.memory_space<vmem>> -> memref<1x50x128xf32, #tpu.memory_space<vmem>>
      %dma_start3A_650 = tpu.memref_squeeze %dma_start3A_649 : memref<1x50x128xf32, #tpu.memory_space<vmem>> -> memref<50x128xf32, #tpu.memory_space<vmem>>
      %dma_start3A_651 = arith.constant 0 : i32
      %dma_start3A_652 = arith.constant 0 : i32
      %dma_start3A_653 = tpu.memref_slice %arg2[%add3A_645, %dma_start3A_651, %dma_start3A_652] : memref<4096x50x128xf32, #tpu.memory_space<hbm>> -> memref<1x50x128xf32, #tpu.memory_space<hbm>>
      %dma_start3A_654 = tpu.memref_squeeze %dma_start3A_653 : memref<1x50x128xf32, #tpu.memory_space<hbm>> -> memref<50x128xf32, #tpu.memory_space<hbm>>
      %dma_start3A_655 = arith.constant 0 : i32
      %dma_start3A_656 = arith.constant 0 : i32
      %dma_start3A_657 = tpu.memref_slice %arg7[%dma_start3A_646, %dma_start3A_655, %dma_start3A_656] : memref<8x50x256xf32, #tpu.memory_space<vmem>> -> memref<1x50x128xf32, #tpu.memory_space<vmem>>
      %dma_start3A_658 = tpu.memref_squeeze %dma_start3A_657 : memref<1x50x128xf32, #tpu.memory_space<vmem>> -> memref<50x128xf32, #tpu.memory_space<vmem>>
      %dma_start3A_659 = arith.constant 0 : i32
      %dma_start3A_660 = arith.constant 0 : i32
      %dma_start3A_661 = tpu.memref_slice %arg2[%add3A_645, %dma_start3A_659, %dma_start3A_660] : memref<4096x50x128xf32, #tpu.memory_space<hbm>> -> memref<1x50x128xf32, #tpu.memory_space<hbm>>
      %dma_start3A_662 = tpu.memref_squeeze %dma_start3A_661 : memref<1x50x128xf32, #tpu.memory_space<hbm>> -> memref<50x128xf32, #tpu.memory_space<hbm>>
      tpu.enqueue_dma source(%dma_start3A_662 : memref<50x128xf32, #tpu.memory_space<hbm>>) target(%dma_start3A_658 : memref<50x128xf32, #tpu.memory_space<vmem>>) target_semaphore(%arg22 : memref<!tpu.dma_semaphore, #tpu.memory_space<semaphore_mem>>)
      %sub3A_663 = arith.constant 4 : i32
      %sub3A_664 = arith.subi %add3A_628, %sub3A_663 : i32
      %ge3A_665 = arith.constant 0 : i32
      %ge3A_666 = arith.cmpi sge, %sub3A_664, %ge3A_665 : i32
      %convert_element_type3A_667 = arith.extui %ge3A_666 : i1 to i32
      %cond3A_668 = arith.constant 0 : i32
      %cond3A_669 = arith.cmpi ne, %convert_element_type3A_667, %cond3A_668 : i32
      scf.if %cond3A_669 {
        %dma_wait3A_715 = arith.constant 2 : i32
        %dma_wait3A_716 = arith.constant 0 : i32
        %dma_wait3A_717 = arith.constant 128 : i32
        %dma_wait3A_718 = tpu.memref_slice %arg7[%dma_wait3A_715, %dma_wait3A_716, %dma_wait3A_717] : memref<8x50x256xf32, #tpu.memory_space<vmem>> -> memref<1x50x128xf32, #tpu.memory_space<vmem>>
        %dma_wait3A_719 = tpu.memref_squeeze %dma_wait3A_718 : memref<1x50x128xf32, #tpu.memory_space<vmem>> -> memref<50x128xf32, #tpu.memory_space<vmem>>
        %dma_wait3A_720 = arith.constant 0 : i32
        %dma_wait3A_721 = tpu.memref_slice %arg6[%sub3A_664, %dma_wait3A_720] : memref<128x50xi32, #tpu.memory_space<vmem>> -> memref<1x50xi32, #tpu.memory_space<vmem>>
        %dma_wait3A_722 = tpu.memref_squeeze %dma_wait3A_721 : memref<1x50xi32, #tpu.memory_space<vmem>> -> memref<50xi32, #tpu.memory_space<vmem>>
        %dma_wait3A_723 = arith.constant 0 : i32
        %dma_wait3A_724 = arith.constant 0 : i32
        %dma_wait3A_725 = tpu.memref_slice %arg4[%dma_wait3A_723, %dma_wait3A_724] : memref<1000x128xf32, #tpu.memory_space<hbm>> -> memref<1000x128xf32, #tpu.memory_space<hbm>>
        tpu.wait_indirect_dma semaphore(%arg10 : memref<!tpu.dma_semaphore, #tpu.memory_space<semaphore_mem>>) src(%dma_wait3A_725 : memref<1000x128xf32, #tpu.memory_space<hbm>>) dst(%dma_wait3A_719 : memref<50x128xf32, #tpu.memory_space<vmem>>)
        %add3A_726 = arith.addi %mul3A_2, %sub3A_664 : i32
        %dma_wait3A_727 = arith.constant 2 : i32
        %dma_wait3A_728 = arith.constant 0 : i32
        %dma_wait3A_729 = arith.constant 0 : i32
        %dma_wait3A_730 = tpu.memref_slice %arg7[%dma_wait3A_727, %dma_wait3A_728, %dma_wait3A_729] : memref<8x50x256xf32, #tpu.memory_space<vmem>> -> memref<1x50x128xf32, #tpu.memory_space<vmem>>
        %dma_wait3A_731 = tpu.memref_squeeze %dma_wait3A_730 : memref<1x50x128xf32, #tpu.memory_space<vmem>> -> memref<50x128xf32, #tpu.memory_space<vmem>>
        %dma_wait3A_732 = arith.constant 0 : i32
        %dma_wait3A_733 = arith.constant 0 : i32
        %dma_wait3A_734 = tpu.memref_slice %arg2[%add3A_726, %dma_wait3A_732, %dma_wait3A_733] : memref<4096x50x128xf32, #tpu.memory_space<hbm>> -> memref<1x50x128xf32, #tpu.memory_space<hbm>>
        %dma_wait3A_735 = tpu.memref_squeeze %dma_wait3A_734 : memref<1x50x128xf32, #tpu.memory_space<hbm>> -> memref<50x128xf32, #tpu.memory_space<hbm>>
        %dma_wait3A_736 = arith.constant 0 : i32
        %dma_wait3A_737 = arith.constant 0 : i32
        %dma_wait3A_738 = tpu.memref_slice %arg7[%dma_wait3A_727, %dma_wait3A_736, %dma_wait3A_737] : memref<8x50x256xf32, #tpu.memory_space<vmem>> -> memref<1x50x128xf32, #tpu.memory_space<vmem>>
        %dma_wait3A_739 = tpu.memref_squeeze %dma_wait3A_738 : memref<1x50x128xf32, #tpu.memory_space<vmem>> -> memref<50x128xf32, #tpu.memory_space<vmem>>
        %dma_wait3A_740 = arith.constant 0 : i32
        %dma_wait3A_741 = arith.constant 0 : i32
        %dma_wait3A_742 = tpu.memref_slice %arg2[%add3A_726, %dma_wait3A_740, %dma_wait3A_741] : memref<4096x50x128xf32, #tpu.memory_space<hbm>> -> memref<1x50x128xf32, #tpu.memory_space<hbm>>
        %dma_wait3A_743 = tpu.memref_squeeze %dma_wait3A_742 : memref<1x50x128xf32, #tpu.memory_space<hbm>> -> memref<50x128xf32, #tpu.memory_space<hbm>>
        tpu.wait_dma2 semaphore(%arg18 : memref<!tpu.dma_semaphore, #tpu.memory_space<semaphore_mem>>) src(%dma_wait3A_743 : memref<50x128xf32, #tpu.memory_space<hbm>>) dst(%dma_wait3A_739 : memref<50x128xf32, #tpu.memory_space<vmem>>)
        %add3A_744 = arith.addi %mul3A_2, %sub3A_664 : i32
        %dma_start3A_745 = arith.constant 2 : i32
        %dma_start3A_746 = arith.constant 0 : i32
        %dma_start3A_747 = arith.constant 0 : i32
        %dma_start3A_748 = tpu.memref_slice %arg7[%dma_start3A_745, %dma_start3A_746, %dma_start3A_747] : memref<8x50x256xf32, #tpu.memory_space<vmem>> -> memref<1x50x256xf32, #tpu.memory_space<vmem>>
        %dma_start3A_749 = tpu.memref_squeeze %dma_start3A_748 : memref<1x50x256xf32, #tpu.memory_space<vmem>> -> memref<50x256xf32, #tpu.memory_space<vmem>>
        %dma_start3A_750 = arith.constant 0 : i32
        %dma_start3A_751 = arith.constant 0 : i32
        %dma_start3A_752 = tpu.memref_slice %arg5[%add3A_744, %dma_start3A_750, %dma_start3A_751] : memref<4096x50x256xf32, #tpu.memory_space<hbm>> -> memref<1x50x256xf32, #tpu.memory_space<hbm>>
        %dma_start3A_753 = tpu.memref_squeeze %dma_start3A_752 : memref<1x50x256xf32, #tpu.memory_space<hbm>> -> memref<50x256xf32, #tpu.memory_space<hbm>>
        %dma_start3A_754 = arith.constant 0 : i32
        %dma_start3A_755 = arith.constant 0 : i32
        %dma_start3A_756 = tpu.memref_slice %arg5[%add3A_744, %dma_start3A_754, %dma_start3A_755] : memref<4096x50x256xf32, #tpu.memory_space<hbm>> -> memref<1x50x256xf32, #tpu.memory_space<hbm>>
        %dma_start3A_757 = tpu.memref_squeeze %dma_start3A_756 : memref<1x50x256xf32, #tpu.memory_space<hbm>> -> memref<50x256xf32, #tpu.memory_space<hbm>>
        %dma_start3A_758 = arith.constant 0 : i32
        %dma_start3A_759 = arith.constant 0 : i32
        %dma_start3A_760 = tpu.memref_slice %arg7[%dma_start3A_745, %dma_start3A_758, %dma_start3A_759] : memref<8x50x256xf32, #tpu.memory_space<vmem>> -> memref<1x50x256xf32, #tpu.memory_space<vmem>>
        %dma_start3A_761 = tpu.memref_squeeze %dma_start3A_760 : memref<1x50x256xf32, #tpu.memory_space<vmem>> -> memref<50x256xf32, #tpu.memory_space<vmem>>
        tpu.enqueue_dma source(%dma_start3A_761 : memref<50x256xf32, #tpu.memory_space<vmem>>) target(%dma_start3A_757 : memref<50x256xf32, #tpu.memory_space<hbm>>) target_semaphore(%arg26 : memref<!tpu.dma_semaphore, #tpu.memory_space<semaphore_mem>>)
      } else {
      }
      %mul3A_670 = arith.constant 8 : i32
      %mul3A_671 = arith.muli %scan3A_358, %mul3A_670 : i32
      %add3A_672 = arith.constant 7 : i32
      %add3A_673 = arith.addi %mul3A_671, %add3A_672 : i32
      %ge3A_674 = arith.constant 1 : i32
      %ge3A_675 = arith.cmpi sge, %scan3A_358, %ge3A_674 : i32
      %convert_element_type3A_676 = arith.extui %ge3A_675 : i1 to i32
      %cond3A_677 = arith.constant 0 : i32
      %cond3A_678 = arith.cmpi ne, %convert_element_type3A_676, %cond3A_677 : i32
      scf.if %cond3A_678 {
        %sub3A_715 = arith.constant 8 : i32
        %sub3A_716 = arith.subi %add3A_673, %sub3A_715 : i32
        %add3A_717 = arith.addi %mul3A_2, %sub3A_716 : i32
        %dma_wait3A_718 = arith.constant 7 : i32
        %dma_wait3A_719 = arith.constant 0 : i32
        %dma_wait3A_720 = arith.constant 0 : i32
        %dma_wait3A_721 = tpu.memref_slice %arg7[%dma_wait3A_718, %dma_wait3A_719, %dma_wait3A_720] : memref<8x50x256xf32, #tpu.memory_space<vmem>> -> memref<1x50x256xf32, #tpu.memory_space<vmem>>
        %dma_wait3A_722 = tpu.memref_squeeze %dma_wait3A_721 : memref<1x50x256xf32, #tpu.memory_space<vmem>> -> memref<50x256xf32, #tpu.memory_space<vmem>>
        %dma_wait3A_723 = arith.constant 0 : i32
        %dma_wait3A_724 = arith.constant 0 : i32
        %dma_wait3A_725 = tpu.memref_slice %arg5[%add3A_717, %dma_wait3A_723, %dma_wait3A_724] : memref<4096x50x256xf32, #tpu.memory_space<hbm>> -> memref<1x50x256xf32, #tpu.memory_space<hbm>>
        %dma_wait3A_726 = tpu.memref_squeeze %dma_wait3A_725 : memref<1x50x256xf32, #tpu.memory_space<hbm>> -> memref<50x256xf32, #tpu.memory_space<hbm>>
        %dma_wait3A_727 = arith.constant 0 : i32
        %dma_wait3A_728 = arith.constant 0 : i32
        %dma_wait3A_729 = tpu.memref_slice %arg5[%add3A_717, %dma_wait3A_727, %dma_wait3A_728] : memref<4096x50x256xf32, #tpu.memory_space<hbm>> -> memref<1x50x256xf32, #tpu.memory_space<hbm>>
        %dma_wait3A_730 = tpu.memref_squeeze %dma_wait3A_729 : memref<1x50x256xf32, #tpu.memory_space<hbm>> -> memref<50x256xf32, #tpu.memory_space<hbm>>
        %dma_wait3A_731 = arith.constant 0 : i32
        %dma_wait3A_732 = arith.constant 0 : i32
        %dma_wait3A_733 = tpu.memref_slice %arg7[%dma_wait3A_718, %dma_wait3A_731, %dma_wait3A_732] : memref<8x50x256xf32, #tpu.memory_space<vmem>> -> memref<1x50x256xf32, #tpu.memory_space<vmem>>
        %dma_wait3A_734 = tpu.memref_squeeze %dma_wait3A_733 : memref<1x50x256xf32, #tpu.memory_space<vmem>> -> memref<50x256xf32, #tpu.memory_space<vmem>>
        tpu.wait_dma2 semaphore(%arg31 : memref<!tpu.dma_semaphore, #tpu.memory_space<semaphore_mem>>) src(%dma_wait3A_734 : memref<50x256xf32, #tpu.memory_space<vmem>>) dst(%dma_wait3A_730 : memref<50x256xf32, #tpu.memory_space<hbm>>)
      } else {
      }
      %dma_start3A_679 = arith.constant 7 : i32
      %dma_start3A_680 = arith.constant 0 : i32
      %dma_start3A_681 = arith.constant 128 : i32
      %dma_start3A_682 = tpu.memref_slice %arg7[%dma_start3A_679, %dma_start3A_680, %dma_start3A_681] : memref<8x50x256xf32, #tpu.memory_space<vmem>> -> memref<1x50x128xf32, #tpu.memory_space<vmem>>
      %dma_start3A_683 = tpu.memref_squeeze %dma_start3A_682 : memref<1x50x128xf32, #tpu.memory_space<vmem>> -> memref<50x128xf32, #tpu.memory_space<vmem>>
      %dma_start3A_684 = arith.constant 0 : i32
      %dma_start3A_685 = tpu.memref_slice %arg6[%add3A_673, %dma_start3A_684] : memref<128x50xi32, #tpu.memory_space<vmem>> -> memref<1x50xi32, #tpu.memory_space<vmem>>
      %dma_start3A_686 = tpu.memref_squeeze %dma_start3A_685 : memref<1x50xi32, #tpu.memory_space<vmem>> -> memref<50xi32, #tpu.memory_space<vmem>>
      %dma_start3A_687 = arith.constant 0 : i32
      %dma_start3A_688 = arith.constant 0 : i32
      %dma_start3A_689 = tpu.memref_slice %arg4[%dma_start3A_687, %dma_start3A_688] : memref<1000x128xf32, #tpu.memory_space<hbm>> -> memref<1000x128xf32, #tpu.memory_space<hbm>>
      tpu.enqueue_indirect_dma source(%dma_start3A_689 : memref<1000x128xf32, #tpu.memory_space<hbm>>) target(%dma_start3A_683 : memref<50x128xf32, #tpu.memory_space<vmem>>) offsets(%dma_start3A_686 : memref<50xi32, #tpu.memory_space<vmem>>) semaphore(%arg15 : memref<!tpu.dma_semaphore, #tpu.memory_space<semaphore_mem>>)
      %add3A_690 = arith.addi %mul3A_2, %add3A_673 : i32
      %dma_start3A_691 = arith.constant 7 : i32
      %dma_start3A_692 = arith.constant 0 : i32
      %dma_start3A_693 = arith.constant 0 : i32
      %dma_start3A_694 = tpu.memref_slice %arg7[%dma_start3A_691, %dma_start3A_692, %dma_start3A_693] : memref<8x50x256xf32, #tpu.memory_space<vmem>> -> memref<1x50x128xf32, #tpu.memory_space<vmem>>
      %dma_start3A_695 = tpu.memref_squeeze %dma_start3A_694 : memref<1x50x128xf32, #tpu.memory_space<vmem>> -> memref<50x128xf32, #tpu.memory_space<vmem>>
      %dma_start3A_696 = arith.constant 0 : i32
      %dma_start3A_697 = arith.constant 0 : i32
      %dma_start3A_698 = tpu.memref_slice %arg2[%add3A_690, %dma_start3A_696, %dma_start3A_697] : memref<4096x50x128xf32, #tpu.memory_space<hbm>> -> memref<1x50x128xf32, #tpu.memory_space<hbm>>
      %dma_start3A_699 = tpu.memref_squeeze %dma_start3A_698 : memref<1x50x128xf32, #tpu.memory_space<hbm>> -> memref<50x128xf32, #tpu.memory_space<hbm>>
      %dma_start3A_700 = arith.constant 0 : i32
      %dma_start3A_701 = arith.constant 0 : i32
      %dma_start3A_702 = tpu.memref_slice %arg7[%dma_start3A_691, %dma_start3A_700, %dma_start3A_701] : memref<8x50x256xf32, #tpu.memory_space<vmem>> -> memref<1x50x128xf32, #tpu.memory_space<vmem>>
      %dma_start3A_703 = tpu.memref_squeeze %dma_start3A_702 : memref<1x50x128xf32, #tpu.memory_space<vmem>> -> memref<50x128xf32, #tpu.memory_space<vmem>>
      %dma_start3A_704 = arith.constant 0 : i32
      %dma_start3A_705 = arith.constant 0 : i32
      %dma_start3A_706 = tpu.memref_slice %arg2[%add3A_690, %dma_start3A_704, %dma_start3A_705] : memref<4096x50x128xf32, #tpu.memory_space<hbm>> -> memref<1x50x128xf32, #tpu.memory_space<hbm>>
      %dma_start3A_707 = tpu.memref_squeeze %dma_start3A_706 : memref<1x50x128xf32, #tpu.memory_space<hbm>> -> memref<50x128xf32, #tpu.memory_space<hbm>>
      tpu.enqueue_dma source(%dma_start3A_707 : memref<50x128xf32, #tpu.memory_space<hbm>>) target(%dma_start3A_703 : memref<50x128xf32, #tpu.memory_space<vmem>>) target_semaphore(%arg23 : memref<!tpu.dma_semaphore, #tpu.memory_space<semaphore_mem>>)
      %sub3A_708 = arith.constant 4 : i32
      %sub3A_709 = arith.subi %add3A_673, %sub3A_708 : i32
      %ge3A_710 = arith.constant 0 : i32
      %ge3A_711 = arith.cmpi sge, %sub3A_709, %ge3A_710 : i32
      %convert_element_type3A_712 = arith.extui %ge3A_711 : i1 to i32
      %cond3A_713 = arith.constant 0 : i32
      %cond3A_714 = arith.cmpi ne, %convert_element_type3A_712, %cond3A_713 : i32
      scf.if %cond3A_714 {
        %dma_wait3A_715 = arith.constant 3 : i32
        %dma_wait3A_716 = arith.constant 0 : i32
        %dma_wait3A_717 = arith.constant 128 : i32
        %dma_wait3A_718 = tpu.memref_slice %arg7[%dma_wait3A_715, %dma_wait3A_716, %dma_wait3A_717] : memref<8x50x256xf32, #tpu.memory_space<vmem>> -> memref<1x50x128xf32, #tpu.memory_space<vmem>>
        %dma_wait3A_719 = tpu.memref_squeeze %dma_wait3A_718 : memref<1x50x128xf32, #tpu.memory_space<vmem>> -> memref<50x128xf32, #tpu.memory_space<vmem>>
        %dma_wait3A_720 = arith.constant 0 : i32
        %dma_wait3A_721 = tpu.memref_slice %arg6[%sub3A_709, %dma_wait3A_720] : memref<128x50xi32, #tpu.memory_space<vmem>> -> memref<1x50xi32, #tpu.memory_space<vmem>>
        %dma_wait3A_722 = tpu.memref_squeeze %dma_wait3A_721 : memref<1x50xi32, #tpu.memory_space<vmem>> -> memref<50xi32, #tpu.memory_space<vmem>>
        %dma_wait3A_723 = arith.constant 0 : i32
        %dma_wait3A_724 = arith.constant 0 : i32
        %dma_wait3A_725 = tpu.memref_slice %arg4[%dma_wait3A_723, %dma_wait3A_724] : memref<1000x128xf32, #tpu.memory_space<hbm>> -> memref<1000x128xf32, #tpu.memory_space<hbm>>
        tpu.wait_indirect_dma semaphore(%arg11 : memref<!tpu.dma_semaphore, #tpu.memory_space<semaphore_mem>>) src(%dma_wait3A_725 : memref<1000x128xf32, #tpu.memory_space<hbm>>) dst(%dma_wait3A_719 : memref<50x128xf32, #tpu.memory_space<vmem>>)
        %add3A_726 = arith.addi %mul3A_2, %sub3A_709 : i32
        %dma_wait3A_727 = arith.constant 3 : i32
        %dma_wait3A_728 = arith.constant 0 : i32
        %dma_wait3A_729 = arith.constant 0 : i32
        %dma_wait3A_730 = tpu.memref_slice %arg7[%dma_wait3A_727, %dma_wait3A_728, %dma_wait3A_729] : memref<8x50x256xf32, #tpu.memory_space<vmem>> -> memref<1x50x128xf32, #tpu.memory_space<vmem>>
        %dma_wait3A_731 = tpu.memref_squeeze %dma_wait3A_730 : memref<1x50x128xf32, #tpu.memory_space<vmem>> -> memref<50x128xf32, #tpu.memory_space<vmem>>
        %dma_wait3A_732 = arith.constant 0 : i32
        %dma_wait3A_733 = arith.constant 0 : i32
        %dma_wait3A_734 = tpu.memref_slice %arg2[%add3A_726, %dma_wait3A_732, %dma_wait3A_733] : memref<4096x50x128xf32, #tpu.memory_space<hbm>> -> memref<1x50x128xf32, #tpu.memory_space<hbm>>
        %dma_wait3A_735 = tpu.memref_squeeze %dma_wait3A_734 : memref<1x50x128xf32, #tpu.memory_space<hbm>> -> memref<50x128xf32, #tpu.memory_space<hbm>>
        %dma_wait3A_736 = arith.constant 0 : i32
        %dma_wait3A_737 = arith.constant 0 : i32
        %dma_wait3A_738 = tpu.memref_slice %arg7[%dma_wait3A_727, %dma_wait3A_736, %dma_wait3A_737] : memref<8x50x256xf32, #tpu.memory_space<vmem>> -> memref<1x50x128xf32, #tpu.memory_space<vmem>>
        %dma_wait3A_739 = tpu.memref_squeeze %dma_wait3A_738 : memref<1x50x128xf32, #tpu.memory_space<vmem>> -> memref<50x128xf32, #tpu.memory_space<vmem>>
        %dma_wait3A_740 = arith.constant 0 : i32
        %dma_wait3A_741 = arith.constant 0 : i32
        %dma_wait3A_742 = tpu.memref_slice %arg2[%add3A_726, %dma_wait3A_740, %dma_wait3A_741] : memref<4096x50x128xf32, #tpu.memory_space<hbm>> -> memref<1x50x128xf32, #tpu.memory_space<hbm>>
        %dma_wait3A_743 = tpu.memref_squeeze %dma_wait3A_742 : memref<1x50x128xf32, #tpu.memory_space<hbm>> -> memref<50x128xf32, #tpu.memory_space<hbm>>
        tpu.wait_dma2 semaphore(%arg19 : memref<!tpu.dma_semaphore, #tpu.memory_space<semaphore_mem>>) src(%dma_wait3A_743 : memref<50x128xf32, #tpu.memory_space<hbm>>) dst(%dma_wait3A_739 : memref<50x128xf32, #tpu.memory_space<vmem>>)
        %add3A_744 = arith.addi %mul3A_2, %sub3A_709 : i32
        %dma_start3A_745 = arith.constant 3 : i32
        %dma_start3A_746 = arith.constant 0 : i32
        %dma_start3A_747 = arith.constant 0 : i32
        %dma_start3A_748 = tpu.memref_slice %arg7[%dma_start3A_745, %dma_start3A_746, %dma_start3A_747] : memref<8x50x256xf32, #tpu.memory_space<vmem>> -> memref<1x50x256xf32, #tpu.memory_space<vmem>>
        %dma_start3A_749 = tpu.memref_squeeze %dma_start3A_748 : memref<1x50x256xf32, #tpu.memory_space<vmem>> -> memref<50x256xf32, #tpu.memory_space<vmem>>
        %dma_start3A_750 = arith.constant 0 : i32
        %dma_start3A_751 = arith.constant 0 : i32
        %dma_start3A_752 = tpu.memref_slice %arg5[%add3A_744, %dma_start3A_750, %dma_start3A_751] : memref<4096x50x256xf32, #tpu.memory_space<hbm>> -> memref<1x50x256xf32, #tpu.memory_space<hbm>>
        %dma_start3A_753 = tpu.memref_squeeze %dma_start3A_752 : memref<1x50x256xf32, #tpu.memory_space<hbm>> -> memref<50x256xf32, #tpu.memory_space<hbm>>
        %dma_start3A_754 = arith.constant 0 : i32
        %dma_start3A_755 = arith.constant 0 : i32
        %dma_start3A_756 = tpu.memref_slice %arg5[%add3A_744, %dma_start3A_754, %dma_start3A_755] : memref<4096x50x256xf32, #tpu.memory_space<hbm>> -> memref<1x50x256xf32, #tpu.memory_space<hbm>>
        %dma_start3A_757 = tpu.memref_squeeze %dma_start3A_756 : memref<1x50x256xf32, #tpu.memory_space<hbm>> -> memref<50x256xf32, #tpu.memory_space<hbm>>
        %dma_start3A_758 = arith.constant 0 : i32
        %dma_start3A_759 = arith.constant 0 : i32
        %dma_start3A_760 = tpu.memref_slice %arg7[%dma_start3A_745, %dma_start3A_758, %dma_start3A_759] : memref<8x50x256xf32, #tpu.memory_space<vmem>> -> memref<1x50x256xf32, #tpu.memory_space<vmem>>
        %dma_start3A_761 = tpu.memref_squeeze %dma_start3A_760 : memref<1x50x256xf32, #tpu.memory_space<vmem>> -> memref<50x256xf32, #tpu.memory_space<vmem>>
        tpu.enqueue_dma source(%dma_start3A_761 : memref<50x256xf32, #tpu.memory_space<vmem>>) target(%dma_start3A_757 : memref<50x256xf32, #tpu.memory_space<hbm>>) target_semaphore(%arg27 : memref<!tpu.dma_semaphore, #tpu.memory_space<semaphore_mem>>)
      } else {
      }
    }
    %scan3A_7 = arith.constant 16 : i32
    %dma_wait3A = arith.constant 124 : i32
    %dma_wait3A_8 = arith.constant 4 : i32
    %dma_wait3A_9 = arith.constant 0 : i32
    %dma_wait3A_10 = arith.constant 128 : i32
    %dma_wait3A_11 = tpu.memref_slice %arg7[%dma_wait3A_8, %dma_wait3A_9, %dma_wait3A_10] : memref<8x50x256xf32, #tpu.memory_space<vmem>> -> memref<1x50x128xf32, #tpu.memory_space<vmem>>
    %dma_wait3A_12 = tpu.memref_squeeze %dma_wait3A_11 : memref<1x50x128xf32, #tpu.memory_space<vmem>> -> memref<50x128xf32, #tpu.memory_space<vmem>>
    %dma_wait3A_13 = arith.constant 0 : i32
    %dma_wait3A_14 = tpu.memref_slice %arg6[%dma_wait3A, %dma_wait3A_13] : memref<128x50xi32, #tpu.memory_space<vmem>> -> memref<1x50xi32, #tpu.memory_space<vmem>>
    %dma_wait3A_15 = tpu.memref_squeeze %dma_wait3A_14 : memref<1x50xi32, #tpu.memory_space<vmem>> -> memref<50xi32, #tpu.memory_space<vmem>>
    %dma_wait3A_16 = arith.constant 0 : i32
    %dma_wait3A_17 = arith.constant 0 : i32
    %dma_wait3A_18 = tpu.memref_slice %arg4[%dma_wait3A_16, %dma_wait3A_17] : memref<1000x128xf32, #tpu.memory_space<hbm>> -> memref<1000x128xf32, #tpu.memory_space<hbm>>
    tpu.wait_indirect_dma semaphore(%arg12 : memref<!tpu.dma_semaphore, #tpu.memory_space<semaphore_mem>>) src(%dma_wait3A_18 : memref<1000x128xf32, #tpu.memory_space<hbm>>) dst(%dma_wait3A_12 : memref<50x128xf32, #tpu.memory_space<vmem>>)
    %add3A_19 = arith.constant 124 : i32
    %add3A_20 = arith.addi %mul3A_2, %add3A_19 : i32
    %dma_wait3A_21 = arith.constant 4 : i32
    %dma_wait3A_22 = arith.constant 0 : i32
    %dma_wait3A_23 = arith.constant 0 : i32
    %dma_wait3A_24 = tpu.memref_slice %arg7[%dma_wait3A_21, %dma_wait3A_22, %dma_wait3A_23] : memref<8x50x256xf32, #tpu.memory_space<vmem>> -> memref<1x50x128xf32, #tpu.memory_space<vmem>>
    %dma_wait3A_25 = tpu.memref_squeeze %dma_wait3A_24 : memref<1x50x128xf32, #tpu.memory_space<vmem>> -> memref<50x128xf32, #tpu.memory_space<vmem>>
    %dma_wait3A_26 = arith.constant 0 : i32
    %dma_wait3A_27 = arith.constant 0 : i32
    %dma_wait3A_28 = tpu.memref_slice %arg2[%add3A_20, %dma_wait3A_26, %dma_wait3A_27] : memref<4096x50x128xf32, #tpu.memory_space<hbm>> -> memref<1x50x128xf32, #tpu.memory_space<hbm>>
    %dma_wait3A_29 = tpu.memref_squeeze %dma_wait3A_28 : memref<1x50x128xf32, #tpu.memory_space<hbm>> -> memref<50x128xf32, #tpu.memory_space<hbm>>
    %dma_wait3A_30 = arith.constant 0 : i32
    %dma_wait3A_31 = arith.constant 0 : i32
    %dma_wait3A_32 = tpu.memref_slice %arg7[%dma_wait3A_21, %dma_wait3A_30, %dma_wait3A_31] : memref<8x50x256xf32, #tpu.memory_space<vmem>> -> memref<1x50x128xf32, #tpu.memory_space<vmem>>
    %dma_wait3A_33 = tpu.memref_squeeze %dma_wait3A_32 : memref<1x50x128xf32, #tpu.memory_space<vmem>> -> memref<50x128xf32, #tpu.memory_space<vmem>>
    %dma_wait3A_34 = arith.constant 0 : i32
    %dma_wait3A_35 = arith.constant 0 : i32
    %dma_wait3A_36 = tpu.memref_slice %arg2[%add3A_20, %dma_wait3A_34, %dma_wait3A_35] : memref<4096x50x128xf32, #tpu.memory_space<hbm>> -> memref<1x50x128xf32, #tpu.memory_space<hbm>>
    %dma_wait3A_37 = tpu.memref_squeeze %dma_wait3A_36 : memref<1x50x128xf32, #tpu.memory_space<hbm>> -> memref<50x128xf32, #tpu.memory_space<hbm>>
    tpu.wait_dma2 semaphore(%arg20 : memref<!tpu.dma_semaphore, #tpu.memory_space<semaphore_mem>>) src(%dma_wait3A_37 : memref<50x128xf32, #tpu.memory_space<hbm>>) dst(%dma_wait3A_33 : memref<50x128xf32, #tpu.memory_space<vmem>>)
    %add3A_38 = arith.constant 124 : i32
    %add3A_39 = arith.addi %mul3A_2, %add3A_38 : i32
    %dma_start3A = arith.constant 4 : i32
    %dma_start3A_40 = arith.constant 0 : i32
    %dma_start3A_41 = arith.constant 0 : i32
    %dma_start3A_42 = tpu.memref_slice %arg7[%dma_start3A, %dma_start3A_40, %dma_start3A_41] : memref<8x50x256xf32, #tpu.memory_space<vmem>> -> memref<1x50x256xf32, #tpu.memory_space<vmem>>
    %dma_start3A_43 = tpu.memref_squeeze %dma_start3A_42 : memref<1x50x256xf32, #tpu.memory_space<vmem>> -> memref<50x256xf32, #tpu.memory_space<vmem>>
    %dma_start3A_44 = arith.constant 0 : i32
    %dma_start3A_45 = arith.constant 0 : i32
    %dma_start3A_46 = tpu.memref_slice %arg5[%add3A_39, %dma_start3A_44, %dma_start3A_45] : memref<4096x50x256xf32, #tpu.memory_space<hbm>> -> memref<1x50x256xf32, #tpu.memory_space<hbm>>
    %dma_start3A_47 = tpu.memref_squeeze %dma_start3A_46 : memref<1x50x256xf32, #tpu.memory_space<hbm>> -> memref<50x256xf32, #tpu.memory_space<hbm>>
    %dma_start3A_48 = arith.constant 0 : i32
    %dma_start3A_49 = arith.constant 0 : i32
    %dma_start3A_50 = tpu.memref_slice %arg5[%add3A_39, %dma_start3A_48, %dma_start3A_49] : memref<4096x50x256xf32, #tpu.memory_space<hbm>> -> memref<1x50x256xf32, #tpu.memory_space<hbm>>
    %dma_start3A_51 = tpu.memref_squeeze %dma_start3A_50 : memref<1x50x256xf32, #tpu.memory_space<hbm>> -> memref<50x256xf32, #tpu.memory_space<hbm>>
    %dma_start3A_52 = arith.constant 0 : i32
    %dma_start3A_53 = arith.constant 0 : i32
    %dma_start3A_54 = tpu.memref_slice %arg7[%dma_start3A, %dma_start3A_52, %dma_start3A_53] : memref<8x50x256xf32, #tpu.memory_space<vmem>> -> memref<1x50x256xf32, #tpu.memory_space<vmem>>
    %dma_start3A_55 = tpu.memref_squeeze %dma_start3A_54 : memref<1x50x256xf32, #tpu.memory_space<vmem>> -> memref<50x256xf32, #tpu.memory_space<vmem>>
    tpu.enqueue_dma source(%dma_start3A_55 : memref<50x256xf32, #tpu.memory_space<vmem>>) target(%dma_start3A_51 : memref<50x256xf32, #tpu.memory_space<hbm>>) target_semaphore(%arg28 : memref<!tpu.dma_semaphore, #tpu.memory_space<semaphore_mem>>)
    %dma_wait3A_56 = arith.constant 125 : i32
    %dma_wait3A_57 = arith.constant 5 : i32
    %dma_wait3A_58 = arith.constant 0 : i32
    %dma_wait3A_59 = arith.constant 128 : i32
    %dma_wait3A_60 = tpu.memref_slice %arg7[%dma_wait3A_57, %dma_wait3A_58, %dma_wait3A_59] : memref<8x50x256xf32, #tpu.memory_space<vmem>> -> memref<1x50x128xf32, #tpu.memory_space<vmem>>
    %dma_wait3A_61 = tpu.memref_squeeze %dma_wait3A_60 : memref<1x50x128xf32, #tpu.memory_space<vmem>> -> memref<50x128xf32, #tpu.memory_space<vmem>>
    %dma_wait3A_62 = arith.constant 0 : i32
    %dma_wait3A_63 = tpu.memref_slice %arg6[%dma_wait3A_56, %dma_wait3A_62] : memref<128x50xi32, #tpu.memory_space<vmem>> -> memref<1x50xi32, #tpu.memory_space<vmem>>
    %dma_wait3A_64 = tpu.memref_squeeze %dma_wait3A_63 : memref<1x50xi32, #tpu.memory_space<vmem>> -> memref<50xi32, #tpu.memory_space<vmem>>
    %dma_wait3A_65 = arith.constant 0 : i32
    %dma_wait3A_66 = arith.constant 0 : i32
    %dma_wait3A_67 = tpu.memref_slice %arg4[%dma_wait3A_65, %dma_wait3A_66] : memref<1000x128xf32, #tpu.memory_space<hbm>> -> memref<1000x128xf32, #tpu.memory_space<hbm>>
    tpu.wait_indirect_dma semaphore(%arg13 : memref<!tpu.dma_semaphore, #tpu.memory_space<semaphore_mem>>) src(%dma_wait3A_67 : memref<1000x128xf32, #tpu.memory_space<hbm>>) dst(%dma_wait3A_61 : memref<50x128xf32, #tpu.memory_space<vmem>>)
    %add3A_68 = arith.constant 125 : i32
    %add3A_69 = arith.addi %mul3A_2, %add3A_68 : i32
    %dma_wait3A_70 = arith.constant 5 : i32
    %dma_wait3A_71 = arith.constant 0 : i32
    %dma_wait3A_72 = arith.constant 0 : i32
    %dma_wait3A_73 = tpu.memref_slice %arg7[%dma_wait3A_70, %dma_wait3A_71, %dma_wait3A_72] : memref<8x50x256xf32, #tpu.memory_space<vmem>> -> memref<1x50x128xf32, #tpu.memory_space<vmem>>
    %dma_wait3A_74 = tpu.memref_squeeze %dma_wait3A_73 : memref<1x50x128xf32, #tpu.memory_space<vmem>> -> memref<50x128xf32, #tpu.memory_space<vmem>>
    %dma_wait3A_75 = arith.constant 0 : i32
    %dma_wait3A_76 = arith.constant 0 : i32
    %dma_wait3A_77 = tpu.memref_slice %arg2[%add3A_69, %dma_wait3A_75, %dma_wait3A_76] : memref<4096x50x128xf32, #tpu.memory_space<hbm>> -> memref<1x50x128xf32, #tpu.memory_space<hbm>>
    %dma_wait3A_78 = tpu.memref_squeeze %dma_wait3A_77 : memref<1x50x128xf32, #tpu.memory_space<hbm>> -> memref<50x128xf32, #tpu.memory_space<hbm>>
    %dma_wait3A_79 = arith.constant 0 : i32
    %dma_wait3A_80 = arith.constant 0 : i32
    %dma_wait3A_81 = tpu.memref_slice %arg7[%dma_wait3A_70, %dma_wait3A_79, %dma_wait3A_80] : memref<8x50x256xf32, #tpu.memory_space<vmem>> -> memref<1x50x128xf32, #tpu.memory_space<vmem>>
    %dma_wait3A_82 = tpu.memref_squeeze %dma_wait3A_81 : memref<1x50x128xf32, #tpu.memory_space<vmem>> -> memref<50x128xf32, #tpu.memory_space<vmem>>
    %dma_wait3A_83 = arith.constant 0 : i32
    %dma_wait3A_84 = arith.constant 0 : i32
    %dma_wait3A_85 = tpu.memref_slice %arg2[%add3A_69, %dma_wait3A_83, %dma_wait3A_84] : memref<4096x50x128xf32, #tpu.memory_space<hbm>> -> memref<1x50x128xf32, #tpu.memory_space<hbm>>
    %dma_wait3A_86 = tpu.memref_squeeze %dma_wait3A_85 : memref<1x50x128xf32, #tpu.memory_space<hbm>> -> memref<50x128xf32, #tpu.memory_space<hbm>>
    tpu.wait_dma2 semaphore(%arg21 : memref<!tpu.dma_semaphore, #tpu.memory_space<semaphore_mem>>) src(%dma_wait3A_86 : memref<50x128xf32, #tpu.memory_space<hbm>>) dst(%dma_wait3A_82 : memref<50x128xf32, #tpu.memory_space<vmem>>)
    %add3A_87 = arith.constant 125 : i32
    %add3A_88 = arith.addi %mul3A_2, %add3A_87 : i32
    %dma_start3A_89 = arith.constant 5 : i32
    %dma_start3A_90 = arith.constant 0 : i32
    %dma_start3A_91 = arith.constant 0 : i32
    %dma_start3A_92 = tpu.memref_slice %arg7[%dma_start3A_89, %dma_start3A_90, %dma_start3A_91] : memref<8x50x256xf32, #tpu.memory_space<vmem>> -> memref<1x50x256xf32, #tpu.memory_space<vmem>>
    %dma_start3A_93 = tpu.memref_squeeze %dma_start3A_92 : memref<1x50x256xf32, #tpu.memory_space<vmem>> -> memref<50x256xf32, #tpu.memory_space<vmem>>
    %dma_start3A_94 = arith.constant 0 : i32
    %dma_start3A_95 = arith.constant 0 : i32
    %dma_start3A_96 = tpu.memref_slice %arg5[%add3A_88, %dma_start3A_94, %dma_start3A_95] : memref<4096x50x256xf32, #tpu.memory_space<hbm>> -> memref<1x50x256xf32, #tpu.memory_space<hbm>>
    %dma_start3A_97 = tpu.memref_squeeze %dma_start3A_96 : memref<1x50x256xf32, #tpu.memory_space<hbm>> -> memref<50x256xf32, #tpu.memory_space<hbm>>
    %dma_start3A_98 = arith.constant 0 : i32
    %dma_start3A_99 = arith.constant 0 : i32
    %dma_start3A_100 = tpu.memref_slice %arg5[%add3A_88, %dma_start3A_98, %dma_start3A_99] : memref<4096x50x256xf32, #tpu.memory_space<hbm>> -> memref<1x50x256xf32, #tpu.memory_space<hbm>>
    %dma_start3A_101 = tpu.memref_squeeze %dma_start3A_100 : memref<1x50x256xf32, #tpu.memory_space<hbm>> -> memref<50x256xf32, #tpu.memory_space<hbm>>
    %dma_start3A_102 = arith.constant 0 : i32
    %dma_start3A_103 = arith.constant 0 : i32
    %dma_start3A_104 = tpu.memref_slice %arg7[%dma_start3A_89, %dma_start3A_102, %dma_start3A_103] : memref<8x50x256xf32, #tpu.memory_space<vmem>> -> memref<1x50x256xf32, #tpu.memory_space<vmem>>
    %dma_start3A_105 = tpu.memref_squeeze %dma_start3A_104 : memref<1x50x256xf32, #tpu.memory_space<vmem>> -> memref<50x256xf32, #tpu.memory_space<vmem>>
    tpu.enqueue_dma source(%dma_start3A_105 : memref<50x256xf32, #tpu.memory_space<vmem>>) target(%dma_start3A_101 : memref<50x256xf32, #tpu.memory_space<hbm>>) target_semaphore(%arg29 : memref<!tpu.dma_semaphore, #tpu.memory_space<semaphore_mem>>)
    %dma_wait3A_106 = arith.constant 126 : i32
    %dma_wait3A_107 = arith.constant 6 : i32
    %dma_wait3A_108 = arith.constant 0 : i32
    %dma_wait3A_109 = arith.constant 128 : i32
    %dma_wait3A_110 = tpu.memref_slice %arg7[%dma_wait3A_107, %dma_wait3A_108, %dma_wait3A_109] : memref<8x50x256xf32, #tpu.memory_space<vmem>> -> memref<1x50x128xf32, #tpu.memory_space<vmem>>
    %dma_wait3A_111 = tpu.memref_squeeze %dma_wait3A_110 : memref<1x50x128xf32, #tpu.memory_space<vmem>> -> memref<50x128xf32, #tpu.memory_space<vmem>>
    %dma_wait3A_112 = arith.constant 0 : i32
    %dma_wait3A_113 = tpu.memref_slice %arg6[%dma_wait3A_106, %dma_wait3A_112] : memref<128x50xi32, #tpu.memory_space<vmem>> -> memref<1x50xi32, #tpu.memory_space<vmem>>
    %dma_wait3A_114 = tpu.memref_squeeze %dma_wait3A_113 : memref<1x50xi32, #tpu.memory_space<vmem>> -> memref<50xi32, #tpu.memory_space<vmem>>
    %dma_wait3A_115 = arith.constant 0 : i32
    %dma_wait3A_116 = arith.constant 0 : i32
    %dma_wait3A_117 = tpu.memref_slice %arg4[%dma_wait3A_115, %dma_wait3A_116] : memref<1000x128xf32, #tpu.memory_space<hbm>> -> memref<1000x128xf32, #tpu.memory_space<hbm>>
    tpu.wait_indirect_dma semaphore(%arg14 : memref<!tpu.dma_semaphore, #tpu.memory_space<semaphore_mem>>) src(%dma_wait3A_117 : memref<1000x128xf32, #tpu.memory_space<hbm>>) dst(%dma_wait3A_111 : memref<50x128xf32, #tpu.memory_space<vmem>>)
    %add3A_118 = arith.constant 126 : i32
    %add3A_119 = arith.addi %mul3A_2, %add3A_118 : i32
    %dma_wait3A_120 = arith.constant 6 : i32
    %dma_wait3A_121 = arith.constant 0 : i32
    %dma_wait3A_122 = arith.constant 0 : i32
    %dma_wait3A_123 = tpu.memref_slice %arg7[%dma_wait3A_120, %dma_wait3A_121, %dma_wait3A_122] : memref<8x50x256xf32, #tpu.memory_space<vmem>> -> memref<1x50x128xf32, #tpu.memory_space<vmem>>
    %dma_wait3A_124 = tpu.memref_squeeze %dma_wait3A_123 : memref<1x50x128xf32, #tpu.memory_space<vmem>> -> memref<50x128xf32, #tpu.memory_space<vmem>>
    %dma_wait3A_125 = arith.constant 0 : i32
    %dma_wait3A_126 = arith.constant 0 : i32
    %dma_wait3A_127 = tpu.memref_slice %arg2[%add3A_119, %dma_wait3A_125, %dma_wait3A_126] : memref<4096x50x128xf32, #tpu.memory_space<hbm>> -> memref<1x50x128xf32, #tpu.memory_space<hbm>>
    %dma_wait3A_128 = tpu.memref_squeeze %dma_wait3A_127 : memref<1x50x128xf32, #tpu.memory_space<hbm>> -> memref<50x128xf32, #tpu.memory_space<hbm>>
    %dma_wait3A_129 = arith.constant 0 : i32
    %dma_wait3A_130 = arith.constant 0 : i32
    %dma_wait3A_131 = tpu.memref_slice %arg7[%dma_wait3A_120, %dma_wait3A_129, %dma_wait3A_130] : memref<8x50x256xf32, #tpu.memory_space<vmem>> -> memref<1x50x128xf32, #tpu.memory_space<vmem>>
    %dma_wait3A_132 = tpu.memref_squeeze %dma_wait3A_131 : memref<1x50x128xf32, #tpu.memory_space<vmem>> -> memref<50x128xf32, #tpu.memory_space<vmem>>
    %dma_wait3A_133 = arith.constant 0 : i32
    %dma_wait3A_134 = arith.constant 0 : i32
    %dma_wait3A_135 = tpu.memref_slice %arg2[%add3A_119, %dma_wait3A_133, %dma_wait3A_134] : memref<4096x50x128xf32, #tpu.memory_space<hbm>> -> memref<1x50x128xf32, #tpu.memory_space<hbm>>
    %dma_wait3A_136 = tpu.memref_squeeze %dma_wait3A_135 : memref<1x50x128xf32, #tpu.memory_space<hbm>> -> memref<50x128xf32, #tpu.memory_space<hbm>>
    tpu.wait_dma2 semaphore(%arg22 : memref<!tpu.dma_semaphore, #tpu.memory_space<semaphore_mem>>) src(%dma_wait3A_136 : memref<50x128xf32, #tpu.memory_space<hbm>>) dst(%dma_wait3A_132 : memref<50x128xf32, #tpu.memory_space<vmem>>)
    %add3A_137 = arith.constant 126 : i32
    %add3A_138 = arith.addi %mul3A_2, %add3A_137 : i32
    %dma_start3A_139 = arith.constant 6 : i32
    %dma_start3A_140 = arith.constant 0 : i32
    %dma_start3A_141 = arith.constant 0 : i32
    %dma_start3A_142 = tpu.memref_slice %arg7[%dma_start3A_139, %dma_start3A_140, %dma_start3A_141] : memref<8x50x256xf32, #tpu.memory_space<vmem>> -> memref<1x50x256xf32, #tpu.memory_space<vmem>>
    %dma_start3A_143 = tpu.memref_squeeze %dma_start3A_142 : memref<1x50x256xf32, #tpu.memory_space<vmem>> -> memref<50x256xf32, #tpu.memory_space<vmem>>
    %dma_start3A_144 = arith.constant 0 : i32
    %dma_start3A_145 = arith.constant 0 : i32
    %dma_start3A_146 = tpu.memref_slice %arg5[%add3A_138, %dma_start3A_144, %dma_start3A_145] : memref<4096x50x256xf32, #tpu.memory_space<hbm>> -> memref<1x50x256xf32, #tpu.memory_space<hbm>>
    %dma_start3A_147 = tpu.memref_squeeze %dma_start3A_146 : memref<1x50x256xf32, #tpu.memory_space<hbm>> -> memref<50x256xf32, #tpu.memory_space<hbm>>
    %dma_start3A_148 = arith.constant 0 : i32
    %dma_start3A_149 = arith.constant 0 : i32
    %dma_start3A_150 = tpu.memref_slice %arg5[%add3A_138, %dma_start3A_148, %dma_start3A_149] : memref<4096x50x256xf32, #tpu.memory_space<hbm>> -> memref<1x50x256xf32, #tpu.memory_space<hbm>>
    %dma_start3A_151 = tpu.memref_squeeze %dma_start3A_150 : memref<1x50x256xf32, #tpu.memory_space<hbm>> -> memref<50x256xf32, #tpu.memory_space<hbm>>
    %dma_start3A_152 = arith.constant 0 : i32
    %dma_start3A_153 = arith.constant 0 : i32
    %dma_start3A_154 = tpu.memref_slice %arg7[%dma_start3A_139, %dma_start3A_152, %dma_start3A_153] : memref<8x50x256xf32, #tpu.memory_space<vmem>> -> memref<1x50x256xf32, #tpu.memory_space<vmem>>
    %dma_start3A_155 = tpu.memref_squeeze %dma_start3A_154 : memref<1x50x256xf32, #tpu.memory_space<vmem>> -> memref<50x256xf32, #tpu.memory_space<vmem>>
    tpu.enqueue_dma source(%dma_start3A_155 : memref<50x256xf32, #tpu.memory_space<vmem>>) target(%dma_start3A_151 : memref<50x256xf32, #tpu.memory_space<hbm>>) target_semaphore(%arg30 : memref<!tpu.dma_semaphore, #tpu.memory_space<semaphore_mem>>)
    %dma_wait3A_156 = arith.constant 127 : i32
    %dma_wait3A_157 = arith.constant 7 : i32
    %dma_wait3A_158 = arith.constant 0 : i32
    %dma_wait3A_159 = arith.constant 128 : i32
    %dma_wait3A_160 = tpu.memref_slice %arg7[%dma_wait3A_157, %dma_wait3A_158, %dma_wait3A_159] : memref<8x50x256xf32, #tpu.memory_space<vmem>> -> memref<1x50x128xf32, #tpu.memory_space<vmem>>
    %dma_wait3A_161 = tpu.memref_squeeze %dma_wait3A_160 : memref<1x50x128xf32, #tpu.memory_space<vmem>> -> memref<50x128xf32, #tpu.memory_space<vmem>>
    %dma_wait3A_162 = arith.constant 0 : i32
    %dma_wait3A_163 = tpu.memref_slice %arg6[%dma_wait3A_156, %dma_wait3A_162] : memref<128x50xi32, #tpu.memory_space<vmem>> -> memref<1x50xi32, #tpu.memory_space<vmem>>
    %dma_wait3A_164 = tpu.memref_squeeze %dma_wait3A_163 : memref<1x50xi32, #tpu.memory_space<vmem>> -> memref<50xi32, #tpu.memory_space<vmem>>
    %dma_wait3A_165 = arith.constant 0 : i32
    %dma_wait3A_166 = arith.constant 0 : i32
    %dma_wait3A_167 = tpu.memref_slice %arg4[%dma_wait3A_165, %dma_wait3A_166] : memref<1000x128xf32, #tpu.memory_space<hbm>> -> memref<1000x128xf32, #tpu.memory_space<hbm>>
    tpu.wait_indirect_dma semaphore(%arg15 : memref<!tpu.dma_semaphore, #tpu.memory_space<semaphore_mem>>) src(%dma_wait3A_167 : memref<1000x128xf32, #tpu.memory_space<hbm>>) dst(%dma_wait3A_161 : memref<50x128xf32, #tpu.memory_space<vmem>>)
    %add3A_168 = arith.constant 127 : i32
    %add3A_169 = arith.addi %mul3A_2, %add3A_168 : i32
    %dma_wait3A_170 = arith.constant 7 : i32
    %dma_wait3A_171 = arith.constant 0 : i32
    %dma_wait3A_172 = arith.constant 0 : i32
    %dma_wait3A_173 = tpu.memref_slice %arg7[%dma_wait3A_170, %dma_wait3A_171, %dma_wait3A_172] : memref<8x50x256xf32, #tpu.memory_space<vmem>> -> memref<1x50x128xf32, #tpu.memory_space<vmem>>
    %dma_wait3A_174 = tpu.memref_squeeze %dma_wait3A_173 : memref<1x50x128xf32, #tpu.memory_space<vmem>> -> memref<50x128xf32, #tpu.memory_space<vmem>>
    %dma_wait3A_175 = arith.constant 0 : i32
    %dma_wait3A_176 = arith.constant 0 : i32
    %dma_wait3A_177 = tpu.memref_slice %arg2[%add3A_169, %dma_wait3A_175, %dma_wait3A_176] : memref<4096x50x128xf32, #tpu.memory_space<hbm>> -> memref<1x50x128xf32, #tpu.memory_space<hbm>>
    %dma_wait3A_178 = tpu.memref_squeeze %dma_wait3A_177 : memref<1x50x128xf32, #tpu.memory_space<hbm>> -> memref<50x128xf32, #tpu.memory_space<hbm>>
    %dma_wait3A_179 = arith.constant 0 : i32
    %dma_wait3A_180 = arith.constant 0 : i32
    %dma_wait3A_181 = tpu.memref_slice %arg7[%dma_wait3A_170, %dma_wait3A_179, %dma_wait3A_180] : memref<8x50x256xf32, #tpu.memory_space<vmem>> -> memref<1x50x128xf32, #tpu.memory_space<vmem>>
    %dma_wait3A_182 = tpu.memref_squeeze %dma_wait3A_181 : memref<1x50x128xf32, #tpu.memory_space<vmem>> -> memref<50x128xf32, #tpu.memory_space<vmem>>
    %dma_wait3A_183 = arith.constant 0 : i32
    %dma_wait3A_184 = arith.constant 0 : i32
    %dma_wait3A_185 = tpu.memref_slice %arg2[%add3A_169, %dma_wait3A_183, %dma_wait3A_184] : memref<4096x50x128xf32, #tpu.memory_space<hbm>> -> memref<1x50x128xf32, #tpu.memory_space<hbm>>
    %dma_wait3A_186 = tpu.memref_squeeze %dma_wait3A_185 : memref<1x50x128xf32, #tpu.memory_space<hbm>> -> memref<50x128xf32, #tpu.memory_space<hbm>>
    tpu.wait_dma2 semaphore(%arg23 : memref<!tpu.dma_semaphore, #tpu.memory_space<semaphore_mem>>) src(%dma_wait3A_186 : memref<50x128xf32, #tpu.memory_space<hbm>>) dst(%dma_wait3A_182 : memref<50x128xf32, #tpu.memory_space<vmem>>)
    %add3A_187 = arith.constant 127 : i32
    %add3A_188 = arith.addi %mul3A_2, %add3A_187 : i32
    %dma_start3A_189 = arith.constant 7 : i32
    %dma_start3A_190 = arith.constant 0 : i32
    %dma_start3A_191 = arith.constant 0 : i32
    %dma_start3A_192 = tpu.memref_slice %arg7[%dma_start3A_189, %dma_start3A_190, %dma_start3A_191] : memref<8x50x256xf32, #tpu.memory_space<vmem>> -> memref<1x50x256xf32, #tpu.memory_space<vmem>>
    %dma_start3A_193 = tpu.memref_squeeze %dma_start3A_192 : memref<1x50x256xf32, #tpu.memory_space<vmem>> -> memref<50x256xf32, #tpu.memory_space<vmem>>
    %dma_start3A_194 = arith.constant 0 : i32
    %dma_start3A_195 = arith.constant 0 : i32
    %dma_start3A_196 = tpu.memref_slice %arg5[%add3A_188, %dma_start3A_194, %dma_start3A_195] : memref<4096x50x256xf32, #tpu.memory_space<hbm>> -> memref<1x50x256xf32, #tpu.memory_space<hbm>>
    %dma_start3A_197 = tpu.memref_squeeze %dma_start3A_196 : memref<1x50x256xf32, #tpu.memory_space<hbm>> -> memref<50x256xf32, #tpu.memory_space<hbm>>
    %dma_start3A_198 = arith.constant 0 : i32
    %dma_start3A_199 = arith.constant 0 : i32
    %dma_start3A_200 = tpu.memref_slice %arg5[%add3A_188, %dma_start3A_198, %dma_start3A_199] : memref<4096x50x256xf32, #tpu.memory_space<hbm>> -> memref<1x50x256xf32, #tpu.memory_space<hbm>>
    %dma_start3A_201 = tpu.memref_squeeze %dma_start3A_200 : memref<1x50x256xf32, #tpu.memory_space<hbm>> -> memref<50x256xf32, #tpu.memory_space<hbm>>
    %dma_start3A_202 = arith.constant 0 : i32
    %dma_start3A_203 = arith.constant 0 : i32
    %dma_start3A_204 = tpu.memref_slice %arg7[%dma_start3A_189, %dma_start3A_202, %dma_start3A_203] : memref<8x50x256xf32, #tpu.memory_space<vmem>> -> memref<1x50x256xf32, #tpu.memory_space<vmem>>
    %dma_start3A_205 = tpu.memref_squeeze %dma_start3A_204 : memref<1x50x256xf32, #tpu.memory_space<vmem>> -> memref<50x256xf32, #tpu.memory_space<vmem>>
    tpu.enqueue_dma source(%dma_start3A_205 : memref<50x256xf32, #tpu.memory_space<vmem>>) target(%dma_start3A_201 : memref<50x256xf32, #tpu.memory_space<hbm>>) target_semaphore(%arg31 : memref<!tpu.dma_semaphore, #tpu.memory_space<semaphore_mem>>)
    %add3A_206 = arith.constant 120 : i32
    %add3A_207 = arith.addi %mul3A_2, %add3A_206 : i32
    %dma_wait3A_208 = arith.constant 0 : i32
    %dma_wait3A_209 = arith.constant 0 : i32
    %dma_wait3A_210 = arith.constant 0 : i32
    %dma_wait3A_211 = tpu.memref_slice %arg7[%dma_wait3A_208, %dma_wait3A_209, %dma_wait3A_210] : memref<8x50x256xf32, #tpu.memory_space<vmem>> -> memref<1x50x256xf32, #tpu.memory_space<vmem>>
    %dma_wait3A_212 = tpu.memref_squeeze %dma_wait3A_211 : memref<1x50x256xf32, #tpu.memory_space<vmem>> -> memref<50x256xf32, #tpu.memory_space<vmem>>
    %dma_wait3A_213 = arith.constant 0 : i32
    %dma_wait3A_214 = arith.constant 0 : i32
    %dma_wait3A_215 = tpu.memref_slice %arg5[%add3A_207, %dma_wait3A_213, %dma_wait3A_214] : memref<4096x50x256xf32, #tpu.memory_space<hbm>> -> memref<1x50x256xf32, #tpu.memory_space<hbm>>
    %dma_wait3A_216 = tpu.memref_squeeze %dma_wait3A_215 : memref<1x50x256xf32, #tpu.memory_space<hbm>> -> memref<50x256xf32, #tpu.memory_space<hbm>>
    %dma_wait3A_217 = arith.constant 0 : i32
    %dma_wait3A_218 = arith.constant 0 : i32
    %dma_wait3A_219 = tpu.memref_slice %arg5[%add3A_207, %dma_wait3A_217, %dma_wait3A_218] : memref<4096x50x256xf32, #tpu.memory_space<hbm>> -> memref<1x50x256xf32, #tpu.memory_space<hbm>>
    %dma_wait3A_220 = tpu.memref_squeeze %dma_wait3A_219 : memref<1x50x256xf32, #tpu.memory_space<hbm>> -> memref<50x256xf32, #tpu.memory_space<hbm>>
    %dma_wait3A_221 = arith.constant 0 : i32
    %dma_wait3A_222 = arith.constant 0 : i32
    %dma_wait3A_223 = tpu.memref_slice %arg7[%dma_wait3A_208, %dma_wait3A_221, %dma_wait3A_222] : memref<8x50x256xf32, #tpu.memory_space<vmem>> -> memref<1x50x256xf32, #tpu.memory_space<vmem>>
    %dma_wait3A_224 = tpu.memref_squeeze %dma_wait3A_223 : memref<1x50x256xf32, #tpu.memory_space<vmem>> -> memref<50x256xf32, #tpu.memory_space<vmem>>
    tpu.wait_dma2 semaphore(%arg24 : memref<!tpu.dma_semaphore, #tpu.memory_space<semaphore_mem>>) src(%dma_wait3A_224 : memref<50x256xf32, #tpu.memory_space<vmem>>) dst(%dma_wait3A_220 : memref<50x256xf32, #tpu.memory_space<hbm>>)
    %add3A_225 = arith.constant 121 : i32
    %add3A_226 = arith.addi %mul3A_2, %add3A_225 : i32
    %dma_wait3A_227 = arith.constant 1 : i32
    %dma_wait3A_228 = arith.constant 0 : i32
    %dma_wait3A_229 = arith.constant 0 : i32
    %dma_wait3A_230 = tpu.memref_slice %arg7[%dma_wait3A_227, %dma_wait3A_228, %dma_wait3A_229] : memref<8x50x256xf32, #tpu.memory_space<vmem>> -> memref<1x50x256xf32, #tpu.memory_space<vmem>>
    %dma_wait3A_231 = tpu.memref_squeeze %dma_wait3A_230 : memref<1x50x256xf32, #tpu.memory_space<vmem>> -> memref<50x256xf32, #tpu.memory_space<vmem>>
    %dma_wait3A_232 = arith.constant 0 : i32
    %dma_wait3A_233 = arith.constant 0 : i32
    %dma_wait3A_234 = tpu.memref_slice %arg5[%add3A_226, %dma_wait3A_232, %dma_wait3A_233] : memref<4096x50x256xf32, #tpu.memory_space<hbm>> -> memref<1x50x256xf32, #tpu.memory_space<hbm>>
    %dma_wait3A_235 = tpu.memref_squeeze %dma_wait3A_234 : memref<1x50x256xf32, #tpu.memory_space<hbm>> -> memref<50x256xf32, #tpu.memory_space<hbm>>
    %dma_wait3A_236 = arith.constant 0 : i32
    %dma_wait3A_237 = arith.constant 0 : i32
    %dma_wait3A_238 = tpu.memref_slice %arg5[%add3A_226, %dma_wait3A_236, %dma_wait3A_237] : memref<4096x50x256xf32, #tpu.memory_space<hbm>> -> memref<1x50x256xf32, #tpu.memory_space<hbm>>
    %dma_wait3A_239 = tpu.memref_squeeze %dma_wait3A_238 : memref<1x50x256xf32, #tpu.memory_space<hbm>> -> memref<50x256xf32, #tpu.memory_space<hbm>>
    %dma_wait3A_240 = arith.constant 0 : i32
    %dma_wait3A_241 = arith.constant 0 : i32
    %dma_wait3A_242 = tpu.memref_slice %arg7[%dma_wait3A_227, %dma_wait3A_240, %dma_wait3A_241] : memref<8x50x256xf32, #tpu.memory_space<vmem>> -> memref<1x50x256xf32, #tpu.memory_space<vmem>>
    %dma_wait3A_243 = tpu.memref_squeeze %dma_wait3A_242 : memref<1x50x256xf32, #tpu.memory_space<vmem>> -> memref<50x256xf32, #tpu.memory_space<vmem>>
    tpu.wait_dma2 semaphore(%arg25 : memref<!tpu.dma_semaphore, #tpu.memory_space<semaphore_mem>>) src(%dma_wait3A_243 : memref<50x256xf32, #tpu.memory_space<vmem>>) dst(%dma_wait3A_239 : memref<50x256xf32, #tpu.memory_space<hbm>>)
    %add3A_244 = arith.constant 122 : i32
    %add3A_245 = arith.addi %mul3A_2, %add3A_244 : i32
    %dma_wait3A_246 = arith.constant 2 : i32
    %dma_wait3A_247 = arith.constant 0 : i32
    %dma_wait3A_248 = arith.constant 0 : i32
    %dma_wait3A_249 = tpu.memref_slice %arg7[%dma_wait3A_246, %dma_wait3A_247, %dma_wait3A_248] : memref<8x50x256xf32, #tpu.memory_space<vmem>> -> memref<1x50x256xf32, #tpu.memory_space<vmem>>
    %dma_wait3A_250 = tpu.memref_squeeze %dma_wait3A_249 : memref<1x50x256xf32, #tpu.memory_space<vmem>> -> memref<50x256xf32, #tpu.memory_space<vmem>>
    %dma_wait3A_251 = arith.constant 0 : i32
    %dma_wait3A_252 = arith.constant 0 : i32
    %dma_wait3A_253 = tpu.memref_slice %arg5[%add3A_245, %dma_wait3A_251, %dma_wait3A_252] : memref<4096x50x256xf32, #tpu.memory_space<hbm>> -> memref<1x50x256xf32, #tpu.memory_space<hbm>>
    %dma_wait3A_254 = tpu.memref_squeeze %dma_wait3A_253 : memref<1x50x256xf32, #tpu.memory_space<hbm>> -> memref<50x256xf32, #tpu.memory_space<hbm>>
    %dma_wait3A_255 = arith.constant 0 : i32
    %dma_wait3A_256 = arith.constant 0 : i32
    %dma_wait3A_257 = tpu.memref_slice %arg5[%add3A_245, %dma_wait3A_255, %dma_wait3A_256] : memref<4096x50x256xf32, #tpu.memory_space<hbm>> -> memref<1x50x256xf32, #tpu.memory_space<hbm>>
    %dma_wait3A_258 = tpu.memref_squeeze %dma_wait3A_257 : memref<1x50x256xf32, #tpu.memory_space<hbm>> -> memref<50x256xf32, #tpu.memory_space<hbm>>
    %dma_wait3A_259 = arith.constant 0 : i32
    %dma_wait3A_260 = arith.constant 0 : i32
    %dma_wait3A_261 = tpu.memref_slice %arg7[%dma_wait3A_246, %dma_wait3A_259, %dma_wait3A_260] : memref<8x50x256xf32, #tpu.memory_space<vmem>> -> memref<1x50x256xf32, #tpu.memory_space<vmem>>
    %dma_wait3A_262 = tpu.memref_squeeze %dma_wait3A_261 : memref<1x50x256xf32, #tpu.memory_space<vmem>> -> memref<50x256xf32, #tpu.memory_space<vmem>>
    tpu.wait_dma2 semaphore(%arg26 : memref<!tpu.dma_semaphore, #tpu.memory_space<semaphore_mem>>) src(%dma_wait3A_262 : memref<50x256xf32, #tpu.memory_space<vmem>>) dst(%dma_wait3A_258 : memref<50x256xf32, #tpu.memory_space<hbm>>)
    %add3A_263 = arith.constant 123 : i32
    %add3A_264 = arith.addi %mul3A_2, %add3A_263 : i32
    %dma_wait3A_265 = arith.constant 3 : i32
    %dma_wait3A_266 = arith.constant 0 : i32
    %dma_wait3A_267 = arith.constant 0 : i32
    %dma_wait3A_268 = tpu.memref_slice %arg7[%dma_wait3A_265, %dma_wait3A_266, %dma_wait3A_267] : memref<8x50x256xf32, #tpu.memory_space<vmem>> -> memref<1x50x256xf32, #tpu.memory_space<vmem>>
    %dma_wait3A_269 = tpu.memref_squeeze %dma_wait3A_268 : memref<1x50x256xf32, #tpu.memory_space<vmem>> -> memref<50x256xf32, #tpu.memory_space<vmem>>
    %dma_wait3A_270 = arith.constant 0 : i32
    %dma_wait3A_271 = arith.constant 0 : i32
    %dma_wait3A_272 = tpu.memref_slice %arg5[%add3A_264, %dma_wait3A_270, %dma_wait3A_271] : memref<4096x50x256xf32, #tpu.memory_space<hbm>> -> memref<1x50x256xf32, #tpu.memory_space<hbm>>
    %dma_wait3A_273 = tpu.memref_squeeze %dma_wait3A_272 : memref<1x50x256xf32, #tpu.memory_space<hbm>> -> memref<50x256xf32, #tpu.memory_space<hbm>>
    %dma_wait3A_274 = arith.constant 0 : i32
    %dma_wait3A_275 = arith.constant 0 : i32
    %dma_wait3A_276 = tpu.memref_slice %arg5[%add3A_264, %dma_wait3A_274, %dma_wait3A_275] : memref<4096x50x256xf32, #tpu.memory_space<hbm>> -> memref<1x50x256xf32, #tpu.memory_space<hbm>>
    %dma_wait3A_277 = tpu.memref_squeeze %dma_wait3A_276 : memref<1x50x256xf32, #tpu.memory_space<hbm>> -> memref<50x256xf32, #tpu.memory_space<hbm>>
    %dma_wait3A_278 = arith.constant 0 : i32
    %dma_wait3A_279 = arith.constant 0 : i32
    %dma_wait3A_280 = tpu.memref_slice %arg7[%dma_wait3A_265, %dma_wait3A_278, %dma_wait3A_279] : memref<8x50x256xf32, #tpu.memory_space<vmem>> -> memref<1x50x256xf32, #tpu.memory_space<vmem>>
    %dma_wait3A_281 = tpu.memref_squeeze %dma_wait3A_280 : memref<1x50x256xf32, #tpu.memory_space<vmem>> -> memref<50x256xf32, #tpu.memory_space<vmem>>
    tpu.wait_dma2 semaphore(%arg27 : memref<!tpu.dma_semaphore, #tpu.memory_space<semaphore_mem>>) src(%dma_wait3A_281 : memref<50x256xf32, #tpu.memory_space<vmem>>) dst(%dma_wait3A_277 : memref<50x256xf32, #tpu.memory_space<hbm>>)
    %add3A_282 = arith.constant 124 : i32
    %add3A_283 = arith.addi %mul3A_2, %add3A_282 : i32
    %dma_wait3A_284 = arith.constant 4 : i32
    %dma_wait3A_285 = arith.constant 0 : i32
    %dma_wait3A_286 = arith.constant 0 : i32
    %dma_wait3A_287 = tpu.memref_slice %arg7[%dma_wait3A_284, %dma_wait3A_285, %dma_wait3A_286] : memref<8x50x256xf32, #tpu.memory_space<vmem>> -> memref<1x50x256xf32, #tpu.memory_space<vmem>>
    %dma_wait3A_288 = tpu.memref_squeeze %dma_wait3A_287 : memref<1x50x256xf32, #tpu.memory_space<vmem>> -> memref<50x256xf32, #tpu.memory_space<vmem>>
    %dma_wait3A_289 = arith.constant 0 : i32
    %dma_wait3A_290 = arith.constant 0 : i32
    %dma_wait3A_291 = tpu.memref_slice %arg5[%add3A_283, %dma_wait3A_289, %dma_wait3A_290] : memref<4096x50x256xf32, #tpu.memory_space<hbm>> -> memref<1x50x256xf32, #tpu.memory_space<hbm>>
    %dma_wait3A_292 = tpu.memref_squeeze %dma_wait3A_291 : memref<1x50x256xf32, #tpu.memory_space<hbm>> -> memref<50x256xf32, #tpu.memory_space<hbm>>
    %dma_wait3A_293 = arith.constant 0 : i32
    %dma_wait3A_294 = arith.constant 0 : i32
    %dma_wait3A_295 = tpu.memref_slice %arg5[%add3A_283, %dma_wait3A_293, %dma_wait3A_294] : memref<4096x50x256xf32, #tpu.memory_space<hbm>> -> memref<1x50x256xf32, #tpu.memory_space<hbm>>
    %dma_wait3A_296 = tpu.memref_squeeze %dma_wait3A_295 : memref<1x50x256xf32, #tpu.memory_space<hbm>> -> memref<50x256xf32, #tpu.memory_space<hbm>>
    %dma_wait3A_297 = arith.constant 0 : i32
    %dma_wait3A_298 = arith.constant 0 : i32
    %dma_wait3A_299 = tpu.memref_slice %arg7[%dma_wait3A_284, %dma_wait3A_297, %dma_wait3A_298] : memref<8x50x256xf32, #tpu.memory_space<vmem>> -> memref<1x50x256xf32, #tpu.memory_space<vmem>>
    %dma_wait3A_300 = tpu.memref_squeeze %dma_wait3A_299 : memref<1x50x256xf32, #tpu.memory_space<vmem>> -> memref<50x256xf32, #tpu.memory_space<vmem>>
    tpu.wait_dma2 semaphore(%arg28 : memref<!tpu.dma_semaphore, #tpu.memory_space<semaphore_mem>>) src(%dma_wait3A_300 : memref<50x256xf32, #tpu.memory_space<vmem>>) dst(%dma_wait3A_296 : memref<50x256xf32, #tpu.memory_space<hbm>>)
    %add3A_301 = arith.constant 125 : i32
    %add3A_302 = arith.addi %mul3A_2, %add3A_301 : i32
    %dma_wait3A_303 = arith.constant 5 : i32
    %dma_wait3A_304 = arith.constant 0 : i32
    %dma_wait3A_305 = arith.constant 0 : i32
    %dma_wait3A_306 = tpu.memref_slice %arg7[%dma_wait3A_303, %dma_wait3A_304, %dma_wait3A_305] : memref<8x50x256xf32, #tpu.memory_space<vmem>> -> memref<1x50x256xf32, #tpu.memory_space<vmem>>
    %dma_wait3A_307 = tpu.memref_squeeze %dma_wait3A_306 : memref<1x50x256xf32, #tpu.memory_space<vmem>> -> memref<50x256xf32, #tpu.memory_space<vmem>>
    %dma_wait3A_308 = arith.constant 0 : i32
    %dma_wait3A_309 = arith.constant 0 : i32
    %dma_wait3A_310 = tpu.memref_slice %arg5[%add3A_302, %dma_wait3A_308, %dma_wait3A_309] : memref<4096x50x256xf32, #tpu.memory_space<hbm>> -> memref<1x50x256xf32, #tpu.memory_space<hbm>>
    %dma_wait3A_311 = tpu.memref_squeeze %dma_wait3A_310 : memref<1x50x256xf32, #tpu.memory_space<hbm>> -> memref<50x256xf32, #tpu.memory_space<hbm>>
    %dma_wait3A_312 = arith.constant 0 : i32
    %dma_wait3A_313 = arith.constant 0 : i32
    %dma_wait3A_314 = tpu.memref_slice %arg5[%add3A_302, %dma_wait3A_312, %dma_wait3A_313] : memref<4096x50x256xf32, #tpu.memory_space<hbm>> -> memref<1x50x256xf32, #tpu.memory_space<hbm>>
    %dma_wait3A_315 = tpu.memref_squeeze %dma_wait3A_314 : memref<1x50x256xf32, #tpu.memory_space<hbm>> -> memref<50x256xf32, #tpu.memory_space<hbm>>
    %dma_wait3A_316 = arith.constant 0 : i32
    %dma_wait3A_317 = arith.constant 0 : i32
    %dma_wait3A_318 = tpu.memref_slice %arg7[%dma_wait3A_303, %dma_wait3A_316, %dma_wait3A_317] : memref<8x50x256xf32, #tpu.memory_space<vmem>> -> memref<1x50x256xf32, #tpu.memory_space<vmem>>
    %dma_wait3A_319 = tpu.memref_squeeze %dma_wait3A_318 : memref<1x50x256xf32, #tpu.memory_space<vmem>> -> memref<50x256xf32, #tpu.memory_space<vmem>>
    tpu.wait_dma2 semaphore(%arg29 : memref<!tpu.dma_semaphore, #tpu.memory_space<semaphore_mem>>) src(%dma_wait3A_319 : memref<50x256xf32, #tpu.memory_space<vmem>>) dst(%dma_wait3A_315 : memref<50x256xf32, #tpu.memory_space<hbm>>)
    %add3A_320 = arith.constant 126 : i32
    %add3A_321 = arith.addi %mul3A_2, %add3A_320 : i32
    %dma_wait3A_322 = arith.constant 6 : i32
    %dma_wait3A_323 = arith.constant 0 : i32
    %dma_wait3A_324 = arith.constant 0 : i32
    %dma_wait3A_325 = tpu.memref_slice %arg7[%dma_wait3A_322, %dma_wait3A_323, %dma_wait3A_324] : memref<8x50x256xf32, #tpu.memory_space<vmem>> -> memref<1x50x256xf32, #tpu.memory_space<vmem>>
    %dma_wait3A_326 = tpu.memref_squeeze %dma_wait3A_325 : memref<1x50x256xf32, #tpu.memory_space<vmem>> -> memref<50x256xf32, #tpu.memory_space<vmem>>
    %dma_wait3A_327 = arith.constant 0 : i32
    %dma_wait3A_328 = arith.constant 0 : i32
    %dma_wait3A_329 = tpu.memref_slice %arg5[%add3A_321, %dma_wait3A_327, %dma_wait3A_328] : memref<4096x50x256xf32, #tpu.memory_space<hbm>> -> memref<1x50x256xf32, #tpu.memory_space<hbm>>
    %dma_wait3A_330 = tpu.memref_squeeze %dma_wait3A_329 : memref<1x50x256xf32, #tpu.memory_space<hbm>> -> memref<50x256xf32, #tpu.memory_space<hbm>>
    %dma_wait3A_331 = arith.constant 0 : i32
    %dma_wait3A_332 = arith.constant 0 : i32
    %dma_wait3A_333 = tpu.memref_slice %arg5[%add3A_321, %dma_wait3A_331, %dma_wait3A_332] : memref<4096x50x256xf32, #tpu.memory_space<hbm>> -> memref<1x50x256xf32, #tpu.memory_space<hbm>>
    %dma_wait3A_334 = tpu.memref_squeeze %dma_wait3A_333 : memref<1x50x256xf32, #tpu.memory_space<hbm>> -> memref<50x256xf32, #tpu.memory_space<hbm>>
    %dma_wait3A_335 = arith.constant 0 : i32
    %dma_wait3A_336 = arith.constant 0 : i32
    %dma_wait3A_337 = tpu.memref_slice %arg7[%dma_wait3A_322, %dma_wait3A_335, %dma_wait3A_336] : memref<8x50x256xf32, #tpu.memory_space<vmem>> -> memref<1x50x256xf32, #tpu.memory_space<vmem>>
    %dma_wait3A_338 = tpu.memref_squeeze %dma_wait3A_337 : memref<1x50x256xf32, #tpu.memory_space<vmem>> -> memref<50x256xf32, #tpu.memory_space<vmem>>
    tpu.wait_dma2 semaphore(%arg30 : memref<!tpu.dma_semaphore, #tpu.memory_space<semaphore_mem>>) src(%dma_wait3A_338 : memref<50x256xf32, #tpu.memory_space<vmem>>) dst(%dma_wait3A_334 : memref<50x256xf32, #tpu.memory_space<hbm>>)
    %add3A_339 = arith.constant 127 : i32
    %add3A_340 = arith.addi %mul3A_2, %add3A_339 : i32
    %dma_wait3A_341 = arith.constant 7 : i32
    %dma_wait3A_342 = arith.constant 0 : i32
    %dma_wait3A_343 = arith.constant 0 : i32
    %dma_wait3A_344 = tpu.memref_slice %arg7[%dma_wait3A_341, %dma_wait3A_342, %dma_wait3A_343] : memref<8x50x256xf32, #tpu.memory_space<vmem>> -> memref<1x50x256xf32, #tpu.memory_space<vmem>>
    %dma_wait3A_345 = tpu.memref_squeeze %dma_wait3A_344 : memref<1x50x256xf32, #tpu.memory_space<vmem>> -> memref<50x256xf32, #tpu.memory_space<vmem>>
    %dma_wait3A_346 = arith.constant 0 : i32
    %dma_wait3A_347 = arith.constant 0 : i32
    %dma_wait3A_348 = tpu.memref_slice %arg5[%add3A_340, %dma_wait3A_346, %dma_wait3A_347] : memref<4096x50x256xf32, #tpu.memory_space<hbm>> -> memref<1x50x256xf32, #tpu.memory_space<hbm>>
    %dma_wait3A_349 = tpu.memref_squeeze %dma_wait3A_348 : memref<1x50x256xf32, #tpu.memory_space<hbm>> -> memref<50x256xf32, #tpu.memory_space<hbm>>
    %dma_wait3A_350 = arith.constant 0 : i32
    %dma_wait3A_351 = arith.constant 0 : i32
    %dma_wait3A_352 = tpu.memref_slice %arg5[%add3A_340, %dma_wait3A_350, %dma_wait3A_351] : memref<4096x50x256xf32, #tpu.memory_space<hbm>> -> memref<1x50x256xf32, #tpu.memory_space<hbm>>
    %dma_wait3A_353 = tpu.memref_squeeze %dma_wait3A_352 : memref<1x50x256xf32, #tpu.memory_space<hbm>> -> memref<50x256xf32, #tpu.memory_space<hbm>>
    %dma_wait3A_354 = arith.constant 0 : i32
    %dma_wait3A_355 = arith.constant 0 : i32
    %dma_wait3A_356 = tpu.memref_slice %arg7[%dma_wait3A_341, %dma_wait3A_354, %dma_wait3A_355] : memref<8x50x256xf32, #tpu.memory_space<vmem>> -> memref<1x50x256xf32, #tpu.memory_space<vmem>>
    %dma_wait3A_357 = tpu.memref_squeeze %dma_wait3A_356 : memref<1x50x256xf32, #tpu.memory_space<vmem>> -> memref<50x256xf32, #tpu.memory_space<vmem>>
    tpu.wait_dma2 semaphore(%arg31 : memref<!tpu.dma_semaphore, #tpu.memory_space<semaphore_mem>>) src(%dma_wait3A_357 : memref<50x256xf32, #tpu.memory_space<vmem>>) dst(%dma_wait3A_353 : memref<50x256xf32, #tpu.memory_space<hbm>>)
    return
  }
}

</mosaic_0001>

<sc_bundles>
// kernel: kernel.3.cloned.1.call-start
scs
__scs_entry_jumppad:
0x0: {  	(pc) =	sbr.rel $0x88, $3  }
0x1: {  	(tag) =	ssettag $0x0;
	lr =	simm.s32 $0x1  }
0x2: {  	[smem:$0x3F9E] =	sst lr;
	_ =	strace $0xD0000000  }
0x3: {  	_ = 	snop  }
0x4: {  	_ = 	snop  }
0x5: {  	_ = 	snop  }
0x6: {  	_ = 	snop  }
0x7: {  	_ = 	snop  }
__scs_overlays_trampoline_lowered:
0x8: {  	[smem:$0x3FAD] =	sst s0  }
0x9: {  	[smem:$0x3FAE] =	sst s1  }
0xa: {  	[smem:$0x3FAF] =	sst s2  }
0xb: {  	[smem:$0x3FB0] =	sst s3  }
0xc: {  	[smem:$0x3FB1] =	sst s4  }
0xd: {  	[smem:$0x3FB2] =	sst s5  }
0xe: {  	[smem:$0x3FB3] =	sst s6  }
0xf: {  	[smem:$0x3FB4] =	sst s7  }
0x10: {  	[smem:$0x3FB5] =	sst s8  }
0x11: {  	[smem:$0x3FB6] =	sst s9;
	s0 =	simm.s32 @!p0 $0x0  }
0x12: {  	s1 =	sld [smem:$0x3F9C];
	s0 =	simm.s32 @p0 $0x1  }
0x13: {  	[smem:$0x3FB7] =	sst s0;
	s0 =	simm.s32 @!p1 $0x0  }
0x14: {  	s2 =	sld [smem:$0x3F9B];
	s0 =	simm.s32 @p1 $0x1  }
0x15: {  	[smem:$0x3FB8] =	sst s0;
	s0 =	simm.s32 @!p2 $0x0  }
0x16: {  	s3 =	sld [smem:$0x3FDB];
	s0 =	simm.s32 @p2 $0x1  }
0x17: {  	s4 =	simm.s32 $0x1BF5;
	[smem:$0x3FBA] =	sst s0  }
0x18: {  	s0 =	sld [smem:$0x3F9D];
	_ =	swait.ge [sflag:s4], $0x0  }
0x19: {  	s7 =	sld [smem:$0x3F9E]  }
0x1a: {  	s8 =	sadd.s32 $0xFFFFE003, lr  }
0x1b: {  	s9 =	sadd.s32 $0xFFFFFEF7, lr;
	s5 =	simm.s32 $0xFFFFFFFF;
	p2 =	slt.u32 s8, $0xFFFFF086  }
0x1c: {  	p1 =	slt.u32 s9, $0xF7A;
	s5 =	simm.s32 @!p2 $0x0  }
0x1d: {  	s5 =	simm.s32 @p1 $0x1;
	p0 =	seq.s32 s7, s2  }
0x1e: {  	s7 =	smul.u32 @!p0 $0xF7A, s2;
	p2 =	seq.s32 @!p0 s5, $0x0  }
0x1f: {  	s9 =	smul.u32 $0xF7A, s1;
	s8 =	simm.s32 @!p0 $0x1BF5;
	p2 =	por !p2, p0  }
0x20: {  	[sflag:s8] =	ssyncset.s32 @!p0 $0xFFFFF086;
	s6 =	sadd.s32 @!p0 s3, s7;
	s7 =	simm.s32 @!p0 $0x108  }
0x21: {  	s3 =	sadd.s32 s3, s9;
	s6 =	sadd.s32 @!p0 $0x88, s6;
	s7 =	simm.s32 @p2 $0x1082  }
0x22: {  	[simem:s7], [sflag:s8] =	dma.local @!p0 [hbm:s6], $0xF7A  }
0x23: {  	s9 =	sor.u32 $0xD0000000, s2;
	s6 =	simm.s32 $0x108;
	_ =	swait.ge @!p0 [sflag:s8], $0x0  }
0x24: {  	s3 =	sadd.s32 $0x88, s3;
	s6 =	simm.s32 @!p1 $0x1082;
	[sflag:s4] =	ssyncset.s32 $0xFFFFF086  }
0x25: {  	[simem:s6], [sflag:s4] =	dma.local [hbm:s3], $0xF7A  }
0x26: {  	[smem:$0x3F9E] =	sst s1;
	(tag) =	ssettag s2;
	_ =	strace s9  }
0x27: {  	s1 =	sld [smem:$0x3FAE]  }
0x28: {  	s2 =	sld [smem:$0x3FAF]  }
0x29: {  	s4 =	sld [smem:$0x3FB1]  }
0x2a: {  	p0 =	seq.s32 s5, $0x0;
	s5 =	sld [smem:$0x3FB2]  }
0x2b: {  	s6 =	sld [smem:$0x3FB3]  }
0x2c: {  	s7 =	sld [smem:$0x3FB4]  }
0x2d: {  	s3 =	simm.s32 $0x108;
	s8 =	sld [smem:$0x3FB5]  }
0x2e: {  	s3 =	simm.s32 @!p0 $0x1082;
	s9 =	sld [smem:$0x3FB6]  }
0x2f: {  	lr =	sadd.s32 s0, s3;
	s0 =	sld [smem:$0x3FAD]  }
0x30: {  	s3 =	sld [smem:$0x3FB0]  }
0x31: {  	[smem:$0x3FB9] =	sst s10  }
0x32: {  	s10 =	sld [smem:$0x3FB7];
	_ =	sdelay $0x3  }
0x33: {  	p0 =	seq.s32 s10, $0x1;
	s10 =	sld [smem:$0x3FB9];
	_ =	sdelay $0x3  }
0x34: {  	[smem:$0x3FB9] =	sst s10  }
0x35: {  	s10 =	sld [smem:$0x3FB8];
	_ =	sdelay $0x3  }
0x36: {  	p1 =	seq.s32 s10, $0x1;
	s10 =	sld [smem:$0x3FB9];
	_ =	sdelay $0x3  }
0x37: {  	[smem:$0x3FB9] =	sst s10  }
0x38: {  	s10 =	sld [smem:$0x3FBA]  }
0x39: {  	_ = 	snop;
	(pc) =	sbr.ind lr, $3  }
0x3a: {  	_ = 	snop  }
0x3b: {  	_ = 	snop  }
0x3c: {  	p2 =	seq.s32 s10, $0x1;
	s10 =	sld [smem:$0x3FB9]  }
0x3d: {  	_ =	shalt  }
0x3e: {  	_ =	shalt  }
0x3f: {  	_ =	shalt  }
0x40: {  	_ =	shalt  }
0x41: {  	_ =	shalt  }
0x42: {  	_ =	shalt  }
0x43: {  	_ =	shalt  }
0x44: {  	_ =	shalt  }
0x45: {  	_ =	shalt  }
0x46: {  	_ =	shalt  }
0x47: {  	_ =	shalt  }
0x48: {  	_ =	shalt  }
0x49: {  	_ =	shalt  }
0x4a: {  	_ =	shalt  }
0x4b: {  	_ =	shalt  }
0x4c: {  	_ =	shalt  }
0x4d: {  	_ =	shalt  }
0x4e: {  	_ =	shalt  }
0x4f: {  	_ =	shalt  }
0x50: {  	_ =	shalt  }
0x51: {  	_ =	shalt  }
0x52: {  	_ =	shalt  }
0x53: {  	_ =	shalt  }
0x54: {  	_ =	shalt  }
0x55: {  	_ =	shalt  }
0x56: {  	_ =	shalt  }
0x57: {  	_ =	shalt  }
0x58: {  	_ =	shalt  }
0x59: {  	_ =	shalt  }
0x5a: {  	_ =	shalt  }
0x5b: {  	_ =	shalt  }
0x5c: {  	_ =	shalt  }
0x5d: {  	_ =	shalt  }
0x5e: {  	_ =	shalt  }
0x5f: {  	_ =	shalt  }
0x60: {  	_ =	shalt  }
0x61: {  	_ =	shalt  }
0x62: {  	_ =	shalt  }
0x63: {  	_ =	shalt  }
0x64: {  	_ =	shalt  }
0x65: {  	_ =	shalt  }
0x66: {  	_ =	shalt  }
0x67: {  	_ =	shalt  }
0x68: {  	_ =	shalt  }
0x69: {  	_ =	shalt  }
0x6a: {  	_ =	shalt  }
0x6b: {  	_ =	shalt  }
0x6c: {  	_ =	shalt  }
0x6d: {  	_ =	shalt  }
0x6e: {  	_ =	shalt  }
0x6f: {  	_ =	shalt  }
0x70: {  	_ =	shalt  }
0x71: {  	_ =	shalt  }
0x72: {  	_ =	shalt  }
0x73: {  	_ =	shalt  }
0x74: {  	_ =	shalt  }
0x75: {  	_ =	shalt  }
0x76: {  	_ =	shalt  }
0x77: {  	_ =	shalt  }
0x78: {  	_ =	shalt  }
0x79: {  	_ =	shalt  }
0x7a: {  	_ =	shalt  }
0x7b: {  	_ =	shalt  }
0x7c: {  	_ =	shalt  }
0x7d: {  	_ =	shalt  }
0x7e: {  	_ =	shalt  }
0x7f: {  	_ =	shalt  }
0x80: {  	_ =	shalt  }
0x81: {  	_ =	shalt  }
0x82: {  	_ =	shalt  }
0x83: {  	_ =	shalt  }
0x84: {  	_ =	shalt  }
0x85: {  	_ =	shalt  }
0x86: {  	_ =	shalt  }
0x87: {  	_ =	shalt  }
.Lfunc_end0:
.L_simem_size_0:
called_computation_lowered:
.L_overlay_start_0:
0x88: {  	s2 =	sld [smem:$0x3FD9]  }
0x89: {  	s3 =	sld [smem:$0x3FFE];
	_ =	sdelay $0x1  }
0x8a: {  	s1 =	srdreg.scid  }
0x8b: {  	s0 =	sand.u32 $0x1, s1  }
0x8c: {  	s17 =	sshll.u32 s0, $0xA;
	s2 =	sadd.s32 s3, s2  }
0x8d: {  	s2 =	sadd.s32 s2, s17  }
0x8e: {  	[smem:$0x3FC5] =	sst s2  }
0x8f: {  	_ = 	snop  }
0x90: {  	s2 =	sld [smem:$0x3FC7]  }
0x91: {  	s18 =	sld [smem:$0x3FD0];
	(tm) =	ssettm $0x1  }
0x92: {  	s4 =	sld [smem:$0x3FFB];
	_ =	sdelay $0x3  }
0x93: {  	_ =	strace s4  }
0x94: {  	s4 =	sld [smem:$0x3FFC];
	_ =	sdelay $0x3  }
0x95: {  	_ =	strace s4  }
0x96: {  	s4 =	sld [smem:$0x3FFD];
	_ =	sdelay $0x3  }
0x97: {  	_ =	strace s4  }
0x98: {  	_ =	strace $0x8FFFFFFF  }
0x99: {  	s19 =	sld [smem:$0x3FDB];
	_ =	sdelay $0x1  }
0x9a: {  	s5 =	simm.s32 $_scs_section_size  }
0x9b: {  	s6 =	simm.s32 $_size__tile_overlayer_lowered;
	s7 =	simm.s32 $_tile_overlayer_lowered  }
0x9c: {  	s22 =	simm.s32 $0x1BFF;
	s21 =	sshll.u32 s7, $0x1;
	s4 =	sadd.s32 s5, s19  }
0x9d: {  	s8 =	simm.s32 $0x0;
	s20 =	sshll.u32 s6, $0x1;
	s6 =	sadd.s32 s21, s4  }
0x9e: {  	[timem:s8], [sflag:s22] =	dma.local [hbm:s6], s20  }
0x9f: {  	_ =	swait.ge [sflag:s22], s20  }
0xa0: {  	s5 =	ssub.s32 $0x0, s20;
	[sflag:s22] =	ssyncset.done $0x0  }
0xa1: {  	[sflag:s22] =	ssyncadd.s32 s5;
	_ =	sdelay $0x1  }
0xa2: {  	s23 =	simm.s32 $0x1B8B  }
0xa3: {  	_ =	swait.ge [sflag:s23], $0x1  }
0xa4: {  	[sflag:s23] =	ssyncset.done $0x0  }
0xa5: {  	s25 =	simm.s32 $0x1B8E;
	s24 =	sld [smem:$0x3FFE];
	[sflag:s23] =	ssyncadd.s32 $0xFFFFFFFF  }
0xa6: {  	s26 =	simm.s32 $execute0_lowered;
	[smem:$0x3FD2] =	sst s25  }
0xa7: {  	s6 =	sshll.u32 s26, $0x1;
	_ =	strace $0x80000046;
	[dreg:$0x1] =	wrdreg $0xFFFFFFFF  }
0xa8: {  	s28 =	simm.s32 $_size_execute0_lowered;
	s4 =	sadd.s32 s4, s6;
	[dreg:$0x0] =	wrdreg $0x0  }
0xa9: {  	s6 =	sshll.u32 s28, $0x1;
	[dreg:$0x2] =	wrdreg s4  }
0xaa: {  	[dreg:$0x3] =	wrdreg s6  }
0xab: {  	[dreg:$0x4] =	wrdreg $0xC0  }
0xac: {  	_ =	task [dreg:s8], $0x5FFFF  }
0xad: {  	[dreg:$0x1] =	wrdreg $0xFFFFFFFF  }
0xae: {  	[dreg:$0x0] =	wrdreg $0x60  }
0xaf: {  	[dreg:$0x2] =	wrdreg s18  }
0xb0: {  	[dreg:$0x3] =	wrdreg s24  }
0xb1: {  	[dreg:$0x4] =	wrdreg s2  }
0xb2: {  	[dreg:$0x5] =	wrdreg $0x9  }
0xb3: {  	_ =	task.clear_ibuf [dreg:s8], $0x6FFFF;
	_ =	strace $0x90000046  }
0xb4: {  	s29 =	simm.s32 $0x9;
	_ =	strace $0x80000048  }
0xb5: {  	_ =	swait.ge [sflag:s29], $0x1  }
0xb6: {  	[sflag:s29] =	ssyncadd.s32 $0xFFFFFFFF  }
0xb7: {  	_ =	strace $0x90000048  }
0xb8: {  	_ =	sfence  }
0xb9: {  	s30 =	sld [smem:$0x0];
	_ =	sdelay $0x2  }
0xba: {  	s31 =	sshll.u32 s1, $0xD;
	s1 =	sshrl.u32 s1, $0x2  }
0xbb: {  	s3 =	sand.u32 $0x4000, s31;
	s1 =	sadd.s32 s1, s30  }
0xbc: {  	s0 =	sor.u32 s3, s0;
	s1 =	sshll.u32 s1, $0x11  }
0xbd: {  	s0 =	sor.u32 s1, s0  }
0xbe: {  	s0 =	sadd.s32 $0x8F2B, s0  }
0xbf: {  	[sflag:s0] =	ssyncadd.remote.s32 $0x1  }
0xc0: {  	_ =	sfence.sel $0xFFFF  }
0xc1: {  	[dreg:$0x0] =	wrdreg $0xFFFFFFFF;
	(pc) =	sbr.abs _section_cstart, $3  }
0xc2: {  	[dreg:$0x1] =	wrdreg $0xFFFFFFFF  }
0xc3: {  	_ =	task.clear_ibuf [dreg:s8], $0x2FFFF;
	_ =	strace $0x9FFFFFFF  }
0xc4: {  	(tm) =	ssettm $0x7FFFFFFF  }
0xc5: {  	_ =	shalt  }
tec
execute0_lowered:
.L_overlay_start_1:
0x0: {  	(tag) =	ssettag $0x1  }
0x1: {  	s1 =	rddreg [dreg:$0x0]  }
0x2: {  	s0 =	rddreg [dreg:$0x1]  }
0x3: {  	s2 =	rddreg [dreg:$0x2];
	s3 =	simm.s32 $0x0  }
0x4: {  	s4 =	simm.s32 $0x4400;
	[smem:$0x7FF] =	sst s3  }
0x5: {  	s28 =	simm.s32 $0x4C00;
	_ =	strace $0x80000047;
	[dreg:$0x4] =	wrdreg s4  }
0x6: {  	s30 =	simm.s32 $0x5400;
	[dreg:$0x5] =	wrdreg s28  }
0x7: {  	s5 =	simm.s32 $0x5C00;
	[dreg:$0x6] =	wrdreg s30  }
0x8: {  	s6 =	simm.s32 $0x6400;
	[dreg:$0x7] =	wrdreg s5  }
0x9: {  	s7 =	simm.s32 $0x6C00;
	[dreg:$0x8] =	wrdreg s6  }
0xa: {  	s8 =	simm.s32 $0x7400;
	[dreg:$0x9] =	wrdreg s7  }
0xb: {  	s9 =	simm.s32 $0x4800;
	[dreg:$0xa] =	wrdreg s8  }
0xc: {  	s10 =	simm.s32 $0x5000;
	[dreg:$0xb] =	wrdreg s9  }
0xd: {  	s11 =	simm.s32 $0x5800;
	[dreg:$0xc] =	wrdreg s10  }
0xe: {  	s12 =	simm.s32 $0x6000;
	[dreg:$0xd] =	wrdreg s11  }
0xf: {  	s13 =	simm.s32 $0x6800;
	[dreg:$0xe] =	wrdreg s12  }
0x10: {  	s14 =	simm.s32 $0x7000;
	[dreg:$0xf] =	wrdreg s13  }
0x11: {  	s15 =	simm.s32 $0x7C00;
	[dreg:$0x10] =	wrdreg s14  }
0x12: {  	s16 =	simm.s32 $0x8400;
	[dreg:$0x11] =	wrdreg s15  }
0x13: {  	s17 =	simm.s32 $0x8C00;
	[dreg:$0x12] =	wrdreg s16  }
0x14: {  	s18 =	simm.s32 $0x9400;
	[dreg:$0x13] =	wrdreg s17  }
0x15: {  	s19 =	simm.s32 $0x9C00;
	[dreg:$0x14] =	wrdreg s18  }
0x16: {  	s20 =	simm.s32 $0xA400;
	[dreg:$0x15] =	wrdreg s19  }
0x17: {  	s21 =	simm.s32 $0xAC00;
	[dreg:$0x16] =	wrdreg s20  }
0x18: {  	s22 =	simm.s32 $0x8000;
	[dreg:$0x17] =	wrdreg s21  }
0x19: {  	s23 =	simm.s32 $0x8800;
	[dreg:$0x18] =	wrdreg s22  }
0x1a: {  	s24 =	simm.s32 $0x9000;
	[dreg:$0x19] =	wrdreg s23  }
0x1b: {  	s25 =	simm.s32 $0x9800;
	[dreg:$0x1a] =	wrdreg s24  }
0x1c: {  	s26 =	simm.s32 $0xA000;
	[dreg:$0x1b] =	wrdreg s25  }
0x1d: {  	[dreg:$0x1c] =	wrdreg s26;
	s28 =	simm.s32 $0xA800  }
0x1e: {  	s30 =	simm.s32 $0xB400;
	[dreg:$0x1d] =	wrdreg s28  }
0x1f: {  	s5 =	simm.s32 $0xBC00;
	[dreg:$0x1e] =	wrdreg s30  }
0x20: {  	s6 =	simm.s32 $0xC400;
	[dreg:$0x1f] =	wrdreg s5  }
0x21: {  	s7 =	simm.s32 $0xCC00;
	[smem:$0x7A9] =	sst s6  }
0x22: {  	s8 =	simm.s32 $0xD400;
	[smem:$0x7AA] =	sst s7  }
0x23: {  	s9 =	simm.s32 $0xDC00;
	[smem:$0x7AB] =	sst s8  }
0x24: {  	s10 =	simm.s32 $0xE400;
	[smem:$0x7AC] =	sst s9  }
0x25: {  	s11 =	simm.s32 $0xB800;
	[smem:$0x7AD] =	sst s10  }
0x26: {  	s12 =	simm.s32 $0xC000;
	[smem:$0x7AE] =	sst s11  }
0x27: {  	s13 =	simm.s32 $0xC800;
	[smem:$0x7AF] =	sst s12  }
0x28: {  	s14 =	simm.s32 $0xD000;
	[smem:$0x7B0] =	sst s13  }
0x29: {  	s15 =	simm.s32 $0xD800;
	[smem:$0x7B1] =	sst s14  }
0x2a: {  	s16 =	simm.s32 $0xE000;
	[smem:$0x7B2] =	sst s15  }
0x2b: {  	s17 =	simm.s32 $0xEC00;
	[smem:$0x7B3] =	sst s16  }
0x2c: {  	s18 =	simm.s32 $0xF400;
	[smem:$0x7B4] =	sst s17  }
0x2d: {  	s19 =	simm.s32 $0xFC00;
	[smem:$0x7B5] =	sst s18  }
0x2e: {  	s20 =	simm.s32 $0x10400;
	[smem:$0x7B6] =	sst s19  }
0x2f: {  	s21 =	simm.s32 $0x10C00;
	[smem:$0x7B7] =	sst s20  }
0x30: {  	s22 =	simm.s32 $0x11400;
	[smem:$0x7B8] =	sst s21  }
0x31: {  	s23 =	simm.s32 $0x11C00;
	[smem:$0x7B9] =	sst s22  }
0x32: {  	s24 =	simm.s32 $0xF000;
	[smem:$0x7BA] =	sst s23  }
0x33: {  	s25 =	simm.s32 $0xF800;
	[smem:$0x7BB] =	sst s24  }
0x34: {  	s26 =	simm.s32 $0x10000;
	[smem:$0x7BC] =	sst s25  }
0x35: {  	[smem:$0x7BD] =	sst s26;
	s28 =	simm.s32 $0x10800  }
0x36: {  	s30 =	simm.s32 $0x11000;
	[smem:$0x7BE] =	sst s28  }
0x37: {  	s5 =	simm.s32 $0x11800;
	[smem:$0x7BF] =	sst s30  }
0x38: {  	s6 =	simm.s32 $0x12400;
	[smem:$0x7C0] =	sst s5  }
0x39: {  	s7 =	simm.s32 $0x12C00;
	[smem:$0x7C1] =	sst s6  }
0x3a: {  	s8 =	simm.s32 $0x13400;
	[smem:$0x7C2] =	sst s7  }
0x3b: {  	s9 =	simm.s32 $0x13C00;
	[smem:$0x7C3] =	sst s8  }
0x3c: {  	s10 =	simm.s32 $0x14400;
	[smem:$0x7C4] =	sst s9  }
0x3d: {  	s11 =	simm.s32 $0x14C00;
	[smem:$0x7C5] =	sst s10  }
0x3e: {  	s12 =	simm.s32 $0x15400;
	[smem:$0x7C6] =	sst s11  }
0x3f: {  	s13 =	simm.s32 $0x12800;
	[smem:$0x7C7] =	sst s12  }
0x40: {  	s14 =	simm.s32 $0x13000;
	[smem:$0x7C8] =	sst s13  }
0x41: {  	s15 =	simm.s32 $0x13800;
	[smem:$0x7C9] =	sst s14  }
0x42: {  	s16 =	simm.s32 $0x14000;
	[smem:$0x7CA] =	sst s15  }
0x43: {  	s17 =	simm.s32 $0x14800;
	[smem:$0x7CB] =	sst s16  }
0x44: {  	s18 =	simm.s32 $0x15000;
	[smem:$0x7CC] =	sst s17  }
0x45: {  	s19 =	simm.s32 $0x16400;
	[smem:$0x7CD] =	sst s18  }
0x46: {  	s21 =	simm.s32 $0x16C00;
	[smem:$0x7CF] =	sst s19  }
0x47: {  	s22 =	simm.s32 $0x17C00;
	[smem:$0x7D0] =	sst s21  }
0x48: {  	s23 =	simm.s32 $0x18400;
	[smem:$0x7D2] =	sst s22  }
0x49: {  	s24 =	simm.s32 $0x18C00;
	[smem:$0x7D3] =	sst s23  }
0x4a: {  	s25 =	simm.s32 $0x16000;
	[smem:$0x7D4] =	sst s24  }
0x4b: {  	s6 =	simm.s32 $0x15C00;
	[smem:$0x7D5] =	sst s25  }
0x4c: {  	s8 =	simm.s32 $0x17400;
	[smem:$0x7CE] =	sst s6  }
0x4d: {  	s28 =	simm.s32 $0x16800;
	[smem:$0x7D1] =	sst s8  }
0x4e: {  	s30 =	simm.s32 $0x17000;
	[smem:$0x7D6] =	sst s28  }
0x4f: {  	s12 =	simm.s32 $0x18000;
	[smem:$0x7D7] =	sst s30  }
0x50: {  	s13 =	simm.s32 $0x18800;
	[smem:$0x7DA] =	sst s12  }
0x51: {  	s15 =	simm.s32 $0x19400;
	[smem:$0x7DB] =	sst s13  }
0x52: {  	s16 =	simm.s32 $0x19C00;
	[smem:$0x7DC] =	sst s15  }
0x53: {  	s18 =	simm.s32 $0x1A400;
	[smem:$0x7DE] =	sst s16  }
0x54: {  	s22 =	simm.s32 $0x1B400;
	[smem:$0x7E0] =	sst s18  }
0x55: {  	s29 =	simm.s32 $0xA;
	s23 =	simm.s32 $0x1BC00;
	[smem:$0x7E4] =	sst s22  }
0x56: {  	s31 =	simm.s32 $0xB;
	s25 =	simm.s32 $0x1C400;
	[smem:$0x7E5] =	sst s23  }
0x57: {  	s5 =	srdreg.scid;
	[smem:$0x7E6] =	sst s25;
	s28 =	simm.s32 $0x19800  }
0x58: {  	s10 =	stileid.u32;
	s30 =	simm.s32 $0x1A000;
	[smem:$0x7E8] =	sst s28  }
0x59: {  	s4 =	sand.u32 $0x1, s5;
	s13 =	simm.s32 $0x1B800;
	[smem:$0x7EA] =	sst s30  }
0x5a: {  	s20 =	sshll.u32 s10, $0x8;
	s15 =	simm.s32 $0x1CC00;
	[smem:$0x7ED] =	sst s13  }
0x5b: {  	s6 =	sadd.s32 $0x10400, s0;
	s18 =	simm.s32 $0x1DC00;
	[smem:$0x7F0] =	sst s15  }
0x5c: {  	s24 =	smul.u32 $0x380000, s10;
	s22 =	simm.s32 $0x1FC00;
	[smem:$0x7F2] =	sst s18  }
0x5d: {  	s16 =	smul.u32 $0x38000, s10;
	s23 =	simm.s32 $0x1D000;
	[smem:$0x7F7] =	sst s22  }
0x5e: {  	s25 =	simm.s32 $0x1E000;
	s7 =	sshll.u32 s4, $0x7;
	[smem:$0x7F8] =	sst s23  }
0x5f: {  	s26 =	ssub.s32 $0x2, s4;
	[smem:$0x7FA] =	sst s25;
	s28 =	simm.s32 $0x1F000  }
0x60: {  	s30 =	simm.s32 $0x1F800;
	s5 =	sor.u32 s7, s20;
	[smem:$0x7FC] =	sst s28  }
0x61: {  	s9 =	sshrl.u32 s26, $0x1;
	s20 =	simm.s32 $0x1AC00;
	[smem:$0x7FD] =	sst s30  }
0x62: {  	s8 =	ssub.s32 s26, s9;
	s9 =	simm.s32 $0x17800;
	[smem:$0x7E2] =	sst s20  }
0x63: {  	s7 =	sshll.u32 s5, $0x4;
	s20 =	simm.s32 $0x1EC00;
	[smem:$0x7D8] =	sst s9  }
0x64: {  	s7 =	sadd.s32 s7, s0;
	s8 =	smax.u32 s8, $0x1;
	[smem:$0x7F5] =	sst s20  }
0x65: {  	s11 =	smul.u32 $0x3800, s5;
	s7 =	sadd.s32 $0x400, s7;
	[smem:$0x7E7] =	sst s8  }
0x66: {  	s12 =	smul.u32 $0x38000, s4;
	s8 =	simm.s32 $0x1A800;
	[smem:$0x7D9] =	sst s7  }
0x67: {  	s14 =	sshrl.u32 s11, $0x3;
	s11 =	simm.s32 $0x1B000;
	[smem:$0x7EB] =	sst s8  }
0x68: {  	s7 =	sadd.s32 s6, s14;
	[smem:$0x7EC] =	sst s11;
	s14 =	simm.s32 $0x1C000  }
0x69: {  	s18 =	simm.s32 $0x1;
	s17 =	sadd.s32 $0x36400, s7;
	[smem:$0x7EF] =	sst s14  }
0x6a: {  	s22 =	simm.s32 $0x3;
	s19 =	sadd.s32 $0x36B00, s7;
	[smem:$0x7DD] =	sst s17  }
0x6b: {  	s26 =	smul.u32 $0x1C0000, s4;
	s21 =	sadd.s32 $0x37200, s7;
	[smem:$0x7DF] =	sst s19  }
0x6c: {  	s23 =	simm.s32 $0xE800;
	s7 =	sadd.s32 $0x37900, s7;
	[smem:$0x7E1] =	sst s21  }
0x6d: {  	s4 =	smul.u32 $0x1C000, s4;
	[smem:$0x7E3] =	sst s7;
	s7 =	sadd.s32 s26, s24  }
0x6e: {  	s9 =	smul.u32 $0x70000, s10;
	s17 =	simm.s32 $0x1D400;
	[smem:$0x7E9] =	sst s7  }
0x6f: {  	s20 =	simm.s32 $0x2;
	s19 =	simm.s32 $0x1E400;
	[smem:$0x7F1] =	sst s17  }
0x70: {  	s0 =	simm.s32 $0x1C800;
	s21 =	simm.s32 $0x1F400;
	[smem:$0x7F4] =	sst s19  }
0x71: {  	s24 =	simm.s32 $0x1D800;
	s26 =	simm.s32 $0x1E800;
	[smem:$0x7F6] =	sst s21  }
0x72: {  	s7 =	sadd.s32 s9, s6;
	s17 =	simm.s32 $0x4000;
	[smem:$0x7F9] =	sst s24  }
0x73: {  	s19 =	simm.s32 $0x7800;
	[smem:$0x7FB] =	sst s26;
	s7 =	sadd.s32 s12, s7  }
0x74: {  	v2 =	vlaneseq.u32;
	s21 =	simm.s32 $0xB000;
	[smem:$0x7EE] =	sst s7;
	s7 =	sadd.s32 s16, s1  }
0x75: {  	vm0 =	vmmov $0xff;
	vm1 =	vmmov $0x3;
	v1 =	vshrl.u32 v2, $0x3;
	s24 =	simm.s32 $0x4;
	s26 =	simm.s32 $0x9;
	s4 =	sadd.s32 s4, s7  }
0x76: {  	v0 =	vand.u32 $0x7, v2;
	v2 =	vor.u32 $0x8, v2;
	v1 =	vmul.u32 $0x8, v1;
	s9 =	simm.s32 $0x0;
	[smem:$0x7F3] =	sst s4;
	s4 =	simm.s32 $0xC  }
.LBB2_1:
0x77: {  	s7 =	sld [smem:$0x7D9];
	_ =	sdelay $0x1  }
0x78: {  	[smem:$0x7A8] =	sst s9;
	s30 =	simm.s32 $0x19  }
0x79: {  	[tilespmem:s3], [sflag:$0x19] =	stream.linear.gather [hbm4b:s7+s3], $0x4000, $0x38;
	v63 =	vld [tilespmem:$0x0]  }
0x7a: {  	_ =	swait.ge [sflag:s30], $0x4000  }
0x7b: {  	s15 =	sld [smem:$0x7F3]  }
0x7c: {  	s14 =	simm.s32 $0x3B0;
	[sflag:s30] =	ssyncset.done $0x0;
	s16 =	sld [smem:$0x7EE]  }
0x7d: {  	s8 =	simm.s32 $0x4;
	s7 =	sld [smem:$0x7E9];
	[sflag:s30] =	ssyncadd.s32 $0xFFFFC000  }
.LBB2_2:
0x7e: {  	p0 =	seq.s32 s8, $0x4  }
0x7f: {  	s9 =	simm.s32 @!p0 $0x11  }
0x80: {  	_ =	swait.ge @!p0 [sflag:s9], $0x3800  }
0x81: {  	[sflag:s9] =	ssyncset.done @!p0 $0x0  }
0x82: {  	[sflag:s9] =	ssyncadd.s32 @!p0 $0xFFFFC800  }
0x83: {  	v3 =	vld [tilespmem:s14+$0xFFFFFC50];
	_ =	sdelay $0x4  }
0x84: {  	v4 =	vperm.xlane v3, v0;
	_ =	sdelay $0x1  }
0x85: {  	v3 =	vperm.xlane v3, v2;
	v4 =	vadd.s32 v1, v4;
	_ =	sdelay $0x1  }
0x86: {  	v3 =	vadd.s32 v1, v3;
	_ =	sdelay $0x1  }
0x87: {  	s12 =	rddreg [dreg:$0x4]  }
0x88: {  	[tilespmem:s12], [sflag:$0x1] =	stream.indirect_vreg.gather [hbm4b:s2+s3], $0x80, v4, vm0, $0xb8;
	v63 =	vld [tilespmem:$0x0]  }
0x89: {  	s10 =	rddreg [dreg:$0x5]  }
0x8a: {  	[tilespmem:s10], [sflag:$0x1] =	stream.indirect_vreg.gather [hbm4b:s2+s3], $0x80, v3, vm0, $0xb8;
	v63 =	vld [tilespmem:$0x0]  }
0x8b: {  	v3 =	vld [tilespmem:s14+$0xFFFFFC60];
	_ =	sdelay $0x4  }
0x8c: {  	v40 =	vperm.xlane v3, v0;
	_ =	sdelay $0x1  }
0x8d: {  	v3 =	vperm.xlane v3, v2;
	v4 =	vadd.s32 v1, v40;
	_ =	sdelay $0x1  }
0x8e: {  	v3 =	vadd.s32 v1, v3;
	_ =	sdelay $0x1  }
0x8f: {  	s13 =	rddreg [dreg:$0x6]  }
0x90: {  	[tilespmem:s13], [sflag:$0x1] =	stream.indirect_vreg.gather [hbm4b:s2+s3], $0x80, v4, vm0, $0xb8;
	v63 =	vld [tilespmem:$0x0]  }
0x91: {  	s25 =	rddreg [dreg:$0x7]  }
0x92: {  	[tilespmem:s25], [sflag:$0x1] =	stream.indirect_vreg.gather [hbm4b:s2+s3], $0x80, v3, vm0, $0xb8;
	v63 =	vld [tilespmem:$0x0]  }
0x93: {  	v3 =	vld [tilespmem:s14+$0xFFFFFC70];
	_ =	sdelay $0x4  }
0x94: {  	v41 =	vperm.xlane v3, v0;
	_ =	sdelay $0x1  }
0x95: {  	v3 =	vperm.xlane v3, v2;
	v4 =	vadd.s32 v1, v41;
	_ =	sdelay $0x1  }
0x96: {  	v3 =	vadd.s32 v1, v3;
	_ =	sdelay $0x1  }
0x97: {  	s10 =	rddreg [dreg:$0x8]  }
0x98: {  	[tilespmem:s10], [sflag:$0x1] =	stream.indirect_vreg.gather [hbm4b:s2+s3], $0x80, v4, vm0, $0xb8;
	v63 =	vld [tilespmem:$0x0]  }
0x99: {  	s11 =	rddreg [dreg:$0x9]  }
0x9a: {  	[tilespmem:s11], [sflag:$0x1] =	stream.indirect_vreg.gather [hbm4b:s2+s3], $0x80, v3, vm0, $0xb8;
	v63 =	vld [tilespmem:$0x0]  }
0x9b: {  	v3 =	vld.msk [tilespmem:s14+$0xFFFFFC80], $0x3;
	_ =	sdelay $0x4  }
0x9c: {  	v3 =	vperm.xlane v3, v0;
	_ =	sdelay $0x1  }
0x9d: {  	v3 =	vadd.s32 v1, v3;
	_ =	sdelay $0x3  }
0x9e: {  	s12 =	rddreg [dreg:$0xa]  }
0x9f: {  	[tilespmem:s12], [sflag:$0x1] =	stream.indirect_vreg.gather [hbm4b:s2+s3], $0x80, v3, vm1, $0xb8;
	v63 =	vld [tilespmem:$0x0]  }
0xa0: {  	_ = 	snop  }
0xa1: {  	[tilespmem:s17], [sflag:$0x9] =	stream.linear.gather [hbm4b:s15+s3], $0x400, $0x38;
	v63 =	vld [tilespmem:$0x0]  }
0xa2: {  	s13 =	rddreg [dreg:$0xb];
	s25 =	sadd.s32 $0x80, s15  }
0xa3: {  	[tilespmem:s13], [sflag:$0x9] =	stream.linear.gather [hbm4b:s25+s3], $0x400, $0x38;
	v63 =	vld [tilespmem:$0x0]  }
0xa4: {  	s10 =	sadd.s32 $0x100, s15;
	s11 =	rddreg [dreg:$0xc]  }
0xa5: {  	[tilespmem:s11], [sflag:$0x9] =	stream.linear.gather [hbm4b:s10+s3], $0x400, $0x38;
	v63 =	vld [tilespmem:$0x0]  }
0xa6: {  	s12 =	rddreg [dreg:$0xd];
	s13 =	sadd.s32 $0x180, s15  }
0xa7: {  	[tilespmem:s12], [sflag:$0x9] =	stream.linear.gather [hbm4b:s13+s3], $0x400, $0x38;
	v63 =	vld [tilespmem:$0x0]  }
0xa8: {  	s25 =	rddreg [dreg:$0xe];
	s10 =	sadd.s32 $0x200, s15  }
0xa9: {  	[tilespmem:s25], [sflag:$0x9] =	stream.linear.gather [hbm4b:s10+s3], $0x400, $0x38;
	v63 =	vld [tilespmem:$0x0]  }
0xaa: {  	s12 =	rddreg [dreg:$0xf];
	s13 =	sadd.s32 $0x280, s15  }
0xab: {  	[tilespmem:s12], [sflag:$0x9] =	stream.linear.gather [hbm4b:s13+s3], $0x400, $0x38;
	v63 =	vld [tilespmem:$0x0]  }
0xac: {  	s9 =	simm.s32 @!p0 $0x5;
	s25 =	rddreg [dreg:$0x10];
	s12 =	sadd.s32 $0x300, s15  }
0xad: {  	[tilespmem:s25], [sflag:$0x9] =	stream.linear.gather [hbm4b:s12+s3], $0x400, $0x38;
	v63 =	vld [tilespmem:$0x0]  }
0xae: {  	_ =	swait.ge @!p0 [sflag:s9], $0x1900  }
0xaf: {  	[sflag:s9] =	ssyncset.done @!p0 $0x0  }
0xb0: {  	[sflag:s9] =	ssyncadd.s32 @!p0 $0xFFFFE700;
	s9 =	simm.s32 @!p0 $0xD  }
0xb1: {  	_ =	swait.ge @!p0 [sflag:s9], $0x1C00  }
0xb2: {  	s10 =	sadd.s32 @!p0 $0xFFFF2000, s7;
	[sflag:s9] =	ssyncset.done @!p0 $0x0  }
0xb3: {  	[sflag:s9] =	ssyncadd.s32 @!p0 $0xFFFFE400;
	s9 =	sshrl.u32 @!p0 s10, $0x3  }
0xb4: {  	s12 =	simm.s32 @!p0 $0x0;
	s10 =	simm.s32 @!p0 $0x12000;
	s9 =	sadd.s32 @!p0 s6, s9  }
0xb5: {  	[hbm4b:s9+s12] =	stream.linear.scatter @!p0 [tilespmem:s10], [sflag:$0x15], $0x3800, $0x38;
	v63 =	vld [tilespmem:$0x0]  }
0xb6: {  	s9 =	sadd.s32 @!p0 $0xFFFFFFFD, s8;
	s10 =	simm.s32 @!p0 $0x12  }
0xb7: {  	_ =	swait.ge @!p0 [sflag:s10], $0x3800;
	s9 =	simm.s32 @p0 $0x1  }
0xb8: {  	[sflag:s10] =	ssyncset.done @!p0 $0x0;
	s13 =	sshll.u32 s9, $0x7  }
0xb9: {  	[sflag:s10] =	ssyncadd.s32 @!p0 $0xFFFFC800;
	s10 =	sand.u32 $0x3FFFFF80, s13  }
0xba: {  	v3 =	vld [tilespmem:s10+$0x0];
	_ =	sdelay $0x4  }
0xbb: {  	v42 =	vperm.xlane v3, v0;
	_ =	sdelay $0x1  }
0xbc: {  	v3 =	vperm.xlane v3, v2;
	v4 =	vadd.s32 v1, v42;
	_ =	sdelay $0x1  }
0xbd: {  	v3 =	vadd.s32 v1, v3;
	_ =	sdelay $0x1  }
0xbe: {  	s25 =	rddreg [dreg:$0x11]  }
0xbf: {  	[tilespmem:s25], [sflag:$0x2] =	stream.indirect_vreg.gather [hbm4b:s2+s3], $0x80, v4, vm0, $0xb8;
	v63 =	vld [tilespmem:$0x0]  }
0xc0: {  	s13 =	rddreg [dreg:$0x12]  }
0xc1: {  	[tilespmem:s13], [sflag:$0x2] =	stream.indirect_vreg.gather [hbm4b:s2+s3], $0x80, v3, vm0, $0xb8;
	v63 =	vld [tilespmem:$0x0]  }
0xc2: {  	v3 =	vld [tilespmem:s10+$0x10];
	_ =	sdelay $0x4  }
0xc3: {  	v43 =	vperm.xlane v3, v0;
	_ =	sdelay $0x1  }
0xc4: {  	v3 =	vperm.xlane v3, v2;
	v4 =	vadd.s32 v1, v43;
	_ =	sdelay $0x1  }
0xc5: {  	v3 =	vadd.s32 v1, v3;
	_ =	sdelay $0x1  }
0xc6: {  	s13 =	rddreg [dreg:$0x13]  }
0xc7: {  	[tilespmem:s13], [sflag:$0x2] =	stream.indirect_vreg.gather [hbm4b:s2+s3], $0x80, v4, vm0, $0xb8;
	v63 =	vld [tilespmem:$0x0]  }
0xc8: {  	s25 =	rddreg [dreg:$0x14]  }
0xc9: {  	[tilespmem:s25], [sflag:$0x2] =	stream.indirect_vreg.gather [hbm4b:s2+s3], $0x80, v3, vm0, $0xb8;
	v63 =	vld [tilespmem:$0x0]  }
0xca: {  	v3 =	vld [tilespmem:s10+$0x20];
	_ =	sdelay $0x4  }
0xcb: {  	v44 =	vperm.xlane v3, v0;
	_ =	sdelay $0x1  }
0xcc: {  	v3 =	vperm.xlane v3, v2;
	v4 =	vadd.s32 v1, v44;
	_ =	sdelay $0x1  }
0xcd: {  	v3 =	vadd.s32 v1, v3;
	_ =	sdelay $0x1  }
0xce: {  	s13 =	rddreg [dreg:$0x15]  }
0xcf: {  	[tilespmem:s13], [sflag:$0x2] =	stream.indirect_vreg.gather [hbm4b:s2+s3], $0x80, v4, vm0, $0xb8;
	v63 =	vld [tilespmem:$0x0]  }
0xd0: {  	s25 =	rddreg [dreg:$0x16];
	s10 =	sor.u32 $0x30, s10  }
0xd1: {  	[tilespmem:s25], [sflag:$0x2] =	stream.indirect_vreg.gather [hbm4b:s2+s3], $0x80, v3, vm0, $0xb8;
	v63 =	vld [tilespmem:$0x0]  }
0xd2: {  	v3 =	vld.msk [tilespmem:s10+$0x0], $0x3;
	_ =	sdelay $0x4  }
0xd3: {  	v3 =	vperm.xlane v3, v0;
	_ =	sdelay $0x1  }
0xd4: {  	v3 =	vadd.s32 v1, v3;
	_ =	sdelay $0x2  }
0xd5: {  	s9 =	sor.u32 s5, s9  }
0xd6: {  	s11 =	rddreg [dreg:$0x17];
	s13 =	smul.u32 $0x380, s9  }
0xd7: {  	[tilespmem:s11], [sflag:$0x2] =	stream.indirect_vreg.gather [hbm4b:s2+s3], $0x80, v3, vm1, $0xb8;
	v63 =	vld [tilespmem:$0x0]  }
0xd8: {  	s10 =	sadd.s32 s1, s13  }
0xd9: {  	[tilespmem:s19], [sflag:$0xA] =	stream.linear.gather [hbm4b:s10+s3], $0x400, $0x38;
	v63 =	vld [tilespmem:$0x0]  }
0xda: {  	s13 =	sadd.s32 $0x80, s10;
	s11 =	rddreg [dreg:$0x18]  }
0xdb: {  	[tilespmem:s11], [sflag:$0xA] =	stream.linear.gather [hbm4b:s13+s3], $0x400, $0x38;
	v63 =	vld [tilespmem:$0x0]  }
0xdc: {  	s25 =	rddreg [dreg:$0x19];
	s11 =	sadd.s32 $0x100, s10  }
0xdd: {  	[tilespmem:s25], [sflag:$0xA] =	stream.linear.gather [hbm4b:s11+s3], $0x400, $0x38;
	v63 =	vld [tilespmem:$0x0]  }
0xde: {  	s13 =	rddreg [dreg:$0x1a];
	s11 =	sadd.s32 $0x180, s10  }
0xdf: {  	[tilespmem:s13], [sflag:$0xA] =	stream.linear.gather [hbm4b:s11+s3], $0x400, $0x38;
	v63 =	vld [tilespmem:$0x0]  }
0xe0: {  	s25 =	rddreg [dreg:$0x1b];
	s11 =	sadd.s32 $0x200, s10  }
0xe1: {  	[tilespmem:s25], [sflag:$0xA] =	stream.linear.gather [hbm4b:s11+s3], $0x400, $0x38;
	v63 =	vld [tilespmem:$0x0]  }
0xe2: {  	s13 =	rddreg [dreg:$0x1c];
	s11 =	sadd.s32 $0x280, s10  }
0xe3: {  	[tilespmem:s13], [sflag:$0xA] =	stream.linear.gather [hbm4b:s11+s3], $0x400, $0x38;
	v63 =	vld [tilespmem:$0x0]  }
0xe4: {  	s25 =	rddreg [dreg:$0x1d];
	s10 =	sadd.s32 $0x300, s10  }
0xe5: {  	[tilespmem:s25], [sflag:$0xA] =	stream.linear.gather [hbm4b:s10+s3], $0x400, $0x38;
	v63 =	vld [tilespmem:$0x0]  }
0xe6: {  	s10 =	simm.s32 @!p0 $0x6  }
0xe7: {  	_ =	swait.ge @!p0 [sflag:s10], $0x1900  }
0xe8: {  	[sflag:s10] =	ssyncset.done @!p0 $0x0  }
0xe9: {  	[sflag:s10] =	ssyncadd.s32 @!p0 $0xFFFFE700;
	s10 =	simm.s32 @!p0 $0xE  }
0xea: {  	s11 =	sadd.s32 @!p0 $0xFFFF5800, s7;
	_ =	swait.ge @!p0 [sflag:s10], $0x1C00  }
0xeb: {  	s11 =	sshrl.u32 @!p0 s11, $0x3;
	[sflag:s10] =	ssyncset.done @!p0 $0x0  }
0xec: {  	[sflag:s10] =	ssyncadd.s32 @!p0 $0xFFFFE400;
	s10 =	sadd.s32 @!p0 s6, s11;
	s11 =	simm.s32 @!p0 $0x15800  }
0xed: {  	[hbm4b:s10+s12] =	stream.linear.scatter @!p0 [tilespmem:s11], [sflag:$0x16], $0x3800, $0x38;
	v63 =	vld [tilespmem:$0x0]  }
0xee: {  	s10 =	sadd.s32 @!p0 $0xFFFFFFFE, s8;
	s11 =	simm.s32 @!p0 $0x13  }
0xef: {  	_ =	swait.ge @!p0 [sflag:s11], $0x3800;
	s10 =	simm.s32 @p0 $0x2  }
0xf0: {  	[sflag:s11] =	ssyncset.done @!p0 $0x0;
	s25 =	sshll.u32 s10, $0x7  }
0xf1: {  	[sflag:s11] =	ssyncadd.s32 @!p0 $0xFFFFC800;
	s11 =	sand.u32 $0x3FFFFF80, s25  }
0xf2: {  	v3 =	vld [tilespmem:s11+$0x0];
	_ =	sdelay $0x4  }
0xf3: {  	v45 =	vperm.xlane v3, v0;
	_ =	sdelay $0x1  }
0xf4: {  	v3 =	vperm.xlane v3, v2;
	v4 =	vadd.s32 v1, v45;
	_ =	sdelay $0x1  }
0xf5: {  	v3 =	vadd.s32 v1, v3;
	_ =	sdelay $0x1  }
0xf6: {  	s13 =	rddreg [dreg:$0x1e]  }
0xf7: {  	[tilespmem:s13], [sflag:$0x3] =	stream.indirect_vreg.gather [hbm4b:s2+s3], $0x80, v4, vm0, $0xb8;
	v63 =	vld [tilespmem:$0x0]  }
0xf8: {  	s25 =	rddreg [dreg:$0x1f]  }
0xf9: {  	[tilespmem:s25], [sflag:$0x3] =	stream.indirect_vreg.gather [hbm4b:s2+s3], $0x80, v3, vm0, $0xb8;
	v63 =	vld [tilespmem:$0x0]  }
0xfa: {  	v3 =	vld [tilespmem:s11+$0x10];
	_ =	sdelay $0x4  }
0xfb: {  	v46 =	vperm.xlane v3, v0;
	_ =	sdelay $0x1  }
0xfc: {  	v3 =	vperm.xlane v3, v2;
	v4 =	vadd.s32 v1, v46;
	_ =	sdelay $0x1  }
0xfd: {  	s13 =	sld [smem:$0x7A9];
	v3 =	vadd.s32 v1, v3;
	_ =	sdelay $0x1  }
0xfe: {  	s25 =	sld [smem:$0x7AA]  }
0xff: {  	[tilespmem:s13], [sflag:$0x3] =	stream.indirect_vreg.gather [hbm4b:s2+s3], $0x80, v4, vm0, $0xb8;
	v63 =	vld [tilespmem:$0x0]  }
0x100: {  	_ = 	snop  }
0x101: {  	[tilespmem:s25], [sflag:$0x3] =	stream.indirect_vreg.gather [hbm4b:s2+s3], $0x80, v3, vm0, $0xb8;
	v63 =	vld [tilespmem:$0x0]  }
0x102: {  	v3 =	vld [tilespmem:s11+$0x20];
	_ =	sdelay $0x4  }
0x103: {  	v47 =	vperm.xlane v3, v0;
	_ =	sdelay $0x1  }
0x104: {  	v3 =	vperm.xlane v3, v2;
	v4 =	vadd.s32 v1, v47;
	_ =	sdelay $0x1  }
0x105: {  	s13 =	sld [smem:$0x7AB];
	v3 =	vadd.s32 v1, v3;
	_ =	sdelay $0x1  }
0x106: {  	s25 =	sld [smem:$0x7AC]  }
0x107: {  	[tilespmem:s13], [sflag:$0x3] =	stream.indirect_vreg.gather [hbm4b:s2+s3], $0x80, v4, vm0, $0xb8;
	v63 =	vld [tilespmem:$0x0]  }
0x108: {  	s11 =	sor.u32 $0x30, s11  }
0x109: {  	[tilespmem:s25], [sflag:$0x3] =	stream.indirect_vreg.gather [hbm4b:s2+s3], $0x80, v3, vm0, $0xb8;
	v63 =	vld [tilespmem:$0x0]  }
0x10a: {  	v3 =	vld.msk [tilespmem:s11+$0x0], $0x3;
	_ =	sdelay $0x4  }
0x10b: {  	v3 =	vperm.xlane v3, v0;
	_ =	sdelay $0x1  }
0x10c: {  	v3 =	vadd.s32 v1, v3;
	_ =	sdelay $0x1  }
0x10d: {  	s13 =	sld [smem:$0x7AD]  }
0x10e: {  	s10 =	sor.u32 s5, s10  }
0x10f: {  	s25 =	smul.u32 $0x380, s10  }
0x110: {  	[tilespmem:s13], [sflag:$0x3] =	stream.indirect_vreg.gather [hbm4b:s2+s3], $0x80, v3, vm1, $0xb8;
	v63 =	vld [tilespmem:$0x0]  }
0x111: {  	s11 =	sadd.s32 s1, s25;
	s13 =	sld [smem:$0x7AE]  }
0x112: {  	[tilespmem:s21], [sflag:$0xB] =	stream.linear.gather [hbm4b:s11+s3], $0x400, $0x38;
	v63 =	vld [tilespmem:$0x0]  }
0x113: {  	s28 =	sld [smem:$0x7AF];
	s25 =	sadd.s32 $0x80, s11  }
0x114: {  	[tilespmem:s13], [sflag:$0xB] =	stream.linear.gather [hbm4b:s25+s3], $0x400, $0x38;
	v63 =	vld [tilespmem:$0x0]  }
0x115: {  	s13 =	sadd.s32 $0x100, s11;
	s25 =	sld [smem:$0x7B0]  }
0x116: {  	[tilespmem:s28], [sflag:$0xB] =	stream.linear.gather [hbm4b:s13+s3], $0x400, $0x38;
	v63 =	vld [tilespmem:$0x0]  }
0x117: {  	s13 =	sadd.s32 $0x180, s11;
	s28 =	sld [smem:$0x7B1]  }
0x118: {  	[tilespmem:s25], [sflag:$0xB] =	stream.linear.gather [hbm4b:s13+s3], $0x400, $0x38;
	v63 =	vld [tilespmem:$0x0]  }
0x119: {  	s13 =	sadd.s32 $0x200, s11;
	s25 =	sld [smem:$0x7B2]  }
0x11a: {  	[tilespmem:s28], [sflag:$0xB] =	stream.linear.gather [hbm4b:s13+s3], $0x400, $0x38;
	v63 =	vld [tilespmem:$0x0]  }
0x11b: {  	s13 =	sadd.s32 $0x280, s11;
	s28 =	sld [smem:$0x7B3]  }
0x11c: {  	[tilespmem:s25], [sflag:$0xB] =	stream.linear.gather [hbm4b:s13+s3], $0x400, $0x38;
	v63 =	vld [tilespmem:$0x0]  }
0x11d: {  	s11 =	sadd.s32 $0x300, s11  }
0x11e: {  	[tilespmem:s28], [sflag:$0xB] =	stream.linear.gather [hbm4b:s11+s3], $0x400, $0x38;
	v63 =	vld [tilespmem:$0x0]  }
0x11f: {  	s11 =	simm.s32 @!p0 $0x7  }
0x120: {  	_ =	swait.ge @!p0 [sflag:s11], $0x1900  }
0x121: {  	[sflag:s11] =	ssyncset.done @!p0 $0x0  }
0x122: {  	[sflag:s11] =	ssyncadd.s32 @!p0 $0xFFFFE700;
	s11 =	simm.s32 @!p0 $0xF  }
0x123: {  	s13 =	sadd.s32 @!p0 $0xFFFF9000, s7;
	_ =	swait.ge @!p0 [sflag:s11], $0x1C00  }
0x124: {  	s13 =	sshrl.u32 @!p0 s13, $0x3;
	[sflag:s11] =	ssyncset.done @!p0 $0x0  }
0x125: {  	[sflag:s11] =	ssyncadd.s32 @!p0 $0xFFFFE400;
	s11 =	sadd.s32 @!p0 s6, s13;
	s13 =	simm.s32 @!p0 $0x19000  }
0x126: {  	[hbm4b:s11+s12] =	stream.linear.scatter @!p0 [tilespmem:s13], [sflag:$0x17], $0x3800, $0x38;
	v63 =	vld [tilespmem:$0x0]  }
0x127: {  	s11 =	sadd.s32 @!p0 $0xFFFFFFFF, s8;
	s13 =	simm.s32 @!p0 $0x14  }
0x128: {  	_ =	swait.ge @!p0 [sflag:s13], $0x3800;
	s11 =	simm.s32 @p0 $0x3  }
0x129: {  	[sflag:s13] =	ssyncset.done @!p0 $0x0;
	s25 =	sshll.u32 s11, $0x7  }
0x12a: {  	[sflag:s13] =	ssyncadd.s32 @!p0 $0xFFFFC800;
	s13 =	sand.u32 $0x3FFFFF80, s25  }
0x12b: {  	v3 =	vld [tilespmem:s13+$0x0];
	_ =	sdelay $0x4  }
0x12c: {  	v48 =	vperm.xlane v3, v0;
	_ =	sdelay $0x1  }
0x12d: {  	v3 =	vperm.xlane v3, v2;
	v4 =	vadd.s32 v1, v48;
	_ =	sdelay $0x1  }
0x12e: {  	s25 =	sld [smem:$0x7B4];
	v3 =	vadd.s32 v1, v3;
	_ =	sdelay $0x1  }
0x12f: {  	s28 =	sld [smem:$0x7B5]  }
0x130: {  	[tilespmem:s25], [sflag:$0x4] =	stream.indirect_vreg.gather [hbm4b:s2+s3], $0x80, v4, vm0, $0xb8;
	v63 =	vld [tilespmem:$0x0]  }
0x131: {  	_ = 	snop  }
0x132: {  	[tilespmem:s28], [sflag:$0x4] =	stream.indirect_vreg.gather [hbm4b:s2+s3], $0x80, v3, vm0, $0xb8;
	v63 =	vld [tilespmem:$0x0]  }
0x133: {  	v3 =	vld [tilespmem:s13+$0x10];
	_ =	sdelay $0x4  }
0x134: {  	v49 =	vperm.xlane v3, v0;
	_ =	sdelay $0x1  }
0x135: {  	v3 =	vperm.xlane v3, v2;
	v4 =	vadd.s32 v1, v49;
	_ =	sdelay $0x1  }
0x136: {  	s25 =	sld [smem:$0x7B6];
	v3 =	vadd.s32 v1, v3;
	_ =	sdelay $0x1  }
0x137: {  	s28 =	sld [smem:$0x7B7]  }
0x138: {  	[tilespmem:s25], [sflag:$0x4] =	stream.indirect_vreg.gather [hbm4b:s2+s3], $0x80, v4, vm0, $0xb8;
	v63 =	vld [tilespmem:$0x0]  }
0x139: {  	_ = 	snop  }
0x13a: {  	[tilespmem:s28], [sflag:$0x4] =	stream.indirect_vreg.gather [hbm4b:s2+s3], $0x80, v3, vm0, $0xb8;
	v63 =	vld [tilespmem:$0x0]  }
0x13b: {  	v3 =	vld [tilespmem:s13+$0x20];
	_ =	sdelay $0x4  }
0x13c: {  	v50 =	vperm.xlane v3, v0;
	_ =	sdelay $0x1  }
0x13d: {  	v3 =	vperm.xlane v3, v2;
	v4 =	vadd.s32 v1, v50;
	_ =	sdelay $0x1  }
0x13e: {  	s25 =	sld [smem:$0x7B8];
	v3 =	vadd.s32 v1, v3;
	_ =	sdelay $0x1  }
0x13f: {  	s28 =	sld [smem:$0x7B9]  }
0x140: {  	[tilespmem:s25], [sflag:$0x4] =	stream.indirect_vreg.gather [hbm4b:s2+s3], $0x80, v4, vm0, $0xb8;
	v63 =	vld [tilespmem:$0x0]  }
0x141: {  	s13 =	sor.u32 $0x30, s13  }
0x142: {  	[tilespmem:s28], [sflag:$0x4] =	stream.indirect_vreg.gather [hbm4b:s2+s3], $0x80, v3, vm0, $0xb8;
	v63 =	vld [tilespmem:$0x0]  }
0x143: {  	v3 =	vld.msk [tilespmem:s13+$0x0], $0x3;
	_ =	sdelay $0x4  }
0x144: {  	v3 =	vperm.xlane v3, v0;
	_ =	sdelay $0x1  }
0x145: {  	v3 =	vadd.s32 v1, v3;
	_ =	sdelay $0x1  }
0x146: {  	s13 =	sld [smem:$0x7BA]  }
0x147: {  	s11 =	sor.u32 s5, s11  }
0x148: {  	s25 =	smul.u32 $0x380, s11  }
0x149: {  	[tilespmem:s13], [sflag:$0x4] =	stream.indirect_vreg.gather [hbm4b:s2+s3], $0x80, v3, vm1, $0xb8;
	v63 =	vld [tilespmem:$0x0]  }
0x14a: {  	s13 =	sadd.s32 s1, s25;
	s25 =	sld [smem:$0x7BB]  }
0x14b: {  	[tilespmem:s23], [sflag:$0xC] =	stream.linear.gather [hbm4b:s13+s3], $0x400, $0x38;
	v63 =	vld [tilespmem:$0x0]  }
0x14c: {  	s30 =	sld [smem:$0x7BC];
	s28 =	sadd.s32 $0x80, s13  }
0x14d: {  	[tilespmem:s25], [sflag:$0xC] =	stream.linear.gather [hbm4b:s28+s3], $0x400, $0x38;
	v63 =	vld [tilespmem:$0x0]  }
0x14e: {  	s25 =	sadd.s32 $0x100, s13;
	s28 =	sld [smem:$0x7BD]  }
0x14f: {  	[tilespmem:s30], [sflag:$0xC] =	stream.linear.gather [hbm4b:s25+s3], $0x400, $0x38;
	v63 =	vld [tilespmem:$0x0]  }
0x150: {  	s25 =	sadd.s32 $0x180, s13;
	s30 =	sld [smem:$0x7BE]  }
0x151: {  	[tilespmem:s28], [sflag:$0xC] =	stream.linear.gather [hbm4b:s25+s3], $0x400, $0x38;
	v63 =	vld [tilespmem:$0x0]  }
0x152: {  	s25 =	sadd.s32 $0x200, s13;
	s28 =	sld [smem:$0x7BF]  }
0x153: {  	[tilespmem:s30], [sflag:$0xC] =	stream.linear.gather [hbm4b:s25+s3], $0x400, $0x38;
	v63 =	vld [tilespmem:$0x0]  }
0x154: {  	s25 =	sadd.s32 $0x280, s13;
	s30 =	sld [smem:$0x7C0]  }
0x155: {  	[tilespmem:s28], [sflag:$0xC] =	stream.linear.gather [hbm4b:s25+s3], $0x400, $0x38;
	v63 =	vld [tilespmem:$0x0]  }
0x156: {  	s13 =	sadd.s32 $0x300, s13  }
0x157: {  	[tilespmem:s30], [sflag:$0xC] =	stream.linear.gather [hbm4b:s13+s3], $0x400, $0x38;
	v63 =	vld [tilespmem:$0x0]  }
0x158: {  	s13 =	simm.s32 @!p0 $0x8  }
0x159: {  	_ =	swait.ge @!p0 [sflag:s13], $0x1900  }
0x15a: {  	[sflag:s13] =	ssyncset.done @!p0 $0x0  }
0x15b: {  	[sflag:s13] =	ssyncadd.s32 @!p0 $0xFFFFE700;
	s13 =	simm.s32 @!p0 $0x10  }
0x15c: {  	s25 =	sadd.s32 @!p0 $0xFFFFC800, s7;
	_ =	swait.ge @!p0 [sflag:s13], $0x1C00  }
0x15d: {  	s25 =	sshrl.u32 @!p0 s25, $0x3;
	[sflag:s13] =	ssyncset.done @!p0 $0x0  }
0x15e: {  	[sflag:s13] =	ssyncadd.s32 @!p0 $0xFFFFE400;
	s13 =	sadd.s32 @!p0 s6, s25;
	s25 =	simm.s32 @!p0 $0x1C800  }
0x15f: {  	[hbm4b:s13+s12] =	stream.linear.scatter @!p0 [tilespmem:s25], [sflag:$0x18], $0x3800, $0x38;
	v63 =	vld [tilespmem:$0x0]  }
0x160: {  	s12 =	simm.s32 @!p0 $0x15;
	s13 =	smov.u32 s8  }
0x161: {  	_ =	swait.ge @!p0 [sflag:s12], $0x3800;
	s13 =	simm.s32 @p0 $0x4  }
0x162: {  	[sflag:s12] =	ssyncset.done @!p0 $0x0;
	s25 =	sshll.u32 s13, $0x7  }
0x163: {  	[sflag:s12] =	ssyncadd.s32 @!p0 $0xFFFFC800;
	s12 =	sand.u32 $0x3FFFFF80, s25  }
0x164: {  	v3 =	vld [tilespmem:s12+$0x0];
	_ =	sdelay $0x4  }
0x165: {  	v51 =	vperm.xlane v3, v0;
	_ =	sdelay $0x1  }
0x166: {  	v3 =	vperm.xlane v3, v2;
	v4 =	vadd.s32 v1, v51;
	_ =	sdelay $0x1  }
0x167: {  	s25 =	sld [smem:$0x7C1];
	v3 =	vadd.s32 v1, v3;
	_ =	sdelay $0x1  }
0x168: {  	s28 =	sld [smem:$0x7C2]  }
0x169: {  	[tilespmem:s25], [sflag:$0x5] =	stream.indirect_vreg.gather [hbm4b:s2+s3], $0x80, v4, vm0, $0xb8;
	v63 =	vld [tilespmem:$0x0]  }
0x16a: {  	_ = 	snop  }
0x16b: {  	[tilespmem:s28], [sflag:$0x5] =	stream.indirect_vreg.gather [hbm4b:s2+s3], $0x80, v3, vm0, $0xb8;
	v63 =	vld [tilespmem:$0x0]  }
0x16c: {  	v3 =	vld [tilespmem:s12+$0x10];
	_ =	sdelay $0x4  }
0x16d: {  	v52 =	vperm.xlane v3, v0;
	_ =	sdelay $0x1  }
0x16e: {  	v3 =	vperm.xlane v3, v2;
	v4 =	vadd.s32 v1, v52;
	_ =	sdelay $0x1  }
0x16f: {  	s25 =	sld [smem:$0x7C3];
	v3 =	vadd.s32 v1, v3;
	_ =	sdelay $0x1  }
0x170: {  	s28 =	sld [smem:$0x7C4]  }
0x171: {  	[tilespmem:s25], [sflag:$0x5] =	stream.indirect_vreg.gather [hbm4b:s2+s3], $0x80, v4, vm0, $0xb8;
	v63 =	vld [tilespmem:$0x0]  }
0x172: {  	_ = 	snop  }
0x173: {  	[tilespmem:s28], [sflag:$0x5] =	stream.indirect_vreg.gather [hbm4b:s2+s3], $0x80, v3, vm0, $0xb8;
	v63 =	vld [tilespmem:$0x0]  }
0x174: {  	v3 =	vld [tilespmem:s12+$0x20];
	_ =	sdelay $0x4  }
0x175: {  	v53 =	vperm.xlane v3, v0;
	_ =	sdelay $0x1  }
0x176: {  	v3 =	vperm.xlane v3, v2;
	v4 =	vadd.s32 v1, v53;
	_ =	sdelay $0x1  }
0x177: {  	s25 =	sld [smem:$0x7C5];
	v3 =	vadd.s32 v1, v3;
	_ =	sdelay $0x1  }
0x178: {  	s28 =	sld [smem:$0x7C6]  }
0x179: {  	[tilespmem:s25], [sflag:$0x5] =	stream.indirect_vreg.gather [hbm4b:s2+s3], $0x80, v4, vm0, $0xb8;
	v63 =	vld [tilespmem:$0x0]  }
0x17a: {  	s12 =	sor.u32 $0x30, s12  }
0x17b: {  	[tilespmem:s28], [sflag:$0x5] =	stream.indirect_vreg.gather [hbm4b:s2+s3], $0x80, v3, vm0, $0xb8;
	v63 =	vld [tilespmem:$0x0]  }
0x17c: {  	v3 =	vld.msk [tilespmem:s12+$0x0], $0x3;
	_ =	sdelay $0x4  }
0x17d: {  	v3 =	vperm.xlane v3, v0;
	_ =	sdelay $0x1  }
0x17e: {  	v3 =	vadd.s32 v1, v3;
	_ =	sdelay $0x1  }
0x17f: {  	s25 =	sld [smem:$0x7C7]  }
0x180: {  	s13 =	sadd.s32 s5, s13  }
0x181: {  	s13 =	smul.u32 $0x380, s13  }
0x182: {  	[tilespmem:s25], [sflag:$0x5] =	stream.indirect_vreg.gather [hbm4b:s2+s3], $0x80, v3, vm1, $0xb8;
	v63 =	vld [tilespmem:$0x0]  }
0x183: {  	s30 =	simm.s32 $0x12000;
	s12 =	sadd.s32 s1, s13;
	s13 =	sld [smem:$0x7C8]  }
0x184: {  	[tilespmem:s30], [sflag:$0xD] =	stream.linear.gather [hbm4b:s12+s3], $0x400, $0x38;
	v63 =	vld [tilespmem:$0x0]  }
0x185: {  	s28 =	sld [smem:$0x7C9];
	s25 =	sadd.s32 $0x80, s12  }
0x186: {  	[tilespmem:s13], [sflag:$0xD] =	stream.linear.gather [hbm4b:s25+s3], $0x400, $0x38;
	v63 =	vld [tilespmem:$0x0]  }
0x187: {  	s13 =	sadd.s32 $0x100, s12;
	s25 =	sld [smem:$0x7CA]  }
0x188: {  	[tilespmem:s28], [sflag:$0xD] =	stream.linear.gather [hbm4b:s13+s3], $0x400, $0x38;
	v63 =	vld [tilespmem:$0x0]  }
0x189: {  	s13 =	sadd.s32 $0x180, s12;
	s28 =	sld [smem:$0x7CB]  }
0x18a: {  	[tilespmem:s25], [sflag:$0xD] =	stream.linear.gather [hbm4b:s13+s3], $0x400, $0x38;
	v63 =	vld [tilespmem:$0x0]  }
0x18b: {  	s13 =	sadd.s32 $0x200, s12;
	s25 =	sld [smem:$0x7CC]  }
0x18c: {  	[tilespmem:s28], [sflag:$0xD] =	stream.linear.gather [hbm4b:s13+s3], $0x400, $0x38;
	v63 =	vld [tilespmem:$0x0]  }
0x18d: {  	s13 =	sadd.s32 $0x280, s12;
	s28 =	sld [smem:$0x7CD]  }
0x18e: {  	[tilespmem:s25], [sflag:$0xD] =	stream.linear.gather [hbm4b:s13+s3], $0x400, $0x38;
	v63 =	vld [tilespmem:$0x0]  }
0x18f: {  	s12 =	sadd.s32 $0x300, s12  }
0x190: {  	[tilespmem:s28], [sflag:$0xD] =	stream.linear.gather [hbm4b:s12+s3], $0x400, $0x38;
	v63 =	vld [tilespmem:$0x0]  }
0x191: {  	_ =	swait.ge [sflag:s18], $0x1900  }
0x192: {  	[sflag:s18] =	ssyncset.done $0x0  }
0x193: {  	[sflag:s18] =	ssyncadd.s32 $0xFFFFE700  }
0x194: {  	_ =	swait.ge [sflag:s26], $0x1C00  }
0x195: {  	[sflag:s26] =	ssyncset.done $0x0  }
0x196: {  	s12 =	simm.s32 @!p0 $0x16;
	[sflag:s26] =	ssyncadd.s32 $0xFFFFE400  }
0x197: {  	[hbm4b:s16+s3] =	stream.linear.scatter [tilespmem:s17], [sflag:$0x11], $0x3800, $0x38;
	v63 =	vld [tilespmem:$0x0]  }
0x198: {  	_ =	swait.ge @!p0 [sflag:s12], $0x3800  }
0x199: {  	[sflag:s12] =	ssyncset.done @!p0 $0x0  }
0x19a: {  	[sflag:s12] =	ssyncadd.s32 @!p0 $0xFFFFC800  }
0x19b: {  	v3 =	vld [tilespmem:s14+$0xFFFFFED0];
	_ =	sdelay $0x4  }
0x19c: {  	v54 =	vperm.xlane v3, v0;
	_ =	sdelay $0x1  }
0x19d: {  	v3 =	vperm.xlane v3, v2;
	v4 =	vadd.s32 v1, v54;
	_ =	sdelay $0x1  }
0x19e: {  	s13 =	sld [smem:$0x7CE];
	v3 =	vadd.s32 v1, v3;
	_ =	sdelay $0x1  }
0x19f: {  	s25 =	sld [smem:$0x7CF]  }
0x1a0: {  	[tilespmem:s13], [sflag:$0x6] =	stream.indirect_vreg.gather [hbm4b:s2+s3], $0x80, v4, vm0, $0xb8;
	v63 =	vld [tilespmem:$0x0]  }
0x1a1: {  	_ = 	snop  }
0x1a2: {  	[tilespmem:s25], [sflag:$0x6] =	stream.indirect_vreg.gather [hbm4b:s2+s3], $0x80, v3, vm0, $0xb8;
	v63 =	vld [tilespmem:$0x0]  }
0x1a3: {  	v3 =	vld [tilespmem:s14+$0xFFFFFEE0];
	_ =	sdelay $0x4  }
0x1a4: {  	v55 =	vperm.xlane v3, v0;
	_ =	sdelay $0x1  }
0x1a5: {  	v3 =	vperm.xlane v3, v2;
	v4 =	vadd.s32 v1, v55;
	_ =	sdelay $0x1  }
0x1a6: {  	s13 =	sld [smem:$0x7D0];
	v3 =	vadd.s32 v1, v3;
	_ =	sdelay $0x1  }
0x1a7: {  	s25 =	sld [smem:$0x7D1]  }
0x1a8: {  	[tilespmem:s13], [sflag:$0x6] =	stream.indirect_vreg.gather [hbm4b:s2+s3], $0x80, v4, vm0, $0xb8;
	v63 =	vld [tilespmem:$0x0]  }
0x1a9: {  	_ = 	snop  }
0x1aa: {  	[tilespmem:s25], [sflag:$0x6] =	stream.indirect_vreg.gather [hbm4b:s2+s3], $0x80, v3, vm0, $0xb8;
	v63 =	vld [tilespmem:$0x0]  }
0x1ab: {  	v3 =	vld [tilespmem:s14+$0xFFFFFEF0];
	_ =	sdelay $0x4  }
0x1ac: {  	v56 =	vperm.xlane v3, v0;
	_ =	sdelay $0x1  }
0x1ad: {  	v3 =	vperm.xlane v3, v2;
	v4 =	vadd.s32 v1, v56;
	_ =	sdelay $0x1  }
0x1ae: {  	s13 =	sld [smem:$0x7D2];
	v3 =	vadd.s32 v1, v3;
	_ =	sdelay $0x1  }
0x1af: {  	s25 =	sld [smem:$0x7D3]  }
0x1b0: {  	[tilespmem:s13], [sflag:$0x6] =	stream.indirect_vreg.gather [hbm4b:s2+s3], $0x80, v4, vm0, $0xb8;
	v63 =	vld [tilespmem:$0x0]  }
0x1b1: {  	_ = 	snop  }
0x1b2: {  	[tilespmem:s25], [sflag:$0x6] =	stream.indirect_vreg.gather [hbm4b:s2+s3], $0x80, v3, vm0, $0xb8;
	v63 =	vld [tilespmem:$0x0]  }
0x1b3: {  	v3 =	vld.msk [tilespmem:s14+$0xFFFFFF00], $0x3;
	_ =	sdelay $0x4  }
0x1b4: {  	v3 =	vperm.xlane v3, v0;
	_ =	sdelay $0x1  }
0x1b5: {  	v3 =	vadd.s32 v1, v3;
	_ =	sdelay $0x1  }
0x1b6: {  	s13 =	sld [smem:$0x7D4];
	_ =	sdelay $0x2  }
0x1b7: {  	[tilespmem:s13], [sflag:$0x6] =	stream.indirect_vreg.gather [hbm4b:s2+s3], $0x80, v3, vm1, $0xb8;
	v63 =	vld [tilespmem:$0x0]  }
0x1b8: {  	s28 =	simm.s32 $0x15800;
	s25 =	sadd.s32 $0x1180, s15;
	s13 =	sld [smem:$0x7D5]  }
0x1b9: {  	[tilespmem:s28], [sflag:$0xE] =	stream.linear.gather [hbm4b:s25+s3], $0x400, $0x38;
	v63 =	vld [tilespmem:$0x0]  }
0x1ba: {  	s12 =	sadd.s32 $0x1200, s15;
	s25 =	sld [smem:$0x7D6]  }
0x1bb: {  	[tilespmem:s13], [sflag:$0xE] =	stream.linear.gather [hbm4b:s12+s3], $0x400, $0x38;
	v63 =	vld [tilespmem:$0x0]  }
0x1bc: {  	s12 =	sadd.s32 $0x1280, s15;
	s13 =	sld [smem:$0x7D7]  }
0x1bd: {  	[tilespmem:s25], [sflag:$0xE] =	stream.linear.gather [hbm4b:s12+s3], $0x400, $0x38;
	v63 =	vld [tilespmem:$0x0]  }
0x1be: {  	s12 =	sadd.s32 $0x1300, s15;
	s25 =	sld [smem:$0x7D8]  }
0x1bf: {  	[tilespmem:s13], [sflag:$0xE] =	stream.linear.gather [hbm4b:s12+s3], $0x400, $0x38;
	v63 =	vld [tilespmem:$0x0]  }
0x1c0: {  	s12 =	sadd.s32 $0x1380, s15;
	s13 =	sld [smem:$0x7DA]  }
0x1c1: {  	[tilespmem:s25], [sflag:$0xE] =	stream.linear.gather [hbm4b:s12+s3], $0x400, $0x38;
	v63 =	vld [tilespmem:$0x0]  }
0x1c2: {  	s12 =	sadd.s32 $0x1400, s15;
	s25 =	sld [smem:$0x7DB]  }
0x1c3: {  	[tilespmem:s13], [sflag:$0xE] =	stream.linear.gather [hbm4b:s12+s3], $0x400, $0x38;
	v63 =	vld [tilespmem:$0x0]  }
0x1c4: {  	s13 =	sadd.s32 $0x1480, s15  }
0x1c5: {  	[tilespmem:s25], [sflag:$0xE] =	stream.linear.gather [hbm4b:s13+s3], $0x400, $0x38;
	v63 =	vld [tilespmem:$0x0]  }
0x1c6: {  	_ =	swait.ge [sflag:s20], $0x1900  }
0x1c7: {  	[sflag:s20] =	ssyncset.done $0x0  }
0x1c8: {  	[sflag:s20] =	ssyncadd.s32 $0xFFFFE700  }
0x1c9: {  	s9 =	smul.u32 $0x700, s9;
	_ =	swait.ge [sflag:s29], $0x1C00  }
0x1ca: {  	[sflag:s29] =	ssyncset.done $0x0  }
0x1cb: {  	s9 =	sadd.s32 s6, s9;
	[sflag:s29] =	ssyncadd.s32 $0xFFFFE400  }
0x1cc: {  	[hbm4b:s9+s3] =	stream.linear.scatter [tilespmem:s19], [sflag:$0x12], $0x3800, $0x38;
	v63 =	vld [tilespmem:$0x0]  }
0x1cd: {  	s9 =	simm.s32 @!p0 $0x17  }
0x1ce: {  	_ =	swait.ge @!p0 [sflag:s9], $0x3800  }
0x1cf: {  	[sflag:s9] =	ssyncset.done @!p0 $0x0  }
0x1d0: {  	[sflag:s9] =	ssyncadd.s32 @!p0 $0xFFFFC800  }
0x1d1: {  	v3 =	vld [tilespmem:s14+$0xFFFFFF50];
	_ =	sdelay $0x4  }
0x1d2: {  	v57 =	vperm.xlane v3, v0;
	_ =	sdelay $0x1  }
0x1d3: {  	v3 =	vperm.xlane v3, v2;
	v4 =	vadd.s32 v1, v57;
	_ =	sdelay $0x1  }
0x1d4: {  	s12 =	sld [smem:$0x7DC];
	v3 =	vadd.s32 v1, v3;
	_ =	sdelay $0x1  }
0x1d5: {  	s13 =	sld [smem:$0x7DE]  }
0x1d6: {  	[tilespmem:s12], [sflag:$0x7] =	stream.indirect_vreg.gather [hbm4b:s2+s3], $0x80, v4, vm0, $0xb8;
	v63 =	vld [tilespmem:$0x0]  }
0x1d7: {  	_ = 	snop  }
0x1d8: {  	[tilespmem:s13], [sflag:$0x7] =	stream.indirect_vreg.gather [hbm4b:s2+s3], $0x80, v3, vm0, $0xb8;
	v63 =	vld [tilespmem:$0x0]  }
0x1d9: {  	v3 =	vld [tilespmem:s14+$0xFFFFFF60];
	_ =	sdelay $0x4  }
0x1da: {  	v58 =	vperm.xlane v3, v0;
	_ =	sdelay $0x1  }
0x1db: {  	v3 =	vperm.xlane v3, v2;
	v4 =	vadd.s32 v1, v58;
	_ =	sdelay $0x1  }
0x1dc: {  	s12 =	sld [smem:$0x7E0];
	v3 =	vadd.s32 v1, v3;
	_ =	sdelay $0x1  }
0x1dd: {  	s13 =	sld [smem:$0x7E2]  }
0x1de: {  	[tilespmem:s12], [sflag:$0x7] =	stream.indirect_vreg.gather [hbm4b:s2+s3], $0x80, v4, vm0, $0xb8;
	v63 =	vld [tilespmem:$0x0]  }
0x1df: {  	_ = 	snop  }
0x1e0: {  	[tilespmem:s13], [sflag:$0x7] =	stream.indirect_vreg.gather [hbm4b:s2+s3], $0x80, v3, vm0, $0xb8;
	v63 =	vld [tilespmem:$0x0]  }
0x1e1: {  	v3 =	vld [tilespmem:s14+$0xFFFFFF70];
	_ =	sdelay $0x4  }
0x1e2: {  	v59 =	vperm.xlane v3, v0;
	_ =	sdelay $0x1  }
0x1e3: {  	v3 =	vperm.xlane v3, v2;
	v4 =	vadd.s32 v1, v59;
	_ =	sdelay $0x1  }
0x1e4: {  	s12 =	sld [smem:$0x7E4];
	v3 =	vadd.s32 v1, v3;
	_ =	sdelay $0x1  }
0x1e5: {  	s13 =	sld [smem:$0x7E5]  }
0x1e6: {  	[tilespmem:s12], [sflag:$0x7] =	stream.indirect_vreg.gather [hbm4b:s2+s3], $0x80, v4, vm0, $0xb8;
	v63 =	vld [tilespmem:$0x0]  }
0x1e7: {  	_ = 	snop  }
0x1e8: {  	[tilespmem:s13], [sflag:$0x7] =	stream.indirect_vreg.gather [hbm4b:s2+s3], $0x80, v3, vm0, $0xb8;
	v63 =	vld [tilespmem:$0x0]  }
0x1e9: {  	v3 =	vld.msk [tilespmem:s14+$0xFFFFFF80], $0x3;
	_ =	sdelay $0x4  }
0x1ea: {  	v3 =	vperm.xlane v3, v0;
	_ =	sdelay $0x1  }
0x1eb: {  	v3 =	vadd.s32 v1, v3;
	_ =	sdelay $0x1  }
0x1ec: {  	s12 =	sld [smem:$0x7E6];
	_ =	sdelay $0x2  }
0x1ed: {  	[tilespmem:s12], [sflag:$0x7] =	stream.indirect_vreg.gather [hbm4b:s2+s3], $0x80, v3, vm1, $0xb8;
	v63 =	vld [tilespmem:$0x0]  }
0x1ee: {  	s25 =	simm.s32 $0x19000;
	s13 =	sadd.s32 $0x1500, s15;
	s12 =	sld [smem:$0x7E8]  }
0x1ef: {  	[tilespmem:s25], [sflag:$0xF] =	stream.linear.gather [hbm4b:s13+s3], $0x400, $0x38;
	v63 =	vld [tilespmem:$0x0]  }
0x1f0: {  	s9 =	sadd.s32 $0x1580, s15;
	s13 =	sld [smem:$0x7EA]  }
0x1f1: {  	[tilespmem:s12], [sflag:$0xF] =	stream.linear.gather [hbm4b:s9+s3], $0x400, $0x38;
	v63 =	vld [tilespmem:$0x0]  }
0x1f2: {  	s9 =	sadd.s32 $0x1600, s15;
	s12 =	sld [smem:$0x7EB]  }
0x1f3: {  	[tilespmem:s13], [sflag:$0xF] =	stream.linear.gather [hbm4b:s9+s3], $0x400, $0x38;
	v63 =	vld [tilespmem:$0x0]  }
0x1f4: {  	s9 =	sadd.s32 $0x1680, s15;
	s13 =	sld [smem:$0x7EC]  }
0x1f5: {  	[tilespmem:s12], [sflag:$0xF] =	stream.linear.gather [hbm4b:s9+s3], $0x400, $0x38;
	v63 =	vld [tilespmem:$0x0]  }
0x1f6: {  	s9 =	sadd.s32 $0x1700, s15;
	s12 =	sld [smem:$0x7ED]  }
0x1f7: {  	[tilespmem:s13], [sflag:$0xF] =	stream.linear.gather [hbm4b:s9+s3], $0x400, $0x38;
	v63 =	vld [tilespmem:$0x0]  }
0x1f8: {  	s9 =	sadd.s32 $0x1780, s15;
	s13 =	sld [smem:$0x7EF]  }
0x1f9: {  	[tilespmem:s12], [sflag:$0xF] =	stream.linear.gather [hbm4b:s9+s3], $0x400, $0x38;
	v63 =	vld [tilespmem:$0x0]  }
0x1fa: {  	s12 =	sadd.s32 $0x1800, s15  }
0x1fb: {  	[tilespmem:s13], [sflag:$0xF] =	stream.linear.gather [hbm4b:s12+s3], $0x400, $0x38;
	v63 =	vld [tilespmem:$0x0]  }
0x1fc: {  	_ =	swait.ge [sflag:s22], $0x1900  }
0x1fd: {  	[sflag:s22] =	ssyncset.done $0x0  }
0x1fe: {  	[sflag:s22] =	ssyncadd.s32 $0xFFFFE700  }
0x1ff: {  	s10 =	smul.u32 $0x700, s10;
	_ =	swait.ge [sflag:s31], $0x1C00  }
0x200: {  	[sflag:s31] =	ssyncset.done $0x0  }
0x201: {  	s9 =	sadd.s32 s6, s10;
	[sflag:s31] =	ssyncadd.s32 $0xFFFFE400  }
0x202: {  	[hbm4b:s9+s3] =	stream.linear.scatter [tilespmem:s21], [sflag:$0x13], $0x3800, $0x38;
	v63 =	vld [tilespmem:$0x0]  }
0x203: {  	s9 =	simm.s32 @!p0 $0x18  }
0x204: {  	_ =	swait.ge @!p0 [sflag:s9], $0x3800  }
0x205: {  	[sflag:s9] =	ssyncset.done @!p0 $0x0  }
0x206: {  	[sflag:s9] =	ssyncadd.s32 @!p0 $0xFFFFC800  }
0x207: {  	v3 =	vld [tilespmem:s14+$0xFFFFFFD0];
	_ =	sdelay $0x4  }
0x208: {  	v60 =	vperm.xlane v3, v0;
	_ =	sdelay $0x1  }
0x209: {  	v3 =	vperm.xlane v3, v2;
	v4 =	vadd.s32 v1, v60;
	_ =	sdelay $0x1  }
0x20a: {  	s12 =	sld [smem:$0x7F0];
	v3 =	vadd.s32 v1, v3;
	_ =	sdelay $0x1  }
0x20b: {  	s13 =	sld [smem:$0x7F1]  }
0x20c: {  	[tilespmem:s12], [sflag:$0x8] =	stream.indirect_vreg.gather [hbm4b:s2+s3], $0x80, v4, vm0, $0xb8;
	v63 =	vld [tilespmem:$0x0]  }
0x20d: {  	_ = 	snop  }
0x20e: {  	[tilespmem:s13], [sflag:$0x8] =	stream.indirect_vreg.gather [hbm4b:s2+s3], $0x80, v3, vm0, $0xb8;
	v63 =	vld [tilespmem:$0x0]  }
0x20f: {  	v3 =	vld [tilespmem:s14+$0xFFFFFFE0];
	_ =	sdelay $0x4  }
0x210: {  	v61 =	vperm.xlane v3, v0;
	_ =	sdelay $0x1  }
0x211: {  	v3 =	vperm.xlane v3, v2;
	v4 =	vadd.s32 v1, v61;
	_ =	sdelay $0x1  }
0x212: {  	s12 =	sld [smem:$0x7F2];
	v3 =	vadd.s32 v1, v3;
	_ =	sdelay $0x1  }
0x213: {  	s13 =	sld [smem:$0x7F4]  }
0x214: {  	[tilespmem:s12], [sflag:$0x8] =	stream.indirect_vreg.gather [hbm4b:s2+s3], $0x80, v4, vm0, $0xb8;
	v63 =	vld [tilespmem:$0x0]  }
0x215: {  	_ = 	snop  }
0x216: {  	[tilespmem:s13], [sflag:$0x8] =	stream.indirect_vreg.gather [hbm4b:s2+s3], $0x80, v3, vm0, $0xb8;
	v63 =	vld [tilespmem:$0x0]  }
0x217: {  	v3 =	vld [tilespmem:s14+$0xFFFFFFF0];
	_ =	sdelay $0x4  }
0x218: {  	v62 =	vperm.xlane v3, v0;
	_ =	sdelay $0x1  }
0x219: {  	v3 =	vperm.xlane v3, v2;
	v4 =	vadd.s32 v1, v62;
	_ =	sdelay $0x1  }
0x21a: {  	s12 =	sld [smem:$0x7F5];
	v3 =	vadd.s32 v1, v3;
	_ =	sdelay $0x1  }
0x21b: {  	s13 =	sld [smem:$0x7F6]  }
0x21c: {  	[tilespmem:s12], [sflag:$0x8] =	stream.indirect_vreg.gather [hbm4b:s2+s3], $0x80, v4, vm0, $0xb8;
	v63 =	vld [tilespmem:$0x0]  }
0x21d: {  	_ = 	snop  }
0x21e: {  	[tilespmem:s13], [sflag:$0x8] =	stream.indirect_vreg.gather [hbm4b:s2+s3], $0x80, v3, vm0, $0xb8;
	v63 =	vld [tilespmem:$0x0]  }
0x21f: {  	v3 =	vld.msk [tilespmem:s14+$0x0], $0x3;
	_ =	sdelay $0x4  }
0x220: {  	v3 =	vperm.xlane v3, v0;
	_ =	sdelay $0x1  }
0x221: {  	v3 =	vadd.s32 v1, v3;
	_ =	sdelay $0x1  }
0x222: {  	s10 =	sld [smem:$0x7F7];
	_ =	sdelay $0x2  }
0x223: {  	[tilespmem:s10], [sflag:$0x8] =	stream.indirect_vreg.gather [hbm4b:s2+s3], $0x80, v3, vm1, $0xb8;
	v63 =	vld [tilespmem:$0x0]  }
0x224: {  	s12 =	sadd.s32 $0x1880, s15;
	s10 =	sld [smem:$0x7F8]  }
0x225: {  	[tilespmem:s0], [sflag:$0x10] =	stream.linear.gather [hbm4b:s12+s3], $0x400, $0x38;
	v63 =	vld [tilespmem:$0x0]  }
0x226: {  	s13 =	sadd.s32 $0x1900, s15;
	s12 =	sld [smem:$0x7F9]  }
0x227: {  	[tilespmem:s10], [sflag:$0x10] =	stream.linear.gather [hbm4b:s13+s3], $0x400, $0x38;
	v63 =	vld [tilespmem:$0x0]  }
0x228: {  	s13 =	sadd.s32 $0x1980, s15;
	s10 =	sld [smem:$0x7FA]  }
0x229: {  	[tilespmem:s12], [sflag:$0x10] =	stream.linear.gather [hbm4b:s13+s3], $0x400, $0x38;
	v63 =	vld [tilespmem:$0x0]  }
0x22a: {  	s13 =	sadd.s32 $0x1A00, s15;
	s12 =	sld [smem:$0x7FB]  }
0x22b: {  	[tilespmem:s10], [sflag:$0x10] =	stream.linear.gather [hbm4b:s13+s3], $0x400, $0x38;
	v63 =	vld [tilespmem:$0x0]  }
0x22c: {  	s13 =	sadd.s32 $0x1A80, s15;
	s10 =	sld [smem:$0x7FC]  }
0x22d: {  	[tilespmem:s12], [sflag:$0x10] =	stream.linear.gather [hbm4b:s13+s3], $0x400, $0x38;
	v63 =	vld [tilespmem:$0x0]  }
0x22e: {  	s12 =	sadd.s32 $0x1B00, s15;
	s13 =	sld [smem:$0x7FD]  }
0x22f: {  	[tilespmem:s10], [sflag:$0x10] =	stream.linear.gather [hbm4b:s12+s3], $0x400, $0x38;
	v63 =	vld [tilespmem:$0x0]  }
0x230: {  	s10 =	sadd.s32 $0x1B80, s15  }
0x231: {  	[tilespmem:s13], [sflag:$0x10] =	stream.linear.gather [hbm4b:s10+s3], $0x400, $0x38;
	v63 =	vld [tilespmem:$0x0]  }
0x232: {  	s8 =	sadd.s32 $0x8, s8;
	_ =	swait.ge [sflag:s24], $0x1900  }
0x233: {  	p0 =	sne.s32 s8, $0x84;
	[sflag:s24] =	ssyncset.done $0x0  }
.Ltmp0:
0x234: {  	[sflag:s24] =	ssyncadd.s32 $0xFFFFE700;
	(pc) =	sbr.rel @p0 .LBB2_2-.Ltmp0, $4  }
0x235: {  	s7 =	sadd.s32 $0x1C000, s7;
	s13 =	smul.u32 $0x700, s11;
	_ =	swait.ge [sflag:s4], $0x1C00  }
0x236: {  	s16 =	sadd.s32 $0x3800, s16;
	s14 =	sadd.s32 $0x400, s14;
	[sflag:s4] =	ssyncset.done $0x0  }
0x237: {  	s15 =	sadd.s32 $0x1C00, s15;
	s9 =	sadd.s32 s6, s13;
	[sflag:s4] =	ssyncadd.s32 $0xFFFFE400  }
0x238: {  	[hbm4b:s9+s3] =	stream.linear.scatter [tilespmem:s23], [sflag:$0x14], $0x3800, $0x38;
	v63 =	vld [tilespmem:$0x0]  }
0x239: {  	s7 =	simm.s32 $0x5  }
0x23a: {  	_ =	swait.ge [sflag:s7], $0x1900  }
0x23b: {  	[sflag:s7] =	ssyncset.done $0x0  }
0x23c: {  	s12 =	simm.s32 $0xD;
	[sflag:s7] =	ssyncadd.s32 $0xFFFFE700  }
0x23d: {  	_ =	swait.ge [sflag:s12], $0x1C00  }
0x23e: {  	s13 =	sld [smem:$0x7DD]  }
0x23f: {  	[sflag:s12] =	ssyncset.done $0x0  }
0x240: {  	s14 =	simm.s32 $0x6;
	[sflag:s12] =	ssyncadd.s32 $0xFFFFE400  }
0x241: {  	[hbm4b:s13+s3] =	stream.linear.scatter [tilespmem:s30], [sflag:$0x15], $0x3800, $0x38;
	v63 =	vld [tilespmem:$0x0]  }
0x242: {  	_ =	swait.ge [sflag:s14], $0x1900  }
0x243: {  	[sflag:s14] =	ssyncset.done $0x0  }
0x244: {  	s15 =	simm.s32 $0xE;
	[sflag:s14] =	ssyncadd.s32 $0xFFFFE700  }
0x245: {  	_ =	swait.ge [sflag:s15], $0x1C00  }
0x246: {  	s16 =	sld [smem:$0x7DF]  }
0x247: {  	[sflag:s15] =	ssyncset.done $0x0  }
0x248: {  	[sflag:s15] =	ssyncadd.s32 $0xFFFFE400  }
0x249: {  	[hbm4b:s16+s3] =	stream.linear.scatter [tilespmem:s28], [sflag:$0x16], $0x3800, $0x38;
	v63 =	vld [tilespmem:$0x0]  }
0x24a: {  	s28 =	simm.s32 $0x7  }
0x24b: {  	_ =	swait.ge [sflag:s28], $0x1900  }
0x24c: {  	[sflag:s28] =	ssyncset.done $0x0  }
0x24d: {  	s30 =	simm.s32 $0xF;
	[sflag:s28] =	ssyncadd.s32 $0xFFFFE700  }
0x24e: {  	_ =	swait.ge [sflag:s30], $0x1C00  }
0x24f: {  	s8 =	sld [smem:$0x7E1]  }
0x250: {  	[sflag:s30] =	ssyncset.done $0x0  }
0x251: {  	s9 =	simm.s32 $0x8;
	[sflag:s30] =	ssyncadd.s32 $0xFFFFE400  }
0x252: {  	[hbm4b:s8+s3] =	stream.linear.scatter [tilespmem:s25], [sflag:$0x17], $0x3800, $0x38;
	v63 =	vld [tilespmem:$0x0]  }
0x253: {  	_ =	swait.ge [sflag:s9], $0x1900  }
0x254: {  	[sflag:s9] =	ssyncset.done $0x0  }
0x255: {  	s10 =	simm.s32 $0x10;
	[sflag:s9] =	ssyncadd.s32 $0xFFFFE700  }
0x256: {  	_ =	swait.ge [sflag:s10], $0x1C00  }
0x257: {  	s11 =	sld [smem:$0x7E3]  }
0x258: {  	[sflag:s10] =	ssyncset.done $0x0  }
0x259: {  	s12 =	simm.s32 $0x11;
	[sflag:s10] =	ssyncadd.s32 $0xFFFFE400  }
0x25a: {  	[hbm4b:s11+s3] =	stream.linear.scatter [tilespmem:s0], [sflag:$0x18], $0x3800, $0x38;
	v63 =	vld [tilespmem:$0x0]  }
0x25b: {  	_ =	swait.ge [sflag:s12], $0x3800  }
0x25c: {  	[sflag:s12] =	ssyncset.done $0x0  }
0x25d: {  	s13 =	simm.s32 $0x12;
	[sflag:s12] =	ssyncadd.s32 $0xFFFFC800  }
0x25e: {  	_ =	swait.ge [sflag:s13], $0x3800  }
0x25f: {  	[sflag:s13] =	ssyncset.done $0x0  }
0x260: {  	s14 =	simm.s32 $0x13;
	[sflag:s13] =	ssyncadd.s32 $0xFFFFC800  }
0x261: {  	_ =	swait.ge [sflag:s14], $0x3800  }
0x262: {  	[sflag:s14] =	ssyncset.done $0x0  }
0x263: {  	s15 =	simm.s32 $0x14;
	[sflag:s14] =	ssyncadd.s32 $0xFFFFC800  }
0x264: {  	_ =	swait.ge [sflag:s15], $0x3800  }
0x265: {  	[sflag:s15] =	ssyncset.done $0x0  }
0x266: {  	s16 =	simm.s32 $0x15;
	[sflag:s15] =	ssyncadd.s32 $0xFFFFC800  }
0x267: {  	_ =	swait.ge [sflag:s16], $0x3800  }
0x268: {  	[sflag:s16] =	ssyncset.done $0x0  }
0x269: {  	s25 =	simm.s32 $0x16;
	[sflag:s16] =	ssyncadd.s32 $0xFFFFC800  }
0x26a: {  	_ =	swait.ge [sflag:s25], $0x3800  }
0x26b: {  	[sflag:s25] =	ssyncset.done $0x0  }
0x26c: {  	s28 =	simm.s32 $0x17;
	[sflag:s25] =	ssyncadd.s32 $0xFFFFC800  }
0x26d: {  	_ =	swait.ge [sflag:s28], $0x3800  }
0x26e: {  	[sflag:s28] =	ssyncset.done $0x0  }
0x26f: {  	s8 =	simm.s32 $0x18;
	[sflag:s28] =	ssyncadd.s32 $0xFFFFC800  }
0x270: {  	_ =	swait.ge [sflag:s8], $0x3800  }
0x271: {  	s9 =	sld [smem:$0x7A8]  }
0x272: {  	s30 =	sld [smem:$0x7E7];
	_ =	sdelay $0x1  }
0x273: {  	s9 =	sadd.s32 $0x1, s9  }
0x274: {  	p0 =	sne.s32 s9, s30  }
.Ltmp1:
0x275: {  	_ = 	snop;
	(pc) =	sbr.rel @p0 .LBB2_1-.Ltmp1, $3  }
0x276: {  	_ =	sdelay $0x1  }
0x277: {  	[sflag:s8] =	ssyncset.done $0x0  }
0x278: {  	[sflag:s8] =	ssyncadd.s32 $0xFFFFC800  }
0x279: {  	_ =	sfence.sel $0x180000  }
0x27a: {  	[bflag:$0x0] =	sbarrier.arrive $0xFFFF  }
0x27b: {  	_ =	strace $0x90000047  }
0x27c: {  	s0 =	stileid.u32;
	[bflag:$0x2] =	sbarrier.arrive $0xFFFF  }
0x27d: {  	p0 =	sne.s32 s0, $0x0;
	s0 =	rddreg [dreg:$0x3]  }
0x27e: {  	s0 =	sadd.s32 @!p0 $0x100000, s0  }
0x27f: {  	[sflag:s0] =	ssyncadd.tile.s32 @!p0 $0x1;
	_ =	shalt  }
.Lfunc_end2:
_tile_overlayer_lowered:
.L_overlay_start_2:
0x280: {  	(tag) =	ssettag $0x2  }
0x281: {  	s0 =	rddreg [dreg:$0x0];
	s2 =	stileid.u32  }
0x282: {  	s1 =	rddreg [dreg:$0x1];
	p0 =	sne.s32 s2, $0x0  }
0x283: {  	s3 =	rddreg [dreg:$0x2];
	[bflag:$0x3] =	sbarrier.arrive $0xFFFF;
	s2 =	simm.s32 @!p0 $0x1C19  }
0x284: {  	[timem:s3], [sflag:s2] =	dma.local @!p0 [hbm:s0], s1  }
0x285: {  	s0 =	simm.s32 @!p0 $0x19  }
0x286: {  	_ =	swait.ge @!p0 [sflag:s0], s1  }
0x287: {  	s1 =	ssub.s32 @!p0 $0x0, s1;
	[sflag:s0] =	ssyncset.done @!p0 $0x0  }
0x288: {  	[sflag:s0] =	ssyncadd.s32 @!p0 s1  }
0x289: {  	[bflag:$0x3] =	sbarrier.arrive $0xFFFF  }
0x28a: {  	_ =	shalt  }

</sc_bundles>
